<compile_context>
chip_gen: v7x
topology: tpu7x:2x2x1
jax: 0.10.2.dev20260603
libtpu: 0.0.44.dev20260713+nightly
codegen_flags: <defaults>
</compile_context>

<pallas_src>
import functools

import jax
import jax.numpy as jnp
from jax import lax
from jax.experimental import pallas as pl
from jax.experimental.pallas import tpu as pltpu
from jax.experimental.pallas import tpu_sc as plsc

_M, _B, _D = 524288, 131072, 64
_H1, _H2, _NCLS = 128, 64, 3


def _head_t_body(xt_ref, w1_ref, w2_ref, b2_ref, w3_ref, b3t_ref, o0_ref, o1_ref, o2_ref):
    xt = xt_ref[...].astype(jnp.bfloat16)
    h = jnp.maximum(
        lax.dot_general(
            xt,
            w1_ref[...].astype(jnp.bfloat16),
            (((0,), (0,)), ((), ())),
            preferred_element_type=jnp.float32,
        ),
        0.0,
    ).astype(jnp.bfloat16)
    h = jnp.maximum(
        jnp.dot(h, w2_ref[...].astype(jnp.bfloat16), preferred_element_type=jnp.float32)
        + b2_ref[...],
        0.0,
    )
    ot = lax.dot_general(
        w3_ref[...], h, (((0,), (1,)), ((), ())), preferred_element_type=jnp.float32
    )
    ot = jnp.tanh(ot + b3t_ref[...])
    o0_ref[...] = ot[0]
    o1_ref[...] = ot[1]
    o2_ref[...] = ot[2]


def _head_t(xt, W1, W2, b2, W3, b3, bm):
    n = xt.shape[1]
    return pl.pallas_call(
        _head_t_body,
        grid=(n // bm,),
        in_specs=[
            pl.BlockSpec((_D, bm), lambda i: (0, i)),
            pl.BlockSpec((_D, _H1), lambda i: (0, 0)),
            pl.BlockSpec((_H1, _H2), lambda i: (0, 0)),
            pl.BlockSpec((1, _H2), lambda i: (0, 0)),
            pl.BlockSpec((_H2, _NCLS), lambda i: (0, 0)),
            pl.BlockSpec((_NCLS, 1), lambda i: (0, 0)),
        ],
        out_specs=[pl.BlockSpec((bm,), lambda i: (i,)) for _ in range(_NCLS)],
        out_shape=[jax.ShapeDtypeStruct((n,), jnp.float32) for _ in range(_NCLS)],
    )(xt, W1, W2, b2.reshape(1, _H2), W3, b3.reshape(_NCLS, 1))


_PLANE_PART = _M // 16
_SC_CHUNK = 8192
_N_SC_CHUNKS = _B // _SC_CHUNK
_FILL = 8192
_PLANE_OWNERS = ((0, 0), (0, 1), (1, 0))


def _scatter_sc(vh, idx):
    mesh = plsc.VectorSubcoreMesh(core_axis_name="c", subcore_axis_name="s")

    @functools.partial(
        pl.kernel,
        out_type=[jax.ShapeDtypeStruct((_M,), jnp.float32) for _ in range(_NCLS)],
        mesh=mesh,
        scratch_types=[
            pltpu.VMEM((_SC_CHUNK,), jnp.int32),
            pltpu.VMEM((_SC_CHUNK,), jnp.float32),
            pltpu.VMEM((_SC_CHUNK,), jnp.int32),
            pltpu.VMEM((_SC_CHUNK,), jnp.float32),
            pltpu.VMEM((_FILL,), jnp.float32),
            pltpu.VMEM_SHARED((_M,), jnp.float32),
            pltpu.VMEM_SHARED((_M,), jnp.float32),
            pltpu.SemaphoreType.DMA,
            pltpu.SemaphoreType.DMA,
        ],
    )
    def k(vh0, vh1, vh2, idx_hbm, q0, q1, q2, idx_a, dat_a, idx_b, dat_b,
          fill_v, sh_a, sh_b, sem_a, sem_b):
        cid = lax.axis_index("c")
        sid = lax.axis_index("s")

        def fb(i, c):
            fill_v[pl.ds(i * 16, 16)] = jnp.full((16,), jnp.nan, jnp.float32)
            return c

        lax.fori_loop(0, _FILL // 16, fb, 0)
        base = sid * _PLANE_PART
        for t in range(_PLANE_PART // _FILL):
            pltpu.sync_copy(fill_v, sh_a.at[pl.ds(base + t * _FILL, _FILL)])

        @pl.when(cid == 0)
        def _fill_b():
            for t in range(_PLANE_PART // _FILL):
                pltpu.sync_copy(fill_v, sh_b.at[pl.ds(base + t * _FILL, _FILL)])

        plsc.subcore_barrier()

        for k3 in range(_NCLS):
            c_own, s_own = _PLANE_OWNERS[k3]
            sh = (sh_a, sh_b, sh_a)[k3]
            src = (vh0, vh1, vh2)[k3]

            @pl.when(jnp.logical_and(cid == c_own, sid == s_own))
            def _scatter(sh=sh, src=src):
                bufs = ((idx_a, dat_a, sem_a), (idx_b, dat_b, sem_b))

                def start(c):
                    ib, db, sm = bufs[c % 2]
                    off = c * _SC_CHUNK
                    d1 = pltpu.async_copy(idx_hbm.at[pl.ds(off, _SC_CHUNK)], ib, sm)
                    d2 = pltpu.async_copy(src.at[pl.ds(off, _SC_CHUNK)], db, sm)
                    return d1, d2

                pend = start(0)
                for c in range(_N_SC_CHUNKS):
                    nxt = start(c + 1) if c + 1 < _N_SC_CHUNKS else None
                    pend[0].wait()
                    pend[1].wait()
                    ib, db, _ = bufs[c % 2]
                    pltpu.sync_copy(db, sh.at[ib])
                    pend = nxt

        plsc.subcore_barrier()

        @pl.when(cid == 0)
        def _out0():
            pltpu.sync_copy(sh_a.at[pl.ds(base, _PLANE_PART)], q0.at[pl.ds(base, _PLANE_PART)])
            pltpu.sync_copy(sh_b.at[pl.ds(base, _PLANE_PART)], q1.at[pl.ds(base, _PLANE_PART)])

        @pl.when(cid == 1)
        def _out1():
            pltpu.sync_copy(sh_a.at[pl.ds(base, _PLANE_PART)], q2.at[pl.ds(base, _PLANE_PART)])

    return k(vh[0], vh[1], vh[2], idx)


def kernel(mem, idx, val, W1, W2, b2, W3, b3):
    vh = _head_t(val.T, W1, W2, b2, W3, b3, bm=32768)
    q = _scatter_sc(vh, idx)
    mh = _head_t(mem.T, W1, W2, b2, W3, b3, bm=32768)
    outs = [jnp.where(jnp.isnan(qk), mk, qk) for qk, mk in zip(q, mh)]
    return jnp.stack(outs, axis=1)

# --- scband reference (transcript-rebuilt; emitter-appended) ---
"""Pipeline reference for scband-feature-extraction-7705171329304 (READ-ONLY COPY).

The authoritative reference and input builder live on the scoring server;
editing this copy changes nothing except your own understanding.
"""

import jax, jax.numpy as jnp
import numpy as np

M, B, D = 524288, 131072, 64
H1, H2, NCLS = 128, 64, 3


def setup_inputs(seed: int = 0) -> dict:
    key = jax.random.key(seed)
    ks = jax.random.split(key, 8)
    mem = jax.random.normal(ks[0], (M, D), dtype=jnp.float32)
    idx = jax.random.randint(ks[1], (B,), 0, M, dtype=jnp.int32)
    val = jax.random.normal(ks[2], (B, D), dtype=jnp.float32)
    # learned parameters of the classification head (linear0_1 no bias, linear0_2, linear0_3)
    W1 = jax.random.normal(ks[3], (D, H1), dtype=jnp.float32) * (1.0 / np.sqrt(D))
    W2 = jax.random.normal(ks[4], (H1, H2), dtype=jnp.float32) * (1.0 / np.sqrt(H1))
    b2 = jnp.zeros((H2,), dtype=jnp.float32)
    W3 = jax.random.normal(ks[5], (H2, NCLS), dtype=jnp.float32) * (1.0 / np.sqrt(H2))
    b3 = jnp.zeros((NCLS,), dtype=jnp.float32)
    return {"mem": mem, "idx": idx, "val": val, "W1": W1, "W2": W2, "b2": b2, "W3": W3, "b3": b3}


def reference(mem, idx, val, W1, W2, b2, W3, b3):
    # scatter-overwrite of fresh decoder features into the dense point buffer
    # (torch: x_dense.view(...)[layer_idx, :, :] = x  ->  in-place row writes)
    mem_updated = mem.at[idx].set(val)
    # head: x = relu(linear0_1(x)); x = relu(linear0_2(x)); x_out = tanh(linear0_3(x))
    h = jax.nn.relu(mem_updated @ W1)
    h = jax.nn.relu(h @ W2 + b2)
    x_out = jnp.tanh(h @ W3 + b3)
    return x_out

if __name__ == "__main__":
    import jax
    _d = setup_inputs()
    print(jax.jit(kernel)(*tuple(_d.values())))

</pallas_src>

<mosaic_0001>
#map = affine_map<(d0, d1) -> (0)>
module attributes {stable_mosaic.version = 14 : i64} {
  func.func @k(%arg0: i32, %arg1: i32, %arg2: memref<131072xf32, #tpu.memory_space<hbm>>, %arg3: memref<131072xf32, #tpu.memory_space<hbm>>, %arg4: memref<131072xf32, #tpu.memory_space<hbm>>, %arg5: memref<131072xi32, #tpu.memory_space<hbm>>, %arg6: memref<524288xf32, #tpu.memory_space<hbm>>, %arg7: memref<524288xf32, #tpu.memory_space<hbm>>, %arg8: memref<524288xf32, #tpu.memory_space<hbm>>, %arg9: memref<8192xi32, #tpu.memory_space<vmem>>, %arg10: memref<8192xf32, #tpu.memory_space<vmem>>, %arg11: memref<8192xi32, #tpu.memory_space<vmem>>, %arg12: memref<8192xf32, #tpu.memory_space<vmem>>, %arg13: memref<8192xf32, #tpu.memory_space<vmem>>, %arg14: memref<524288xf32, #tpu.memory_space<vmem_shared>>, %arg15: memref<524288xf32, #tpu.memory_space<vmem_shared>>, %arg16: memref<!tpu.dma_semaphore, #tpu.memory_space<semaphore_mem>>, %arg17: memref<!tpu.dma_semaphore, #tpu.memory_space<semaphore_mem>>) attributes {dimension_semantics = [#tpu.dimension_semantics<core_parallel>, #tpu.dimension_semantics<subcore_parallel>], iteration_bounds = array<i64: 2, 16>, scalar_prefetch = 0 : i64, scratch_operands = 9 : i64, tpu.core_type = #tpu.core_type<sc_vector_subcore>, window_params = [{transform_indices = #map}, {transform_indices = #map}, {transform_indices = #map}, {transform_indices = #map}, {transform_indices = #map}, {transform_indices = #map}, {transform_indices = #map}]} {
    %scan3A = arith.constant 0 : i32
    %scan3A_0 = arith.constant 0 : i32
    %scan3A_1 = arith.constant 512 : i32
    %scan3A_2 = arith.addi %scan3A_0, %scan3A_1 : i32
    %scan3A_3 = arith.constant 1 : i32
    scf.for %scan3A_49 = %scan3A_0 to %scan3A_2 step %scan3A_3  : i32 {
      %broadcast_in_dim3A = arith.constant 0x7FC00000 : f32
      %broadcast_in_dim3A_50 = vector.broadcast %broadcast_in_dim3A : f32 to vector<16xf32>
      %mul3A_51 = arith.constant 16 : i32
      %mul3A_52 = arith.muli %scan3A_49, %mul3A_51 : i32
      %swap3A = arith.index_cast %mul3A_52 : i32 to index
      %swap3A_53 = tpu.vector_load %arg13[%swap3A] {strides = array<i32>} : memref<8192xf32, #tpu.memory_space<vmem>>, vector<16xf32>,
      %swap3A_54 = vector.shape_cast %swap3A_53 : vector<16xf32> to vector<16xf32>
      %swap3A_55 = vector.shape_cast %broadcast_in_dim3A_50 : vector<16xf32> to vector<16xf32>
      tpu.vector_store %arg13[%swap3A], %swap3A_55 {strides = array<i32>} : memref<8192xf32, #tpu.memory_space<vmem>>, vector<16xf32>,
    }
    %scan3A_4 = arith.constant 512 : i32
    %mul3A = arith.constant 32768 : i32
    %mul3A_5 = arith.muli %arg1, %mul3A : i32
    %add3A = arith.constant 0 : i32
    %add3A_6 = arith.addi %mul3A_5, %add3A : i32
    "tpu.region"() ({
      %run_scoped3A = tpu.sem_alloc : memref<!tpu.dma_semaphore, #tpu.memory_space<semaphore_mem>>
      %dma_start3A = tpu.memref_slice %arg14[%add3A_6] : memref<524288xf32, #tpu.memory_space<vmem_shared>> -> memref<8192xf32, #tpu.memory_space<vmem_shared>>
      %dma_start3A_49 = tpu.memref_slice %arg14[%add3A_6] : memref<524288xf32, #tpu.memory_space<vmem_shared>> -> memref<8192xf32, #tpu.memory_space<vmem_shared>>
      tpu.enqueue_dma source(%arg13 : memref<8192xf32, #tpu.memory_space<vmem>>) target(%dma_start3A_49 : memref<8192xf32, #tpu.memory_space<vmem_shared>>) target_semaphore(%run_scoped3A : memref<!tpu.dma_semaphore, #tpu.memory_space<semaphore_mem>>)
      %dma_wait3A = tpu.memref_slice %arg14[%add3A_6] : memref<524288xf32, #tpu.memory_space<vmem_shared>> -> memref<8192xf32, #tpu.memory_space<vmem_shared>>
      %dma_wait3A_50 = tpu.memref_slice %arg14[%add3A_6] : memref<524288xf32, #tpu.memory_space<vmem_shared>> -> memref<8192xf32, #tpu.memory_space<vmem_shared>>
      tpu.wait_dma2 semaphore(%run_scoped3A : memref<!tpu.dma_semaphore, #tpu.memory_space<semaphore_mem>>) src(%arg13 : memref<8192xf32, #tpu.memory_space<vmem>>) dst(%dma_wait3A_50 : memref<8192xf32, #tpu.memory_space<vmem_shared>>)
      tpu.yield
    }) : () -> ()
    %add3A_7 = arith.constant 8192 : i32
    %add3A_8 = arith.addi %mul3A_5, %add3A_7 : i32
    "tpu.region"() ({
      %run_scoped3A = tpu.sem_alloc : memref<!tpu.dma_semaphore, #tpu.memory_space<semaphore_mem>>
      %dma_start3A = tpu.memref_slice %arg14[%add3A_8] : memref<524288xf32, #tpu.memory_space<vmem_shared>> -> memref<8192xf32, #tpu.memory_space<vmem_shared>>
      %dma_start3A_49 = tpu.memref_slice %arg14[%add3A_8] : memref<524288xf32, #tpu.memory_space<vmem_shared>> -> memref<8192xf32, #tpu.memory_space<vmem_shared>>
      tpu.enqueue_dma source(%arg13 : memref<8192xf32, #tpu.memory_space<vmem>>) target(%dma_start3A_49 : memref<8192xf32, #tpu.memory_space<vmem_shared>>) target_semaphore(%run_scoped3A : memref<!tpu.dma_semaphore, #tpu.memory_space<semaphore_mem>>)
      %dma_wait3A = tpu.memref_slice %arg14[%add3A_8] : memref<524288xf32, #tpu.memory_space<vmem_shared>> -> memref<8192xf32, #tpu.memory_space<vmem_shared>>
      %dma_wait3A_50 = tpu.memref_slice %arg14[%add3A_8] : memref<524288xf32, #tpu.memory_space<vmem_shared>> -> memref<8192xf32, #tpu.memory_space<vmem_shared>>
      tpu.wait_dma2 semaphore(%run_scoped3A : memref<!tpu.dma_semaphore, #tpu.memory_space<semaphore_mem>>) src(%arg13 : memref<8192xf32, #tpu.memory_space<vmem>>) dst(%dma_wait3A_50 : memref<8192xf32, #tpu.memory_space<vmem_shared>>)
      tpu.yield
    }) : () -> ()
    %add3A_9 = arith.constant 16384 : i32
    %add3A_10 = arith.addi %mul3A_5, %add3A_9 : i32
    "tpu.region"() ({
      %run_scoped3A = tpu.sem_alloc : memref<!tpu.dma_semaphore, #tpu.memory_space<semaphore_mem>>
      %dma_start3A = tpu.memref_slice %arg14[%add3A_10] : memref<524288xf32, #tpu.memory_space<vmem_shared>> -> memref<8192xf32, #tpu.memory_space<vmem_shared>>
      %dma_start3A_49 = tpu.memref_slice %arg14[%add3A_10] : memref<524288xf32, #tpu.memory_space<vmem_shared>> -> memref<8192xf32, #tpu.memory_space<vmem_shared>>
      tpu.enqueue_dma source(%arg13 : memref<8192xf32, #tpu.memory_space<vmem>>) target(%dma_start3A_49 : memref<8192xf32, #tpu.memory_space<vmem_shared>>) target_semaphore(%run_scoped3A : memref<!tpu.dma_semaphore, #tpu.memory_space<semaphore_mem>>)
      %dma_wait3A = tpu.memref_slice %arg14[%add3A_10] : memref<524288xf32, #tpu.memory_space<vmem_shared>> -> memref<8192xf32, #tpu.memory_space<vmem_shared>>
      %dma_wait3A_50 = tpu.memref_slice %arg14[%add3A_10] : memref<524288xf32, #tpu.memory_space<vmem_shared>> -> memref<8192xf32, #tpu.memory_space<vmem_shared>>
      tpu.wait_dma2 semaphore(%run_scoped3A : memref<!tpu.dma_semaphore, #tpu.memory_space<semaphore_mem>>) src(%arg13 : memref<8192xf32, #tpu.memory_space<vmem>>) dst(%dma_wait3A_50 : memref<8192xf32, #tpu.memory_space<vmem_shared>>)
      tpu.yield
    }) : () -> ()
    %add3A_11 = arith.constant 24576 : i32
    %add3A_12 = arith.addi %mul3A_5, %add3A_11 : i32
    "tpu.region"() ({
      %run_scoped3A = tpu.sem_alloc : memref<!tpu.dma_semaphore, #tpu.memory_space<semaphore_mem>>
      %dma_start3A = tpu.memref_slice %arg14[%add3A_12] : memref<524288xf32, #tpu.memory_space<vmem_shared>> -> memref<8192xf32, #tpu.memory_space<vmem_shared>>
      %dma_start3A_49 = tpu.memref_slice %arg14[%add3A_12] : memref<524288xf32, #tpu.memory_space<vmem_shared>> -> memref<8192xf32, #tpu.memory_space<vmem_shared>>
      tpu.enqueue_dma source(%arg13 : memref<8192xf32, #tpu.memory_space<vmem>>) target(%dma_start3A_49 : memref<8192xf32, #tpu.memory_space<vmem_shared>>) target_semaphore(%run_scoped3A : memref<!tpu.dma_semaphore, #tpu.memory_space<semaphore_mem>>)
      %dma_wait3A = tpu.memref_slice %arg14[%add3A_12] : memref<524288xf32, #tpu.memory_space<vmem_shared>> -> memref<8192xf32, #tpu.memory_space<vmem_shared>>
      %dma_wait3A_50 = tpu.memref_slice %arg14[%add3A_12] : memref<524288xf32, #tpu.memory_space<vmem_shared>> -> memref<8192xf32, #tpu.memory_space<vmem_shared>>
      tpu.wait_dma2 semaphore(%run_scoped3A : memref<!tpu.dma_semaphore, #tpu.memory_space<semaphore_mem>>) src(%arg13 : memref<8192xf32, #tpu.memory_space<vmem>>) dst(%dma_wait3A_50 : memref<8192xf32, #tpu.memory_space<vmem_shared>>)
      tpu.yield
    }) : () -> ()
    %eq3A = arith.constant 0 : i32
    %eq3A_13 = arith.cmpi eq, %arg0, %eq3A : i32
    %convert_element_type3A = arith.extui %eq3A_13 : i1 to i32
    %cond3A = arith.constant 0 : i32
    %cond3A_14 = arith.cmpi ne, %convert_element_type3A, %cond3A : i32
    scf.if %cond3A_14 {
      %add3A_49 = arith.constant 0 : i32
      %add3A_50 = arith.addi %mul3A_5, %add3A_49 : i32
      "tpu.region"() ({
        %run_scoped3A = tpu.sem_alloc : memref<!tpu.dma_semaphore, #tpu.memory_space<semaphore_mem>>
        %dma_start3A = tpu.memref_slice %arg15[%add3A_50] : memref<524288xf32, #tpu.memory_space<vmem_shared>> -> memref<8192xf32, #tpu.memory_space<vmem_shared>>
        %dma_start3A_57 = tpu.memref_slice %arg15[%add3A_50] : memref<524288xf32, #tpu.memory_space<vmem_shared>> -> memref<8192xf32, #tpu.memory_space<vmem_shared>>
        tpu.enqueue_dma source(%arg13 : memref<8192xf32, #tpu.memory_space<vmem>>) target(%dma_start3A_57 : memref<8192xf32, #tpu.memory_space<vmem_shared>>) target_semaphore(%run_scoped3A : memref<!tpu.dma_semaphore, #tpu.memory_space<semaphore_mem>>)
        %dma_wait3A = tpu.memref_slice %arg15[%add3A_50] : memref<524288xf32, #tpu.memory_space<vmem_shared>> -> memref<8192xf32, #tpu.memory_space<vmem_shared>>
        %dma_wait3A_58 = tpu.memref_slice %arg15[%add3A_50] : memref<524288xf32, #tpu.memory_space<vmem_shared>> -> memref<8192xf32, #tpu.memory_space<vmem_shared>>
        tpu.wait_dma2 semaphore(%run_scoped3A : memref<!tpu.dma_semaphore, #tpu.memory_space<semaphore_mem>>) src(%arg13 : memref<8192xf32, #tpu.memory_space<vmem>>) dst(%dma_wait3A_58 : memref<8192xf32, #tpu.memory_space<vmem_shared>>)
        tpu.yield
      }) : () -> ()
      %add3A_51 = arith.constant 8192 : i32
      %add3A_52 = arith.addi %mul3A_5, %add3A_51 : i32
      "tpu.region"() ({
        %run_scoped3A = tpu.sem_alloc : memref<!tpu.dma_semaphore, #tpu.memory_space<semaphore_mem>>
        %dma_start3A = tpu.memref_slice %arg15[%add3A_52] : memref<524288xf32, #tpu.memory_space<vmem_shared>> -> memref<8192xf32, #tpu.memory_space<vmem_shared>>
        %dma_start3A_57 = tpu.memref_slice %arg15[%add3A_52] : memref<524288xf32, #tpu.memory_space<vmem_shared>> -> memref<8192xf32, #tpu.memory_space<vmem_shared>>
        tpu.enqueue_dma source(%arg13 : memref<8192xf32, #tpu.memory_space<vmem>>) target(%dma_start3A_57 : memref<8192xf32, #tpu.memory_space<vmem_shared>>) target_semaphore(%run_scoped3A : memref<!tpu.dma_semaphore, #tpu.memory_space<semaphore_mem>>)
        %dma_wait3A = tpu.memref_slice %arg15[%add3A_52] : memref<524288xf32, #tpu.memory_space<vmem_shared>> -> memref<8192xf32, #tpu.memory_space<vmem_shared>>
        %dma_wait3A_58 = tpu.memref_slice %arg15[%add3A_52] : memref<524288xf32, #tpu.memory_space<vmem_shared>> -> memref<8192xf32, #tpu.memory_space<vmem_shared>>
        tpu.wait_dma2 semaphore(%run_scoped3A : memref<!tpu.dma_semaphore, #tpu.memory_space<semaphore_mem>>) src(%arg13 : memref<8192xf32, #tpu.memory_space<vmem>>) dst(%dma_wait3A_58 : memref<8192xf32, #tpu.memory_space<vmem_shared>>)
        tpu.yield
      }) : () -> ()
      %add3A_53 = arith.constant 16384 : i32
      %add3A_54 = arith.addi %mul3A_5, %add3A_53 : i32
      "tpu.region"() ({
        %run_scoped3A = tpu.sem_alloc : memref<!tpu.dma_semaphore, #tpu.memory_space<semaphore_mem>>
        %dma_start3A = tpu.memref_slice %arg15[%add3A_54] : memref<524288xf32, #tpu.memory_space<vmem_shared>> -> memref<8192xf32, #tpu.memory_space<vmem_shared>>
        %dma_start3A_57 = tpu.memref_slice %arg15[%add3A_54] : memref<524288xf32, #tpu.memory_space<vmem_shared>> -> memref<8192xf32, #tpu.memory_space<vmem_shared>>
        tpu.enqueue_dma source(%arg13 : memref<8192xf32, #tpu.memory_space<vmem>>) target(%dma_start3A_57 : memref<8192xf32, #tpu.memory_space<vmem_shared>>) target_semaphore(%run_scoped3A : memref<!tpu.dma_semaphore, #tpu.memory_space<semaphore_mem>>)
        %dma_wait3A = tpu.memref_slice %arg15[%add3A_54] : memref<524288xf32, #tpu.memory_space<vmem_shared>> -> memref<8192xf32, #tpu.memory_space<vmem_shared>>
        %dma_wait3A_58 = tpu.memref_slice %arg15[%add3A_54] : memref<524288xf32, #tpu.memory_space<vmem_shared>> -> memref<8192xf32, #tpu.memory_space<vmem_shared>>
        tpu.wait_dma2 semaphore(%run_scoped3A : memref<!tpu.dma_semaphore, #tpu.memory_space<semaphore_mem>>) src(%arg13 : memref<8192xf32, #tpu.memory_space<vmem>>) dst(%dma_wait3A_58 : memref<8192xf32, #tpu.memory_space<vmem_shared>>)
        tpu.yield
      }) : () -> ()
      %add3A_55 = arith.constant 24576 : i32
      %add3A_56 = arith.addi %mul3A_5, %add3A_55 : i32
      "tpu.region"() ({
        %run_scoped3A = tpu.sem_alloc : memref<!tpu.dma_semaphore, #tpu.memory_space<semaphore_mem>>
        %dma_start3A = tpu.memref_slice %arg15[%add3A_56] : memref<524288xf32, #tpu.memory_space<vmem_shared>> -> memref<8192xf32, #tpu.memory_space<vmem_shared>>
        %dma_start3A_57 = tpu.memref_slice %arg15[%add3A_56] : memref<524288xf32, #tpu.memory_space<vmem_shared>> -> memref<8192xf32, #tpu.memory_space<vmem_shared>>
        tpu.enqueue_dma source(%arg13 : memref<8192xf32, #tpu.memory_space<vmem>>) target(%dma_start3A_57 : memref<8192xf32, #tpu.memory_space<vmem_shared>>) target_semaphore(%run_scoped3A : memref<!tpu.dma_semaphore, #tpu.memory_space<semaphore_mem>>)
        %dma_wait3A = tpu.memref_slice %arg15[%add3A_56] : memref<524288xf32, #tpu.memory_space<vmem_shared>> -> memref<8192xf32, #tpu.memory_space<vmem_shared>>
        %dma_wait3A_58 = tpu.memref_slice %arg15[%add3A_56] : memref<524288xf32, #tpu.memory_space<vmem_shared>> -> memref<8192xf32, #tpu.memory_space<vmem_shared>>
        tpu.wait_dma2 semaphore(%run_scoped3A : memref<!tpu.dma_semaphore, #tpu.memory_space<semaphore_mem>>) src(%arg13 : memref<8192xf32, #tpu.memory_space<vmem>>) dst(%dma_wait3A_58 : memref<8192xf32, #tpu.memory_space<vmem_shared>>)
        tpu.yield
      }) : () -> ()
    } else {
    }
    %barrier3A = arith.constant 0 : index
    tpu.barrier barrier_id(%barrier3A)
    %eq3A_15 = arith.constant 0 : i32
    %eq3A_16 = arith.cmpi eq, %arg0, %eq3A_15 : i32
    %eq3A_17 = arith.constant 0 : i32
    %eq3A_18 = arith.cmpi eq, %arg1, %eq3A_17 : i32
    %and3A = arith.andi %eq3A_16, %eq3A_18 : i1
    %convert_element_type3A_19 = arith.extui %and3A : i1 to i32
    %cond3A_20 = arith.constant 0 : i32
    %cond3A_21 = arith.cmpi ne, %convert_element_type3A_19, %cond3A_20 : i32
    scf.if %cond3A_21 {
      %dma_start3A = arith.constant 0 : i32
      %dma_start3A_49 = tpu.memref_slice %arg5[%dma_start3A] : memref<131072xi32, #tpu.memory_space<hbm>> -> memref<8192xi32, #tpu.memory_space<hbm>>
      %dma_start3A_50 = arith.constant 0 : i32
      %dma_start3A_51 = tpu.memref_slice %arg5[%dma_start3A_50] : memref<131072xi32, #tpu.memory_space<hbm>> -> memref<8192xi32, #tpu.memory_space<hbm>>
      tpu.enqueue_dma source(%dma_start3A_51 : memref<8192xi32, #tpu.memory_space<hbm>>) target(%arg9 : memref<8192xi32, #tpu.memory_space<vmem>>) target_semaphore(%arg16 : memref<!tpu.dma_semaphore, #tpu.memory_space<semaphore_mem>>)
      %dma_start3A_52 = arith.constant 0 : i32
      %dma_start3A_53 = tpu.memref_slice %arg2[%dma_start3A_52] : memref<131072xf32, #tpu.memory_space<hbm>> -> memref<8192xf32, #tpu.memory_space<hbm>>
      %dma_start3A_54 = arith.constant 0 : i32
      %dma_start3A_55 = tpu.memref_slice %arg2[%dma_start3A_54] : memref<131072xf32, #tpu.memory_space<hbm>> -> memref<8192xf32, #tpu.memory_space<hbm>>
      tpu.enqueue_dma source(%dma_start3A_55 : memref<8192xf32, #tpu.memory_space<hbm>>) target(%arg10 : memref<8192xf32, #tpu.memory_space<vmem>>) target_semaphore(%arg16 : memref<!tpu.dma_semaphore, #tpu.memory_space<semaphore_mem>>)
      %dma_start3A_56 = arith.constant 8192 : i32
      %dma_start3A_57 = tpu.memref_slice %arg5[%dma_start3A_56] : memref<131072xi32, #tpu.memory_space<hbm>> -> memref<8192xi32, #tpu.memory_space<hbm>>
      %dma_start3A_58 = arith.constant 8192 : i32
      %dma_start3A_59 = tpu.memref_slice %arg5[%dma_start3A_58] : memref<131072xi32, #tpu.memory_space<hbm>> -> memref<8192xi32, #tpu.memory_space<hbm>>
      tpu.enqueue_dma source(%dma_start3A_59 : memref<8192xi32, #tpu.memory_space<hbm>>) target(%arg11 : memref<8192xi32, #tpu.memory_space<vmem>>) target_semaphore(%arg17 : memref<!tpu.dma_semaphore, #tpu.memory_space<semaphore_mem>>)
      %dma_start3A_60 = arith.constant 8192 : i32
      %dma_start3A_61 = tpu.memref_slice %arg2[%dma_start3A_60] : memref<131072xf32, #tpu.memory_space<hbm>> -> memref<8192xf32, #tpu.memory_space<hbm>>
      %dma_start3A_62 = arith.constant 8192 : i32
      %dma_start3A_63 = tpu.memref_slice %arg2[%dma_start3A_62] : memref<131072xf32, #tpu.memory_space<hbm>> -> memref<8192xf32, #tpu.memory_space<hbm>>
      tpu.enqueue_dma source(%dma_start3A_63 : memref<8192xf32, #tpu.memory_space<hbm>>) target(%arg12 : memref<8192xf32, #tpu.memory_space<vmem>>) target_semaphore(%arg17 : memref<!tpu.dma_semaphore, #tpu.memory_space<semaphore_mem>>)
      %dma_wait3A = arith.constant 0 : i32
      %dma_wait3A_64 = tpu.memref_slice %arg5[%dma_wait3A] : memref<131072xi32, #tpu.memory_space<hbm>> -> memref<8192xi32, #tpu.memory_space<hbm>>
      %dma_wait3A_65 = arith.constant 0 : i32
      %dma_wait3A_66 = tpu.memref_slice %arg5[%dma_wait3A_65] : memref<131072xi32, #tpu.memory_space<hbm>> -> memref<8192xi32, #tpu.memory_space<hbm>>
      tpu.wait_dma2 semaphore(%arg16 : memref<!tpu.dma_semaphore, #tpu.memory_space<semaphore_mem>>) src(%dma_wait3A_66 : memref<8192xi32, #tpu.memory_space<hbm>>) dst(%arg9 : memref<8192xi32, #tpu.memory_space<vmem>>)
      %dma_wait3A_67 = arith.constant 0 : i32
      %dma_wait3A_68 = tpu.memref_slice %arg2[%dma_wait3A_67] : memref<131072xf32, #tpu.memory_space<hbm>> -> memref<8192xf32, #tpu.memory_space<hbm>>
      %dma_wait3A_69 = arith.constant 0 : i32
      %dma_wait3A_70 = tpu.memref_slice %arg2[%dma_wait3A_69] : memref<131072xf32, #tpu.memory_space<hbm>> -> memref<8192xf32, #tpu.memory_space<hbm>>
      tpu.wait_dma2 semaphore(%arg16 : memref<!tpu.dma_semaphore, #tpu.memory_space<semaphore_mem>>) src(%dma_wait3A_70 : memref<8192xf32, #tpu.memory_space<hbm>>) dst(%arg10 : memref<8192xf32, #tpu.memory_space<vmem>>)
      "tpu.region"() ({
        %run_scoped3A = tpu.sem_alloc : memref<!tpu.dma_semaphore, #tpu.memory_space<semaphore_mem>>
        %dma_start3A_303 = arith.constant 0 : i32
        %dma_start3A_304 = tpu.memref_slice %arg14[%dma_start3A_303] : memref<524288xf32, #tpu.memory_space<vmem_shared>> -> memref<524288xf32, #tpu.memory_space<vmem_shared>>
        tpu.enqueue_indirect_dma source(%arg10 : memref<8192xf32, #tpu.memory_space<vmem>>) target(%dma_start3A_304 : memref<524288xf32, #tpu.memory_space<vmem_shared>>) offsets(%arg9 : memref<8192xi32, #tpu.memory_space<vmem>>) semaphore(%run_scoped3A : memref<!tpu.dma_semaphore, #tpu.memory_space<semaphore_mem>>)
        %dma_wait3A_305 = arith.constant 0 : i32
        %dma_wait3A_306 = tpu.memref_slice %arg14[%dma_wait3A_305] : memref<524288xf32, #tpu.memory_space<vmem_shared>> -> memref<524288xf32, #tpu.memory_space<vmem_shared>>
        tpu.wait_indirect_dma semaphore(%run_scoped3A : memref<!tpu.dma_semaphore, #tpu.memory_space<semaphore_mem>>) src(%arg10 : memref<8192xf32, #tpu.memory_space<vmem>>) dst(%dma_wait3A_306 : memref<524288xf32, #tpu.memory_space<vmem_shared>>)
        tpu.yield
      }) : () -> ()
      %dma_start3A_71 = arith.constant 16384 : i32
      %dma_start3A_72 = tpu.memref_slice %arg5[%dma_start3A_71] : memref<131072xi32, #tpu.memory_space<hbm>> -> memref<8192xi32, #tpu.memory_space<hbm>>
      %dma_start3A_73 = arith.constant 16384 : i32
      %dma_start3A_74 = tpu.memref_slice %arg5[%dma_start3A_73] : memref<131072xi32, #tpu.memory_space<hbm>> -> memref<8192xi32, #tpu.memory_space<hbm>>
      tpu.enqueue_dma source(%dma_start3A_74 : memref<8192xi32, #tpu.memory_space<hbm>>) target(%arg9 : memref<8192xi32, #tpu.memory_space<vmem>>) target_semaphore(%arg16 : memref<!tpu.dma_semaphore, #tpu.memory_space<semaphore_mem>>)
      %dma_start3A_75 = arith.constant 16384 : i32
      %dma_start3A_76 = tpu.memref_slice %arg2[%dma_start3A_75] : memref<131072xf32, #tpu.memory_space<hbm>> -> memref<8192xf32, #tpu.memory_space<hbm>>
      %dma_start3A_77 = arith.constant 16384 : i32
      %dma_start3A_78 = tpu.memref_slice %arg2[%dma_start3A_77] : memref<131072xf32, #tpu.memory_space<hbm>> -> memref<8192xf32, #tpu.memory_space<hbm>>
      tpu.enqueue_dma source(%dma_start3A_78 : memref<8192xf32, #tpu.memory_space<hbm>>) target(%arg10 : memref<8192xf32, #tpu.memory_space<vmem>>) target_semaphore(%arg16 : memref<!tpu.dma_semaphore, #tpu.memory_space<semaphore_mem>>)
      %dma_wait3A_79 = arith.constant 8192 : i32
      %dma_wait3A_80 = tpu.memref_slice %arg5[%dma_wait3A_79] : memref<131072xi32, #tpu.memory_space<hbm>> -> memref<8192xi32, #tpu.memory_space<hbm>>
      %dma_wait3A_81 = arith.constant 8192 : i32
      %dma_wait3A_82 = tpu.memref_slice %arg5[%dma_wait3A_81] : memref<131072xi32, #tpu.memory_space<hbm>> -> memref<8192xi32, #tpu.memory_space<hbm>>
      tpu.wait_dma2 semaphore(%arg17 : memref<!tpu.dma_semaphore, #tpu.memory_space<semaphore_mem>>) src(%dma_wait3A_82 : memref<8192xi32, #tpu.memory_space<hbm>>) dst(%arg11 : memref<8192xi32, #tpu.memory_space<vmem>>)
      %dma_wait3A_83 = arith.constant 8192 : i32
      %dma_wait3A_84 = tpu.memref_slice %arg2[%dma_wait3A_83] : memref<131072xf32, #tpu.memory_space<hbm>> -> memref<8192xf32, #tpu.memory_space<hbm>>
      %dma_wait3A_85 = arith.constant 8192 : i32
      %dma_wait3A_86 = tpu.memref_slice %arg2[%dma_wait3A_85] : memref<131072xf32, #tpu.memory_space<hbm>> -> memref<8192xf32, #tpu.memory_space<hbm>>
      tpu.wait_dma2 semaphore(%arg17 : memref<!tpu.dma_semaphore, #tpu.memory_space<semaphore_mem>>) src(%dma_wait3A_86 : memref<8192xf32, #tpu.memory_space<hbm>>) dst(%arg12 : memref<8192xf32, #tpu.memory_space<vmem>>)
      "tpu.region"() ({
        %run_scoped3A = tpu.sem_alloc : memref<!tpu.dma_semaphore, #tpu.memory_space<semaphore_mem>>
        %dma_start3A_303 = arith.constant 0 : i32
        %dma_start3A_304 = tpu.memref_slice %arg14[%dma_start3A_303] : memref<524288xf32, #tpu.memory_space<vmem_shared>> -> memref<524288xf32, #tpu.memory_space<vmem_shared>>
        tpu.enqueue_indirect_dma source(%arg12 : memref<8192xf32, #tpu.memory_space<vmem>>) target(%dma_start3A_304 : memref<524288xf32, #tpu.memory_space<vmem_shared>>) offsets(%arg11 : memref<8192xi32, #tpu.memory_space<vmem>>) semaphore(%run_scoped3A : memref<!tpu.dma_semaphore, #tpu.memory_space<semaphore_mem>>)
        %dma_wait3A_305 = arith.constant 0 : i32
        %dma_wait3A_306 = tpu.memref_slice %arg14[%dma_wait3A_305] : memref<524288xf32, #tpu.memory_space<vmem_shared>> -> memref<524288xf32, #tpu.memory_space<vmem_shared>>
        tpu.wait_indirect_dma semaphore(%run_scoped3A : memref<!tpu.dma_semaphore, #tpu.memory_space<semaphore_mem>>) src(%arg12 : memref<8192xf32, #tpu.memory_space<vmem>>) dst(%dma_wait3A_306 : memref<524288xf32, #tpu.memory_space<vmem_shared>>)
        tpu.yield
      }) : () -> ()
      %dma_start3A_87 = arith.constant 24576 : i32
      %dma_start3A_88 = tpu.memref_slice %arg5[%dma_start3A_87] : memref<131072xi32, #tpu.memory_space<hbm>> -> memref<8192xi32, #tpu.memory_space<hbm>>
      %dma_start3A_89 = arith.constant 24576 : i32
      %dma_start3A_90 = tpu.memref_slice %arg5[%dma_start3A_89] : memref<131072xi32, #tpu.memory_space<hbm>> -> memref<8192xi32, #tpu.memory_space<hbm>>
      tpu.enqueue_dma source(%dma_start3A_90 : memref<8192xi32, #tpu.memory_space<hbm>>) target(%arg11 : memref<8192xi32, #tpu.memory_space<vmem>>) target_semaphore(%arg17 : memref<!tpu.dma_semaphore, #tpu.memory_space<semaphore_mem>>)
      %dma_start3A_91 = arith.constant 24576 : i32
      %dma_start3A_92 = tpu.memref_slice %arg2[%dma_start3A_91] : memref<131072xf32, #tpu.memory_space<hbm>> -> memref<8192xf32, #tpu.memory_space<hbm>>
      %dma_start3A_93 = arith.constant 24576 : i32
      %dma_start3A_94 = tpu.memref_slice %arg2[%dma_start3A_93] : memref<131072xf32, #tpu.memory_space<hbm>> -> memref<8192xf32, #tpu.memory_space<hbm>>
      tpu.enqueue_dma source(%dma_start3A_94 : memref<8192xf32, #tpu.memory_space<hbm>>) target(%arg12 : memref<8192xf32, #tpu.memory_space<vmem>>) target_semaphore(%arg17 : memref<!tpu.dma_semaphore, #tpu.memory_space<semaphore_mem>>)
      %dma_wait3A_95 = arith.constant 16384 : i32
      %dma_wait3A_96 = tpu.memref_slice %arg5[%dma_wait3A_95] : memref<131072xi32, #tpu.memory_space<hbm>> -> memref<8192xi32, #tpu.memory_space<hbm>>
      %dma_wait3A_97 = arith.constant 16384 : i32
      %dma_wait3A_98 = tpu.memref_slice %arg5[%dma_wait3A_97] : memref<131072xi32, #tpu.memory_space<hbm>> -> memref<8192xi32, #tpu.memory_space<hbm>>
      tpu.wait_dma2 semaphore(%arg16 : memref<!tpu.dma_semaphore, #tpu.memory_space<semaphore_mem>>) src(%dma_wait3A_98 : memref<8192xi32, #tpu.memory_space<hbm>>) dst(%arg9 : memref<8192xi32, #tpu.memory_space<vmem>>)
      %dma_wait3A_99 = arith.constant 16384 : i32
      %dma_wait3A_100 = tpu.memref_slice %arg2[%dma_wait3A_99] : memref<131072xf32, #tpu.memory_space<hbm>> -> memref<8192xf32, #tpu.memory_space<hbm>>
      %dma_wait3A_101 = arith.constant 16384 : i32
      %dma_wait3A_102 = tpu.memref_slice %arg2[%dma_wait3A_101] : memref<131072xf32, #tpu.memory_space<hbm>> -> memref<8192xf32, #tpu.memory_space<hbm>>
      tpu.wait_dma2 semaphore(%arg16 : memref<!tpu.dma_semaphore, #tpu.memory_space<semaphore_mem>>) src(%dma_wait3A_102 : memref<8192xf32, #tpu.memory_space<hbm>>) dst(%arg10 : memref<8192xf32, #tpu.memory_space<vmem>>)
      "tpu.region"() ({
        %run_scoped3A = tpu.sem_alloc : memref<!tpu.dma_semaphore, #tpu.memory_space<semaphore_mem>>
        %dma_start3A_303 = arith.constant 0 : i32
        %dma_start3A_304 = tpu.memref_slice %arg14[%dma_start3A_303] : memref<524288xf32, #tpu.memory_space<vmem_shared>> -> memref<524288xf32, #tpu.memory_space<vmem_shared>>
        tpu.enqueue_indirect_dma source(%arg10 : memref<8192xf32, #tpu.memory_space<vmem>>) target(%dma_start3A_304 : memref<524288xf32, #tpu.memory_space<vmem_shared>>) offsets(%arg9 : memref<8192xi32, #tpu.memory_space<vmem>>) semaphore(%run_scoped3A : memref<!tpu.dma_semaphore, #tpu.memory_space<semaphore_mem>>)
        %dma_wait3A_305 = arith.constant 0 : i32
        %dma_wait3A_306 = tpu.memref_slice %arg14[%dma_wait3A_305] : memref<524288xf32, #tpu.memory_space<vmem_shared>> -> memref<524288xf32, #tpu.memory_space<vmem_shared>>
        tpu.wait_indirect_dma semaphore(%run_scoped3A : memref<!tpu.dma_semaphore, #tpu.memory_space<semaphore_mem>>) src(%arg10 : memref<8192xf32, #tpu.memory_space<vmem>>) dst(%dma_wait3A_306 : memref<524288xf32, #tpu.memory_space<vmem_shared>>)
        tpu.yield
      }) : () -> ()
      %dma_start3A_103 = arith.constant 32768 : i32
      %dma_start3A_104 = tpu.memref_slice %arg5[%dma_start3A_103] : memref<131072xi32, #tpu.memory_space<hbm>> -> memref<8192xi32, #tpu.memory_space<hbm>>
      %dma_start3A_105 = arith.constant 32768 : i32
      %dma_start3A_106 = tpu.memref_slice %arg5[%dma_start3A_105] : memref<131072xi32, #tpu.memory_space<hbm>> -> memref<8192xi32, #tpu.memory_space<hbm>>
      tpu.enqueue_dma source(%dma_start3A_106 : memref<8192xi32, #tpu.memory_space<hbm>>) target(%arg9 : memref<8192xi32, #tpu.memory_space<vmem>>) target_semaphore(%arg16 : memref<!tpu.dma_semaphore, #tpu.memory_space<semaphore_mem>>)
      %dma_start3A_107 = arith.constant 32768 : i32
      %dma_start3A_108 = tpu.memref_slice %arg2[%dma_start3A_107] : memref<131072xf32, #tpu.memory_space<hbm>> -> memref<8192xf32, #tpu.memory_space<hbm>>
      %dma_start3A_109 = arith.constant 32768 : i32
      %dma_start3A_110 = tpu.memref_slice %arg2[%dma_start3A_109] : memref<131072xf32, #tpu.memory_space<hbm>> -> memref<8192xf32, #tpu.memory_space<hbm>>
      tpu.enqueue_dma source(%dma_start3A_110 : memref<8192xf32, #tpu.memory_space<hbm>>) target(%arg10 : memref<8192xf32, #tpu.memory_space<vmem>>) target_semaphore(%arg16 : memref<!tpu.dma_semaphore, #tpu.memory_space<semaphore_mem>>)
      %dma_wait3A_111 = arith.constant 24576 : i32
      %dma_wait3A_112 = tpu.memref_slice %arg5[%dma_wait3A_111] : memref<131072xi32, #tpu.memory_space<hbm>> -> memref<8192xi32, #tpu.memory_space<hbm>>
      %dma_wait3A_113 = arith.constant 24576 : i32
      %dma_wait3A_114 = tpu.memref_slice %arg5[%dma_wait3A_113] : memref<131072xi32, #tpu.memory_space<hbm>> -> memref<8192xi32, #tpu.memory_space<hbm>>
      tpu.wait_dma2 semaphore(%arg17 : memref<!tpu.dma_semaphore, #tpu.memory_space<semaphore_mem>>) src(%dma_wait3A_114 : memref<8192xi32, #tpu.memory_space<hbm>>) dst(%arg11 : memref<8192xi32, #tpu.memory_space<vmem>>)
      %dma_wait3A_115 = arith.constant 24576 : i32
      %dma_wait3A_116 = tpu.memref_slice %arg2[%dma_wait3A_115] : memref<131072xf32, #tpu.memory_space<hbm>> -> memref<8192xf32, #tpu.memory_space<hbm>>
      %dma_wait3A_117 = arith.constant 24576 : i32
      %dma_wait3A_118 = tpu.memref_slice %arg2[%dma_wait3A_117] : memref<131072xf32, #tpu.memory_space<hbm>> -> memref<8192xf32, #tpu.memory_space<hbm>>
      tpu.wait_dma2 semaphore(%arg17 : memref<!tpu.dma_semaphore, #tpu.memory_space<semaphore_mem>>) src(%dma_wait3A_118 : memref<8192xf32, #tpu.memory_space<hbm>>) dst(%arg12 : memref<8192xf32, #tpu.memory_space<vmem>>)
      "tpu.region"() ({
        %run_scoped3A = tpu.sem_alloc : memref<!tpu.dma_semaphore, #tpu.memory_space<semaphore_mem>>
        %dma_start3A_303 = arith.constant 0 : i32
        %dma_start3A_304 = tpu.memref_slice %arg14[%dma_start3A_303] : memref<524288xf32, #tpu.memory_space<vmem_shared>> -> memref<524288xf32, #tpu.memory_space<vmem_shared>>
        tpu.enqueue_indirect_dma source(%arg12 : memref<8192xf32, #tpu.memory_space<vmem>>) target(%dma_start3A_304 : memref<524288xf32, #tpu.memory_space<vmem_shared>>) offsets(%arg11 : memref<8192xi32, #tpu.memory_space<vmem>>) semaphore(%run_scoped3A : memref<!tpu.dma_semaphore, #tpu.memory_space<semaphore_mem>>)
        %dma_wait3A_305 = arith.constant 0 : i32
        %dma_wait3A_306 = tpu.memref_slice %arg14[%dma_wait3A_305] : memref<524288xf32, #tpu.memory_space<vmem_shared>> -> memref<524288xf32, #tpu.memory_space<vmem_shared>>
        tpu.wait_indirect_dma semaphore(%run_scoped3A : memref<!tpu.dma_semaphore, #tpu.memory_space<semaphore_mem>>) src(%arg12 : memref<8192xf32, #tpu.memory_space<vmem>>) dst(%dma_wait3A_306 : memref<524288xf32, #tpu.memory_space<vmem_shared>>)
        tpu.yield
      }) : () -> ()
      %dma_start3A_119 = arith.constant 40960 : i32
      %dma_start3A_120 = tpu.memref_slice %arg5[%dma_start3A_119] : memref<131072xi32, #tpu.memory_space<hbm>> -> memref<8192xi32, #tpu.memory_space<hbm>>
      %dma_start3A_121 = arith.constant 40960 : i32
      %dma_start3A_122 = tpu.memref_slice %arg5[%dma_start3A_121] : memref<131072xi32, #tpu.memory_space<hbm>> -> memref<8192xi32, #tpu.memory_space<hbm>>
      tpu.enqueue_dma source(%dma_start3A_122 : memref<8192xi32, #tpu.memory_space<hbm>>) target(%arg11 : memref<8192xi32, #tpu.memory_space<vmem>>) target_semaphore(%arg17 : memref<!tpu.dma_semaphore, #tpu.memory_space<semaphore_mem>>)
      %dma_start3A_123 = arith.constant 40960 : i32
      %dma_start3A_124 = tpu.memref_slice %arg2[%dma_start3A_123] : memref<131072xf32, #tpu.memory_space<hbm>> -> memref<8192xf32, #tpu.memory_space<hbm>>
      %dma_start3A_125 = arith.constant 40960 : i32
      %dma_start3A_126 = tpu.memref_slice %arg2[%dma_start3A_125] : memref<131072xf32, #tpu.memory_space<hbm>> -> memref<8192xf32, #tpu.memory_space<hbm>>
      tpu.enqueue_dma source(%dma_start3A_126 : memref<8192xf32, #tpu.memory_space<hbm>>) target(%arg12 : memref<8192xf32, #tpu.memory_space<vmem>>) target_semaphore(%arg17 : memref<!tpu.dma_semaphore, #tpu.memory_space<semaphore_mem>>)
      %dma_wait3A_127 = arith.constant 32768 : i32
      %dma_wait3A_128 = tpu.memref_slice %arg5[%dma_wait3A_127] : memref<131072xi32, #tpu.memory_space<hbm>> -> memref<8192xi32, #tpu.memory_space<hbm>>
      %dma_wait3A_129 = arith.constant 32768 : i32
      %dma_wait3A_130 = tpu.memref_slice %arg5[%dma_wait3A_129] : memref<131072xi32, #tpu.memory_space<hbm>> -> memref<8192xi32, #tpu.memory_space<hbm>>
      tpu.wait_dma2 semaphore(%arg16 : memref<!tpu.dma_semaphore, #tpu.memory_space<semaphore_mem>>) src(%dma_wait3A_130 : memref<8192xi32, #tpu.memory_space<hbm>>) dst(%arg9 : memref<8192xi32, #tpu.memory_space<vmem>>)
      %dma_wait3A_131 = arith.constant 32768 : i32
      %dma_wait3A_132 = tpu.memref_slice %arg2[%dma_wait3A_131] : memref<131072xf32, #tpu.memory_space<hbm>> -> memref<8192xf32, #tpu.memory_space<hbm>>
      %dma_wait3A_133 = arith.constant 32768 : i32
      %dma_wait3A_134 = tpu.memref_slice %arg2[%dma_wait3A_133] : memref<131072xf32, #tpu.memory_space<hbm>> -> memref<8192xf32, #tpu.memory_space<hbm>>
      tpu.wait_dma2 semaphore(%arg16 : memref<!tpu.dma_semaphore, #tpu.memory_space<semaphore_mem>>) src(%dma_wait3A_134 : memref<8192xf32, #tpu.memory_space<hbm>>) dst(%arg10 : memref<8192xf32, #tpu.memory_space<vmem>>)
      "tpu.region"() ({
        %run_scoped3A = tpu.sem_alloc : memref<!tpu.dma_semaphore, #tpu.memory_space<semaphore_mem>>
        %dma_start3A_303 = arith.constant 0 : i32
        %dma_start3A_304 = tpu.memref_slice %arg14[%dma_start3A_303] : memref<524288xf32, #tpu.memory_space<vmem_shared>> -> memref<524288xf32, #tpu.memory_space<vmem_shared>>
        tpu.enqueue_indirect_dma source(%arg10 : memref<8192xf32, #tpu.memory_space<vmem>>) target(%dma_start3A_304 : memref<524288xf32, #tpu.memory_space<vmem_shared>>) offsets(%arg9 : memref<8192xi32, #tpu.memory_space<vmem>>) semaphore(%run_scoped3A : memref<!tpu.dma_semaphore, #tpu.memory_space<semaphore_mem>>)
        %dma_wait3A_305 = arith.constant 0 : i32
        %dma_wait3A_306 = tpu.memref_slice %arg14[%dma_wait3A_305] : memref<524288xf32, #tpu.memory_space<vmem_shared>> -> memref<524288xf32, #tpu.memory_space<vmem_shared>>
        tpu.wait_indirect_dma semaphore(%run_scoped3A : memref<!tpu.dma_semaphore, #tpu.memory_space<semaphore_mem>>) src(%arg10 : memref<8192xf32, #tpu.memory_space<vmem>>) dst(%dma_wait3A_306 : memref<524288xf32, #tpu.memory_space<vmem_shared>>)
        tpu.yield
      }) : () -> ()
      %dma_start3A_135 = arith.constant 49152 : i32
      %dma_start3A_136 = tpu.memref_slice %arg5[%dma_start3A_135] : memref<131072xi32, #tpu.memory_space<hbm>> -> memref<8192xi32, #tpu.memory_space<hbm>>
      %dma_start3A_137 = arith.constant 49152 : i32
      %dma_start3A_138 = tpu.memref_slice %arg5[%dma_start3A_137] : memref<131072xi32, #tpu.memory_space<hbm>> -> memref<8192xi32, #tpu.memory_space<hbm>>
      tpu.enqueue_dma source(%dma_start3A_138 : memref<8192xi32, #tpu.memory_space<hbm>>) target(%arg9 : memref<8192xi32, #tpu.memory_space<vmem>>) target_semaphore(%arg16 : memref<!tpu.dma_semaphore, #tpu.memory_space<semaphore_mem>>)
      %dma_start3A_139 = arith.constant 49152 : i32
      %dma_start3A_140 = tpu.memref_slice %arg2[%dma_start3A_139] : memref<131072xf32, #tpu.memory_space<hbm>> -> memref<8192xf32, #tpu.memory_space<hbm>>
      %dma_start3A_141 = arith.constant 49152 : i32
      %dma_start3A_142 = tpu.memref_slice %arg2[%dma_start3A_141] : memref<131072xf32, #tpu.memory_space<hbm>> -> memref<8192xf32, #tpu.memory_space<hbm>>
      tpu.enqueue_dma source(%dma_start3A_142 : memref<8192xf32, #tpu.memory_space<hbm>>) target(%arg10 : memref<8192xf32, #tpu.memory_space<vmem>>) target_semaphore(%arg16 : memref<!tpu.dma_semaphore, #tpu.memory_space<semaphore_mem>>)
      %dma_wait3A_143 = arith.constant 40960 : i32
      %dma_wait3A_144 = tpu.memref_slice %arg5[%dma_wait3A_143] : memref<131072xi32, #tpu.memory_space<hbm>> -> memref<8192xi32, #tpu.memory_space<hbm>>
      %dma_wait3A_145 = arith.constant 40960 : i32
      %dma_wait3A_146 = tpu.memref_slice %arg5[%dma_wait3A_145] : memref<131072xi32, #tpu.memory_space<hbm>> -> memref<8192xi32, #tpu.memory_space<hbm>>
      tpu.wait_dma2 semaphore(%arg17 : memref<!tpu.dma_semaphore, #tpu.memory_space<semaphore_mem>>) src(%dma_wait3A_146 : memref<8192xi32, #tpu.memory_space<hbm>>) dst(%arg11 : memref<8192xi32, #tpu.memory_space<vmem>>)
      %dma_wait3A_147 = arith.constant 40960 : i32
      %dma_wait3A_148 = tpu.memref_slice %arg2[%dma_wait3A_147] : memref<131072xf32, #tpu.memory_space<hbm>> -> memref<8192xf32, #tpu.memory_space<hbm>>
      %dma_wait3A_149 = arith.constant 40960 : i32
      %dma_wait3A_150 = tpu.memref_slice %arg2[%dma_wait3A_149] : memref<131072xf32, #tpu.memory_space<hbm>> -> memref<8192xf32, #tpu.memory_space<hbm>>
      tpu.wait_dma2 semaphore(%arg17 : memref<!tpu.dma_semaphore, #tpu.memory_space<semaphore_mem>>) src(%dma_wait3A_150 : memref<8192xf32, #tpu.memory_space<hbm>>) dst(%arg12 : memref<8192xf32, #tpu.memory_space<vmem>>)
      "tpu.region"() ({
        %run_scoped3A = tpu.sem_alloc : memref<!tpu.dma_semaphore, #tpu.memory_space<semaphore_mem>>
        %dma_start3A_303 = arith.constant 0 : i32
        %dma_start3A_304 = tpu.memref_slice %arg14[%dma_start3A_303] : memref<524288xf32, #tpu.memory_space<vmem_shared>> -> memref<524288xf32, #tpu.memory_space<vmem_shared>>
        tpu.enqueue_indirect_dma source(%arg12 : memref<8192xf32, #tpu.memory_space<vmem>>) target(%dma_start3A_304 : memref<524288xf32, #tpu.memory_space<vmem_shared>>) offsets(%arg11 : memref<8192xi32, #tpu.memory_space<vmem>>) semaphore(%run_scoped3A : memref<!tpu.dma_semaphore, #tpu.memory_space<semaphore_mem>>)
        %dma_wait3A_305 = arith.constant 0 : i32
        %dma_wait3A_306 = tpu.memref_slice %arg14[%dma_wait3A_305] : memref<524288xf32, #tpu.memory_space<vmem_shared>> -> memref<524288xf32, #tpu.memory_space<vmem_shared>>
        tpu.wait_indirect_dma semaphore(%run_scoped3A : memref<!tpu.dma_semaphore, #tpu.memory_space<semaphore_mem>>) src(%arg12 : memref<8192xf32, #tpu.memory_space<vmem>>) dst(%dma_wait3A_306 : memref<524288xf32, #tpu.memory_space<vmem_shared>>)
        tpu.yield
      }) : () -> ()
      %dma_start3A_151 = arith.constant 57344 : i32
      %dma_start3A_152 = tpu.memref_slice %arg5[%dma_start3A_151] : memref<131072xi32, #tpu.memory_space<hbm>> -> memref<8192xi32, #tpu.memory_space<hbm>>
      %dma_start3A_153 = arith.constant 57344 : i32
      %dma_start3A_154 = tpu.memref_slice %arg5[%dma_start3A_153] : memref<131072xi32, #tpu.memory_space<hbm>> -> memref<8192xi32, #tpu.memory_space<hbm>>
      tpu.enqueue_dma source(%dma_start3A_154 : memref<8192xi32, #tpu.memory_space<hbm>>) target(%arg11 : memref<8192xi32, #tpu.memory_space<vmem>>) target_semaphore(%arg17 : memref<!tpu.dma_semaphore, #tpu.memory_space<semaphore_mem>>)
      %dma_start3A_155 = arith.constant 57344 : i32
      %dma_start3A_156 = tpu.memref_slice %arg2[%dma_start3A_155] : memref<131072xf32, #tpu.memory_space<hbm>> -> memref<8192xf32, #tpu.memory_space<hbm>>
      %dma_start3A_157 = arith.constant 57344 : i32
      %dma_start3A_158 = tpu.memref_slice %arg2[%dma_start3A_157] : memref<131072xf32, #tpu.memory_space<hbm>> -> memref<8192xf32, #tpu.memory_space<hbm>>
      tpu.enqueue_dma source(%dma_start3A_158 : memref<8192xf32, #tpu.memory_space<hbm>>) target(%arg12 : memref<8192xf32, #tpu.memory_space<vmem>>) target_semaphore(%arg17 : memref<!tpu.dma_semaphore, #tpu.memory_space<semaphore_mem>>)
      %dma_wait3A_159 = arith.constant 49152 : i32
      %dma_wait3A_160 = tpu.memref_slice %arg5[%dma_wait3A_159] : memref<131072xi32, #tpu.memory_space<hbm>> -> memref<8192xi32, #tpu.memory_space<hbm>>
      %dma_wait3A_161 = arith.constant 49152 : i32
      %dma_wait3A_162 = tpu.memref_slice %arg5[%dma_wait3A_161] : memref<131072xi32, #tpu.memory_space<hbm>> -> memref<8192xi32, #tpu.memory_space<hbm>>
      tpu.wait_dma2 semaphore(%arg16 : memref<!tpu.dma_semaphore, #tpu.memory_space<semaphore_mem>>) src(%dma_wait3A_162 : memref<8192xi32, #tpu.memory_space<hbm>>) dst(%arg9 : memref<8192xi32, #tpu.memory_space<vmem>>)
      %dma_wait3A_163 = arith.constant 49152 : i32
      %dma_wait3A_164 = tpu.memref_slice %arg2[%dma_wait3A_163] : memref<131072xf32, #tpu.memory_space<hbm>> -> memref<8192xf32, #tpu.memory_space<hbm>>
      %dma_wait3A_165 = arith.constant 49152 : i32
      %dma_wait3A_166 = tpu.memref_slice %arg2[%dma_wait3A_165] : memref<131072xf32, #tpu.memory_space<hbm>> -> memref<8192xf32, #tpu.memory_space<hbm>>
      tpu.wait_dma2 semaphore(%arg16 : memref<!tpu.dma_semaphore, #tpu.memory_space<semaphore_mem>>) src(%dma_wait3A_166 : memref<8192xf32, #tpu.memory_space<hbm>>) dst(%arg10 : memref<8192xf32, #tpu.memory_space<vmem>>)
      "tpu.region"() ({
        %run_scoped3A = tpu.sem_alloc : memref<!tpu.dma_semaphore, #tpu.memory_space<semaphore_mem>>
        %dma_start3A_303 = arith.constant 0 : i32
        %dma_start3A_304 = tpu.memref_slice %arg14[%dma_start3A_303] : memref<524288xf32, #tpu.memory_space<vmem_shared>> -> memref<524288xf32, #tpu.memory_space<vmem_shared>>
        tpu.enqueue_indirect_dma source(%arg10 : memref<8192xf32, #tpu.memory_space<vmem>>) target(%dma_start3A_304 : memref<524288xf32, #tpu.memory_space<vmem_shared>>) offsets(%arg9 : memref<8192xi32, #tpu.memory_space<vmem>>) semaphore(%run_scoped3A : memref<!tpu.dma_semaphore, #tpu.memory_space<semaphore_mem>>)
        %dma_wait3A_305 = arith.constant 0 : i32
        %dma_wait3A_306 = tpu.memref_slice %arg14[%dma_wait3A_305] : memref<524288xf32, #tpu.memory_space<vmem_shared>> -> memref<524288xf32, #tpu.memory_space<vmem_shared>>
        tpu.wait_indirect_dma semaphore(%run_scoped3A : memref<!tpu.dma_semaphore, #tpu.memory_space<semaphore_mem>>) src(%arg10 : memref<8192xf32, #tpu.memory_space<vmem>>) dst(%dma_wait3A_306 : memref<524288xf32, #tpu.memory_space<vmem_shared>>)
        tpu.yield
      }) : () -> ()
      %dma_start3A_167 = arith.constant 65536 : i32
      %dma_start3A_168 = tpu.memref_slice %arg5[%dma_start3A_167] : memref<131072xi32, #tpu.memory_space<hbm>> -> memref<8192xi32, #tpu.memory_space<hbm>>
      %dma_start3A_169 = arith.constant 65536 : i32
      %dma_start3A_170 = tpu.memref_slice %arg5[%dma_start3A_169] : memref<131072xi32, #tpu.memory_space<hbm>> -> memref<8192xi32, #tpu.memory_space<hbm>>
      tpu.enqueue_dma source(%dma_start3A_170 : memref<8192xi32, #tpu.memory_space<hbm>>) target(%arg9 : memref<8192xi32, #tpu.memory_space<vmem>>) target_semaphore(%arg16 : memref<!tpu.dma_semaphore, #tpu.memory_space<semaphore_mem>>)
      %dma_start3A_171 = arith.constant 65536 : i32
      %dma_start3A_172 = tpu.memref_slice %arg2[%dma_start3A_171] : memref<131072xf32, #tpu.memory_space<hbm>> -> memref<8192xf32, #tpu.memory_space<hbm>>
      %dma_start3A_173 = arith.constant 65536 : i32
      %dma_start3A_174 = tpu.memref_slice %arg2[%dma_start3A_173] : memref<131072xf32, #tpu.memory_space<hbm>> -> memref<8192xf32, #tpu.memory_space<hbm>>
      tpu.enqueue_dma source(%dma_start3A_174 : memref<8192xf32, #tpu.memory_space<hbm>>) target(%arg10 : memref<8192xf32, #tpu.memory_space<vmem>>) target_semaphore(%arg16 : memref<!tpu.dma_semaphore, #tpu.memory_space<semaphore_mem>>)
      %dma_wait3A_175 = arith.constant 57344 : i32
      %dma_wait3A_176 = tpu.memref_slice %arg5[%dma_wait3A_175] : memref<131072xi32, #tpu.memory_space<hbm>> -> memref<8192xi32, #tpu.memory_space<hbm>>
      %dma_wait3A_177 = arith.constant 57344 : i32
      %dma_wait3A_178 = tpu.memref_slice %arg5[%dma_wait3A_177] : memref<131072xi32, #tpu.memory_space<hbm>> -> memref<8192xi32, #tpu.memory_space<hbm>>
      tpu.wait_dma2 semaphore(%arg17 : memref<!tpu.dma_semaphore, #tpu.memory_space<semaphore_mem>>) src(%dma_wait3A_178 : memref<8192xi32, #tpu.memory_space<hbm>>) dst(%arg11 : memref<8192xi32, #tpu.memory_space<vmem>>)
      %dma_wait3A_179 = arith.constant 57344 : i32
      %dma_wait3A_180 = tpu.memref_slice %arg2[%dma_wait3A_179] : memref<131072xf32, #tpu.memory_space<hbm>> -> memref<8192xf32, #tpu.memory_space<hbm>>
      %dma_wait3A_181 = arith.constant 57344 : i32
      %dma_wait3A_182 = tpu.memref_slice %arg2[%dma_wait3A_181] : memref<131072xf32, #tpu.memory_space<hbm>> -> memref<8192xf32, #tpu.memory_space<hbm>>
      tpu.wait_dma2 semaphore(%arg17 : memref<!tpu.dma_semaphore, #tpu.memory_space<semaphore_mem>>) src(%dma_wait3A_182 : memref<8192xf32, #tpu.memory_space<hbm>>) dst(%arg12 : memref<8192xf32, #tpu.memory_space<vmem>>)
      "tpu.region"() ({
        %run_scoped3A = tpu.sem_alloc : memref<!tpu.dma_semaphore, #tpu.memory_space<semaphore_mem>>
        %dma_start3A_303 = arith.constant 0 : i32
        %dma_start3A_304 = tpu.memref_slice %arg14[%dma_start3A_303] : memref<524288xf32, #tpu.memory_space<vmem_shared>> -> memref<524288xf32, #tpu.memory_space<vmem_shared>>
        tpu.enqueue_indirect_dma source(%arg12 : memref<8192xf32, #tpu.memory_space<vmem>>) target(%dma_start3A_304 : memref<524288xf32, #tpu.memory_space<vmem_shared>>) offsets(%arg11 : memref<8192xi32, #tpu.memory_space<vmem>>) semaphore(%run_scoped3A : memref<!tpu.dma_semaphore, #tpu.memory_space<semaphore_mem>>)
        %dma_wait3A_305 = arith.constant 0 : i32
        %dma_wait3A_306 = tpu.memref_slice %arg14[%dma_wait3A_305] : memref<524288xf32, #tpu.memory_space<vmem_shared>> -> memref<524288xf32, #tpu.memory_space<vmem_shared>>
        tpu.wait_indirect_dma semaphore(%run_scoped3A : memref<!tpu.dma_semaphore, #tpu.memory_space<semaphore_mem>>) src(%arg12 : memref<8192xf32, #tpu.memory_space<vmem>>) dst(%dma_wait3A_306 : memref<524288xf32, #tpu.memory_space<vmem_shared>>)
        tpu.yield
      }) : () -> ()
      %dma_start3A_183 = arith.constant 73728 : i32
      %dma_start3A_184 = tpu.memref_slice %arg5[%dma_start3A_183] : memref<131072xi32, #tpu.memory_space<hbm>> -> memref<8192xi32, #tpu.memory_space<hbm>>
      %dma_start3A_185 = arith.constant 73728 : i32
      %dma_start3A_186 = tpu.memref_slice %arg5[%dma_start3A_185] : memref<131072xi32, #tpu.memory_space<hbm>> -> memref<8192xi32, #tpu.memory_space<hbm>>
      tpu.enqueue_dma source(%dma_start3A_186 : memref<8192xi32, #tpu.memory_space<hbm>>) target(%arg11 : memref<8192xi32, #tpu.memory_space<vmem>>) target_semaphore(%arg17 : memref<!tpu.dma_semaphore, #tpu.memory_space<semaphore_mem>>)
      %dma_start3A_187 = arith.constant 73728 : i32
      %dma_start3A_188 = tpu.memref_slice %arg2[%dma_start3A_187] : memref<131072xf32, #tpu.memory_space<hbm>> -> memref<8192xf32, #tpu.memory_space<hbm>>
      %dma_start3A_189 = arith.constant 73728 : i32
      %dma_start3A_190 = tpu.memref_slice %arg2[%dma_start3A_189] : memref<131072xf32, #tpu.memory_space<hbm>> -> memref<8192xf32, #tpu.memory_space<hbm>>
      tpu.enqueue_dma source(%dma_start3A_190 : memref<8192xf32, #tpu.memory_space<hbm>>) target(%arg12 : memref<8192xf32, #tpu.memory_space<vmem>>) target_semaphore(%arg17 : memref<!tpu.dma_semaphore, #tpu.memory_space<semaphore_mem>>)
      %dma_wait3A_191 = arith.constant 65536 : i32
      %dma_wait3A_192 = tpu.memref_slice %arg5[%dma_wait3A_191] : memref<131072xi32, #tpu.memory_space<hbm>> -> memref<8192xi32, #tpu.memory_space<hbm>>
      %dma_wait3A_193 = arith.constant 65536 : i32
      %dma_wait3A_194 = tpu.memref_slice %arg5[%dma_wait3A_193] : memref<131072xi32, #tpu.memory_space<hbm>> -> memref<8192xi32, #tpu.memory_space<hbm>>
      tpu.wait_dma2 semaphore(%arg16 : memref<!tpu.dma_semaphore, #tpu.memory_space<semaphore_mem>>) src(%dma_wait3A_194 : memref<8192xi32, #tpu.memory_space<hbm>>) dst(%arg9 : memref<8192xi32, #tpu.memory_space<vmem>>)
      %dma_wait3A_195 = arith.constant 65536 : i32
      %dma_wait3A_196 = tpu.memref_slice %arg2[%dma_wait3A_195] : memref<131072xf32, #tpu.memory_space<hbm>> -> memref<8192xf32, #tpu.memory_space<hbm>>
      %dma_wait3A_197 = arith.constant 65536 : i32
      %dma_wait3A_198 = tpu.memref_slice %arg2[%dma_wait3A_197] : memref<131072xf32, #tpu.memory_space<hbm>> -> memref<8192xf32, #tpu.memory_space<hbm>>
      tpu.wait_dma2 semaphore(%arg16 : memref<!tpu.dma_semaphore, #tpu.memory_space<semaphore_mem>>) src(%dma_wait3A_198 : memref<8192xf32, #tpu.memory_space<hbm>>) dst(%arg10 : memref<8192xf32, #tpu.memory_space<vmem>>)
      "tpu.region"() ({
        %run_scoped3A = tpu.sem_alloc : memref<!tpu.dma_semaphore, #tpu.memory_space<semaphore_mem>>
        %dma_start3A_303 = arith.constant 0 : i32
        %dma_start3A_304 = tpu.memref_slice %arg14[%dma_start3A_303] : memref<524288xf32, #tpu.memory_space<vmem_shared>> -> memref<524288xf32, #tpu.memory_space<vmem_shared>>
        tpu.enqueue_indirect_dma source(%arg10 : memref<8192xf32, #tpu.memory_space<vmem>>) target(%dma_start3A_304 : memref<524288xf32, #tpu.memory_space<vmem_shared>>) offsets(%arg9 : memref<8192xi32, #tpu.memory_space<vmem>>) semaphore(%run_scoped3A : memref<!tpu.dma_semaphore, #tpu.memory_space<semaphore_mem>>)
        %dma_wait3A_305 = arith.constant 0 : i32
        %dma_wait3A_306 = tpu.memref_slice %arg14[%dma_wait3A_305] : memref<524288xf32, #tpu.memory_space<vmem_shared>> -> memref<524288xf32, #tpu.memory_space<vmem_shared>>
        tpu.wait_indirect_dma semaphore(%run_scoped3A : memref<!tpu.dma_semaphore, #tpu.memory_space<semaphore_mem>>) src(%arg10 : memref<8192xf32, #tpu.memory_space<vmem>>) dst(%dma_wait3A_306 : memref<524288xf32, #tpu.memory_space<vmem_shared>>)
        tpu.yield
      }) : () -> ()
      %dma_start3A_199 = arith.constant 81920 : i32
      %dma_start3A_200 = tpu.memref_slice %arg5[%dma_start3A_199] : memref<131072xi32, #tpu.memory_space<hbm>> -> memref<8192xi32, #tpu.memory_space<hbm>>
      %dma_start3A_201 = arith.constant 81920 : i32
      %dma_start3A_202 = tpu.memref_slice %arg5[%dma_start3A_201] : memref<131072xi32, #tpu.memory_space<hbm>> -> memref<8192xi32, #tpu.memory_space<hbm>>
      tpu.enqueue_dma source(%dma_start3A_202 : memref<8192xi32, #tpu.memory_space<hbm>>) target(%arg9 : memref<8192xi32, #tpu.memory_space<vmem>>) target_semaphore(%arg16 : memref<!tpu.dma_semaphore, #tpu.memory_space<semaphore_mem>>)
      %dma_start3A_203 = arith.constant 81920 : i32
      %dma_start3A_204 = tpu.memref_slice %arg2[%dma_start3A_203] : memref<131072xf32, #tpu.memory_space<hbm>> -> memref<8192xf32, #tpu.memory_space<hbm>>
      %dma_start3A_205 = arith.constant 81920 : i32
      %dma_start3A_206 = tpu.memref_slice %arg2[%dma_start3A_205] : memref<131072xf32, #tpu.memory_space<hbm>> -> memref<8192xf32, #tpu.memory_space<hbm>>
      tpu.enqueue_dma source(%dma_start3A_206 : memref<8192xf32, #tpu.memory_space<hbm>>) target(%arg10 : memref<8192xf32, #tpu.memory_space<vmem>>) target_semaphore(%arg16 : memref<!tpu.dma_semaphore, #tpu.memory_space<semaphore_mem>>)
      %dma_wait3A_207 = arith.constant 73728 : i32
      %dma_wait3A_208 = tpu.memref_slice %arg5[%dma_wait3A_207] : memref<131072xi32, #tpu.memory_space<hbm>> -> memref<8192xi32, #tpu.memory_space<hbm>>
      %dma_wait3A_209 = arith.constant 73728 : i32
      %dma_wait3A_210 = tpu.memref_slice %arg5[%dma_wait3A_209] : memref<131072xi32, #tpu.memory_space<hbm>> -> memref<8192xi32, #tpu.memory_space<hbm>>
      tpu.wait_dma2 semaphore(%arg17 : memref<!tpu.dma_semaphore, #tpu.memory_space<semaphore_mem>>) src(%dma_wait3A_210 : memref<8192xi32, #tpu.memory_space<hbm>>) dst(%arg11 : memref<8192xi32, #tpu.memory_space<vmem>>)
      %dma_wait3A_211 = arith.constant 73728 : i32
      %dma_wait3A_212 = tpu.memref_slice %arg2[%dma_wait3A_211] : memref<131072xf32, #tpu.memory_space<hbm>> -> memref<8192xf32, #tpu.memory_space<hbm>>
      %dma_wait3A_213 = arith.constant 73728 : i32
      %dma_wait3A_214 = tpu.memref_slice %arg2[%dma_wait3A_213] : memref<131072xf32, #tpu.memory_space<hbm>> -> memref<8192xf32, #tpu.memory_space<hbm>>
      tpu.wait_dma2 semaphore(%arg17 : memref<!tpu.dma_semaphore, #tpu.memory_space<semaphore_mem>>) src(%dma_wait3A_214 : memref<8192xf32, #tpu.memory_space<hbm>>) dst(%arg12 : memref<8192xf32, #tpu.memory_space<vmem>>)
      "tpu.region"() ({
        %run_scoped3A = tpu.sem_alloc : memref<!tpu.dma_semaphore, #tpu.memory_space<semaphore_mem>>
        %dma_start3A_303 = arith.constant 0 : i32
        %dma_start3A_304 = tpu.memref_slice %arg14[%dma_start3A_303] : memref<524288xf32, #tpu.memory_space<vmem_shared>> -> memref<524288xf32, #tpu.memory_space<vmem_shared>>
        tpu.enqueue_indirect_dma source(%arg12 : memref<8192xf32, #tpu.memory_space<vmem>>) target(%dma_start3A_304 : memref<524288xf32, #tpu.memory_space<vmem_shared>>) offsets(%arg11 : memref<8192xi32, #tpu.memory_space<vmem>>) semaphore(%run_scoped3A : memref<!tpu.dma_semaphore, #tpu.memory_space<semaphore_mem>>)
        %dma_wait3A_305 = arith.constant 0 : i32
        %dma_wait3A_306 = tpu.memref_slice %arg14[%dma_wait3A_305] : memref<524288xf32, #tpu.memory_space<vmem_shared>> -> memref<524288xf32, #tpu.memory_space<vmem_shared>>
        tpu.wait_indirect_dma semaphore(%run_scoped3A : memref<!tpu.dma_semaphore, #tpu.memory_space<semaphore_mem>>) src(%arg12 : memref<8192xf32, #tpu.memory_space<vmem>>) dst(%dma_wait3A_306 : memref<524288xf32, #tpu.memory_space<vmem_shared>>)
        tpu.yield
      }) : () -> ()
      %dma_start3A_215 = arith.constant 90112 : i32
      %dma_start3A_216 = tpu.memref_slice %arg5[%dma_start3A_215] : memref<131072xi32, #tpu.memory_space<hbm>> -> memref<8192xi32, #tpu.memory_space<hbm>>
      %dma_start3A_217 = arith.constant 90112 : i32
      %dma_start3A_218 = tpu.memref_slice %arg5[%dma_start3A_217] : memref<131072xi32, #tpu.memory_space<hbm>> -> memref<8192xi32, #tpu.memory_space<hbm>>
      tpu.enqueue_dma source(%dma_start3A_218 : memref<8192xi32, #tpu.memory_space<hbm>>) target(%arg11 : memref<8192xi32, #tpu.memory_space<vmem>>) target_semaphore(%arg17 : memref<!tpu.dma_semaphore, #tpu.memory_space<semaphore_mem>>)
      %dma_start3A_219 = arith.constant 90112 : i32
      %dma_start3A_220 = tpu.memref_slice %arg2[%dma_start3A_219] : memref<131072xf32, #tpu.memory_space<hbm>> -> memref<8192xf32, #tpu.memory_space<hbm>>
      %dma_start3A_221 = arith.constant 90112 : i32
      %dma_start3A_222 = tpu.memref_slice %arg2[%dma_start3A_221] : memref<131072xf32, #tpu.memory_space<hbm>> -> memref<8192xf32, #tpu.memory_space<hbm>>
      tpu.enqueue_dma source(%dma_start3A_222 : memref<8192xf32, #tpu.memory_space<hbm>>) target(%arg12 : memref<8192xf32, #tpu.memory_space<vmem>>) target_semaphore(%arg17 : memref<!tpu.dma_semaphore, #tpu.memory_space<semaphore_mem>>)
      %dma_wait3A_223 = arith.constant 81920 : i32
      %dma_wait3A_224 = tpu.memref_slice %arg5[%dma_wait3A_223] : memref<131072xi32, #tpu.memory_space<hbm>> -> memref<8192xi32, #tpu.memory_space<hbm>>
      %dma_wait3A_225 = arith.constant 81920 : i32
      %dma_wait3A_226 = tpu.memref_slice %arg5[%dma_wait3A_225] : memref<131072xi32, #tpu.memory_space<hbm>> -> memref<8192xi32, #tpu.memory_space<hbm>>
      tpu.wait_dma2 semaphore(%arg16 : memref<!tpu.dma_semaphore, #tpu.memory_space<semaphore_mem>>) src(%dma_wait3A_226 : memref<8192xi32, #tpu.memory_space<hbm>>) dst(%arg9 : memref<8192xi32, #tpu.memory_space<vmem>>)
      %dma_wait3A_227 = arith.constant 81920 : i32
      %dma_wait3A_228 = tpu.memref_slice %arg2[%dma_wait3A_227] : memref<131072xf32, #tpu.memory_space<hbm>> -> memref<8192xf32, #tpu.memory_space<hbm>>
      %dma_wait3A_229 = arith.constant 81920 : i32
      %dma_wait3A_230 = tpu.memref_slice %arg2[%dma_wait3A_229] : memref<131072xf32, #tpu.memory_space<hbm>> -> memref<8192xf32, #tpu.memory_space<hbm>>
      tpu.wait_dma2 semaphore(%arg16 : memref<!tpu.dma_semaphore, #tpu.memory_space<semaphore_mem>>) src(%dma_wait3A_230 : memref<8192xf32, #tpu.memory_space<hbm>>) dst(%arg10 : memref<8192xf32, #tpu.memory_space<vmem>>)
      "tpu.region"() ({
        %run_scoped3A = tpu.sem_alloc : memref<!tpu.dma_semaphore, #tpu.memory_space<semaphore_mem>>
        %dma_start3A_303 = arith.constant 0 : i32
        %dma_start3A_304 = tpu.memref_slice %arg14[%dma_start3A_303] : memref<524288xf32, #tpu.memory_space<vmem_shared>> -> memref<524288xf32, #tpu.memory_space<vmem_shared>>
        tpu.enqueue_indirect_dma source(%arg10 : memref<8192xf32, #tpu.memory_space<vmem>>) target(%dma_start3A_304 : memref<524288xf32, #tpu.memory_space<vmem_shared>>) offsets(%arg9 : memref<8192xi32, #tpu.memory_space<vmem>>) semaphore(%run_scoped3A : memref<!tpu.dma_semaphore, #tpu.memory_space<semaphore_mem>>)
        %dma_wait3A_305 = arith.constant 0 : i32
        %dma_wait3A_306 = tpu.memref_slice %arg14[%dma_wait3A_305] : memref<524288xf32, #tpu.memory_space<vmem_shared>> -> memref<524288xf32, #tpu.memory_space<vmem_shared>>
        tpu.wait_indirect_dma semaphore(%run_scoped3A : memref<!tpu.dma_semaphore, #tpu.memory_space<semaphore_mem>>) src(%arg10 : memref<8192xf32, #tpu.memory_space<vmem>>) dst(%dma_wait3A_306 : memref<524288xf32, #tpu.memory_space<vmem_shared>>)
        tpu.yield
      }) : () -> ()
      %dma_start3A_231 = arith.constant 98304 : i32
      %dma_start3A_232 = tpu.memref_slice %arg5[%dma_start3A_231] : memref<131072xi32, #tpu.memory_space<hbm>> -> memref<8192xi32, #tpu.memory_space<hbm>>
      %dma_start3A_233 = arith.constant 98304 : i32
      %dma_start3A_234 = tpu.memref_slice %arg5[%dma_start3A_233] : memref<131072xi32, #tpu.memory_space<hbm>> -> memref<8192xi32, #tpu.memory_space<hbm>>
      tpu.enqueue_dma source(%dma_start3A_234 : memref<8192xi32, #tpu.memory_space<hbm>>) target(%arg9 : memref<8192xi32, #tpu.memory_space<vmem>>) target_semaphore(%arg16 : memref<!tpu.dma_semaphore, #tpu.memory_space<semaphore_mem>>)
      %dma_start3A_235 = arith.constant 98304 : i32
      %dma_start3A_236 = tpu.memref_slice %arg2[%dma_start3A_235] : memref<131072xf32, #tpu.memory_space<hbm>> -> memref<8192xf32, #tpu.memory_space<hbm>>
      %dma_start3A_237 = arith.constant 98304 : i32
      %dma_start3A_238 = tpu.memref_slice %arg2[%dma_start3A_237] : memref<131072xf32, #tpu.memory_space<hbm>> -> memref<8192xf32, #tpu.memory_space<hbm>>
      tpu.enqueue_dma source(%dma_start3A_238 : memref<8192xf32, #tpu.memory_space<hbm>>) target(%arg10 : memref<8192xf32, #tpu.memory_space<vmem>>) target_semaphore(%arg16 : memref<!tpu.dma_semaphore, #tpu.memory_space<semaphore_mem>>)
      %dma_wait3A_239 = arith.constant 90112 : i32
      %dma_wait3A_240 = tpu.memref_slice %arg5[%dma_wait3A_239] : memref<131072xi32, #tpu.memory_space<hbm>> -> memref<8192xi32, #tpu.memory_space<hbm>>
      %dma_wait3A_241 = arith.constant 90112 : i32
      %dma_wait3A_242 = tpu.memref_slice %arg5[%dma_wait3A_241] : memref<131072xi32, #tpu.memory_space<hbm>> -> memref<8192xi32, #tpu.memory_space<hbm>>
      tpu.wait_dma2 semaphore(%arg17 : memref<!tpu.dma_semaphore, #tpu.memory_space<semaphore_mem>>) src(%dma_wait3A_242 : memref<8192xi32, #tpu.memory_space<hbm>>) dst(%arg11 : memref<8192xi32, #tpu.memory_space<vmem>>)
      %dma_wait3A_243 = arith.constant 90112 : i32
      %dma_wait3A_244 = tpu.memref_slice %arg2[%dma_wait3A_243] : memref<131072xf32, #tpu.memory_space<hbm>> -> memref<8192xf32, #tpu.memory_space<hbm>>
      %dma_wait3A_245 = arith.constant 90112 : i32
      %dma_wait3A_246 = tpu.memref_slice %arg2[%dma_wait3A_245] : memref<131072xf32, #tpu.memory_space<hbm>> -> memref<8192xf32, #tpu.memory_space<hbm>>
      tpu.wait_dma2 semaphore(%arg17 : memref<!tpu.dma_semaphore, #tpu.memory_space<semaphore_mem>>) src(%dma_wait3A_246 : memref<8192xf32, #tpu.memory_space<hbm>>) dst(%arg12 : memref<8192xf32, #tpu.memory_space<vmem>>)
      "tpu.region"() ({
        %run_scoped3A = tpu.sem_alloc : memref<!tpu.dma_semaphore, #tpu.memory_space<semaphore_mem>>
        %dma_start3A_303 = arith.constant 0 : i32
        %dma_start3A_304 = tpu.memref_slice %arg14[%dma_start3A_303] : memref<524288xf32, #tpu.memory_space<vmem_shared>> -> memref<524288xf32, #tpu.memory_space<vmem_shared>>
        tpu.enqueue_indirect_dma source(%arg12 : memref<8192xf32, #tpu.memory_space<vmem>>) target(%dma_start3A_304 : memref<524288xf32, #tpu.memory_space<vmem_shared>>) offsets(%arg11 : memref<8192xi32, #tpu.memory_space<vmem>>) semaphore(%run_scoped3A : memref<!tpu.dma_semaphore, #tpu.memory_space<semaphore_mem>>)
        %dma_wait3A_305 = arith.constant 0 : i32
        %dma_wait3A_306 = tpu.memref_slice %arg14[%dma_wait3A_305] : memref<524288xf32, #tpu.memory_space<vmem_shared>> -> memref<524288xf32, #tpu.memory_space<vmem_shared>>
        tpu.wait_indirect_dma semaphore(%run_scoped3A : memref<!tpu.dma_semaphore, #tpu.memory_space<semaphore_mem>>) src(%arg12 : memref<8192xf32, #tpu.memory_space<vmem>>) dst(%dma_wait3A_306 : memref<524288xf32, #tpu.memory_space<vmem_shared>>)
        tpu.yield
      }) : () -> ()
      %dma_start3A_247 = arith.constant 106496 : i32
      %dma_start3A_248 = tpu.memref_slice %arg5[%dma_start3A_247] : memref<131072xi32, #tpu.memory_space<hbm>> -> memref<8192xi32, #tpu.memory_space<hbm>>
      %dma_start3A_249 = arith.constant 106496 : i32
      %dma_start3A_250 = tpu.memref_slice %arg5[%dma_start3A_249] : memref<131072xi32, #tpu.memory_space<hbm>> -> memref<8192xi32, #tpu.memory_space<hbm>>
      tpu.enqueue_dma source(%dma_start3A_250 : memref<8192xi32, #tpu.memory_space<hbm>>) target(%arg11 : memref<8192xi32, #tpu.memory_space<vmem>>) target_semaphore(%arg17 : memref<!tpu.dma_semaphore, #tpu.memory_space<semaphore_mem>>)
      %dma_start3A_251 = arith.constant 106496 : i32
      %dma_start3A_252 = tpu.memref_slice %arg2[%dma_start3A_251] : memref<131072xf32, #tpu.memory_space<hbm>> -> memref<8192xf32, #tpu.memory_space<hbm>>
      %dma_start3A_253 = arith.constant 106496 : i32
      %dma_start3A_254 = tpu.memref_slice %arg2[%dma_start3A_253] : memref<131072xf32, #tpu.memory_space<hbm>> -> memref<8192xf32, #tpu.memory_space<hbm>>
      tpu.enqueue_dma source(%dma_start3A_254 : memref<8192xf32, #tpu.memory_space<hbm>>) target(%arg12 : memref<8192xf32, #tpu.memory_space<vmem>>) target_semaphore(%arg17 : memref<!tpu.dma_semaphore, #tpu.memory_space<semaphore_mem>>)
      %dma_wait3A_255 = arith.constant 98304 : i32
      %dma_wait3A_256 = tpu.memref_slice %arg5[%dma_wait3A_255] : memref<131072xi32, #tpu.memory_space<hbm>> -> memref<8192xi32, #tpu.memory_space<hbm>>
      %dma_wait3A_257 = arith.constant 98304 : i32
      %dma_wait3A_258 = tpu.memref_slice %arg5[%dma_wait3A_257] : memref<131072xi32, #tpu.memory_space<hbm>> -> memref<8192xi32, #tpu.memory_space<hbm>>
      tpu.wait_dma2 semaphore(%arg16 : memref<!tpu.dma_semaphore, #tpu.memory_space<semaphore_mem>>) src(%dma_wait3A_258 : memref<8192xi32, #tpu.memory_space<hbm>>) dst(%arg9 : memref<8192xi32, #tpu.memory_space<vmem>>)
      %dma_wait3A_259 = arith.constant 98304 : i32
      %dma_wait3A_260 = tpu.memref_slice %arg2[%dma_wait3A_259] : memref<131072xf32, #tpu.memory_space<hbm>> -> memref<8192xf32, #tpu.memory_space<hbm>>
      %dma_wait3A_261 = arith.constant 98304 : i32
      %dma_wait3A_262 = tpu.memref_slice %arg2[%dma_wait3A_261] : memref<131072xf32, #tpu.memory_space<hbm>> -> memref<8192xf32, #tpu.memory_space<hbm>>
      tpu.wait_dma2 semaphore(%arg16 : memref<!tpu.dma_semaphore, #tpu.memory_space<semaphore_mem>>) src(%dma_wait3A_262 : memref<8192xf32, #tpu.memory_space<hbm>>) dst(%arg10 : memref<8192xf32, #tpu.memory_space<vmem>>)
      "tpu.region"() ({
        %run_scoped3A = tpu.sem_alloc : memref<!tpu.dma_semaphore, #tpu.memory_space<semaphore_mem>>
        %dma_start3A_303 = arith.constant 0 : i32
        %dma_start3A_304 = tpu.memref_slice %arg14[%dma_start3A_303] : memref<524288xf32, #tpu.memory_space<vmem_shared>> -> memref<524288xf32, #tpu.memory_space<vmem_shared>>
        tpu.enqueue_indirect_dma source(%arg10 : memref<8192xf32, #tpu.memory_space<vmem>>) target(%dma_start3A_304 : memref<524288xf32, #tpu.memory_space<vmem_shared>>) offsets(%arg9 : memref<8192xi32, #tpu.memory_space<vmem>>) semaphore(%run_scoped3A : memref<!tpu.dma_semaphore, #tpu.memory_space<semaphore_mem>>)
        %dma_wait3A_305 = arith.constant 0 : i32
        %dma_wait3A_306 = tpu.memref_slice %arg14[%dma_wait3A_305] : memref<524288xf32, #tpu.memory_space<vmem_shared>> -> memref<524288xf32, #tpu.memory_space<vmem_shared>>
        tpu.wait_indirect_dma semaphore(%run_scoped3A : memref<!tpu.dma_semaphore, #tpu.memory_space<semaphore_mem>>) src(%arg10 : memref<8192xf32, #tpu.memory_space<vmem>>) dst(%dma_wait3A_306 : memref<524288xf32, #tpu.memory_space<vmem_shared>>)
        tpu.yield
      }) : () -> ()
      %dma_start3A_263 = arith.constant 114688 : i32
      %dma_start3A_264 = tpu.memref_slice %arg5[%dma_start3A_263] : memref<131072xi32, #tpu.memory_space<hbm>> -> memref<8192xi32, #tpu.memory_space<hbm>>
      %dma_start3A_265 = arith.constant 114688 : i32
      %dma_start3A_266 = tpu.memref_slice %arg5[%dma_start3A_265] : memref<131072xi32, #tpu.memory_space<hbm>> -> memref<8192xi32, #tpu.memory_space<hbm>>
      tpu.enqueue_dma source(%dma_start3A_266 : memref<8192xi32, #tpu.memory_space<hbm>>) target(%arg9 : memref<8192xi32, #tpu.memory_space<vmem>>) target_semaphore(%arg16 : memref<!tpu.dma_semaphore, #tpu.memory_space<semaphore_mem>>)
      %dma_start3A_267 = arith.constant 114688 : i32
      %dma_start3A_268 = tpu.memref_slice %arg2[%dma_start3A_267] : memref<131072xf32, #tpu.memory_space<hbm>> -> memref<8192xf32, #tpu.memory_space<hbm>>
      %dma_start3A_269 = arith.constant 114688 : i32
      %dma_start3A_270 = tpu.memref_slice %arg2[%dma_start3A_269] : memref<131072xf32, #tpu.memory_space<hbm>> -> memref<8192xf32, #tpu.memory_space<hbm>>
      tpu.enqueue_dma source(%dma_start3A_270 : memref<8192xf32, #tpu.memory_space<hbm>>) target(%arg10 : memref<8192xf32, #tpu.memory_space<vmem>>) target_semaphore(%arg16 : memref<!tpu.dma_semaphore, #tpu.memory_space<semaphore_mem>>)
      %dma_wait3A_271 = arith.constant 106496 : i32
      %dma_wait3A_272 = tpu.memref_slice %arg5[%dma_wait3A_271] : memref<131072xi32, #tpu.memory_space<hbm>> -> memref<8192xi32, #tpu.memory_space<hbm>>
      %dma_wait3A_273 = arith.constant 106496 : i32
      %dma_wait3A_274 = tpu.memref_slice %arg5[%dma_wait3A_273] : memref<131072xi32, #tpu.memory_space<hbm>> -> memref<8192xi32, #tpu.memory_space<hbm>>
      tpu.wait_dma2 semaphore(%arg17 : memref<!tpu.dma_semaphore, #tpu.memory_space<semaphore_mem>>) src(%dma_wait3A_274 : memref<8192xi32, #tpu.memory_space<hbm>>) dst(%arg11 : memref<8192xi32, #tpu.memory_space<vmem>>)
      %dma_wait3A_275 = arith.constant 106496 : i32
      %dma_wait3A_276 = tpu.memref_slice %arg2[%dma_wait3A_275] : memref<131072xf32, #tpu.memory_space<hbm>> -> memref<8192xf32, #tpu.memory_space<hbm>>
      %dma_wait3A_277 = arith.constant 106496 : i32
      %dma_wait3A_278 = tpu.memref_slice %arg2[%dma_wait3A_277] : memref<131072xf32, #tpu.memory_space<hbm>> -> memref<8192xf32, #tpu.memory_space<hbm>>
      tpu.wait_dma2 semaphore(%arg17 : memref<!tpu.dma_semaphore, #tpu.memory_space<semaphore_mem>>) src(%dma_wait3A_278 : memref<8192xf32, #tpu.memory_space<hbm>>) dst(%arg12 : memref<8192xf32, #tpu.memory_space<vmem>>)
      "tpu.region"() ({
        %run_scoped3A = tpu.sem_alloc : memref<!tpu.dma_semaphore, #tpu.memory_space<semaphore_mem>>
        %dma_start3A_303 = arith.constant 0 : i32
        %dma_start3A_304 = tpu.memref_slice %arg14[%dma_start3A_303] : memref<524288xf32, #tpu.memory_space<vmem_shared>> -> memref<524288xf32, #tpu.memory_space<vmem_shared>>
        tpu.enqueue_indirect_dma source(%arg12 : memref<8192xf32, #tpu.memory_space<vmem>>) target(%dma_start3A_304 : memref<524288xf32, #tpu.memory_space<vmem_shared>>) offsets(%arg11 : memref<8192xi32, #tpu.memory_space<vmem>>) semaphore(%run_scoped3A : memref<!tpu.dma_semaphore, #tpu.memory_space<semaphore_mem>>)
        %dma_wait3A_305 = arith.constant 0 : i32
        %dma_wait3A_306 = tpu.memref_slice %arg14[%dma_wait3A_305] : memref<524288xf32, #tpu.memory_space<vmem_shared>> -> memref<524288xf32, #tpu.memory_space<vmem_shared>>
        tpu.wait_indirect_dma semaphore(%run_scoped3A : memref<!tpu.dma_semaphore, #tpu.memory_space<semaphore_mem>>) src(%arg12 : memref<8192xf32, #tpu.memory_space<vmem>>) dst(%dma_wait3A_306 : memref<524288xf32, #tpu.memory_space<vmem_shared>>)
        tpu.yield
      }) : () -> ()
      %dma_start3A_279 = arith.constant 122880 : i32
      %dma_start3A_280 = tpu.memref_slice %arg5[%dma_start3A_279] : memref<131072xi32, #tpu.memory_space<hbm>> -> memref<8192xi32, #tpu.memory_space<hbm>>
      %dma_start3A_281 = arith.constant 122880 : i32
      %dma_start3A_282 = tpu.memref_slice %arg5[%dma_start3A_281] : memref<131072xi32, #tpu.memory_space<hbm>> -> memref<8192xi32, #tpu.memory_space<hbm>>
      tpu.enqueue_dma source(%dma_start3A_282 : memref<8192xi32, #tpu.memory_space<hbm>>) target(%arg11 : memref<8192xi32, #tpu.memory_space<vmem>>) target_semaphore(%arg17 : memref<!tpu.dma_semaphore, #tpu.memory_space<semaphore_mem>>)
      %dma_start3A_283 = arith.constant 122880 : i32
      %dma_start3A_284 = tpu.memref_slice %arg2[%dma_start3A_283] : memref<131072xf32, #tpu.memory_space<hbm>> -> memref<8192xf32, #tpu.memory_space<hbm>>
      %dma_start3A_285 = arith.constant 122880 : i32
      %dma_start3A_286 = tpu.memref_slice %arg2[%dma_start3A_285] : memref<131072xf32, #tpu.memory_space<hbm>> -> memref<8192xf32, #tpu.memory_space<hbm>>
      tpu.enqueue_dma source(%dma_start3A_286 : memref<8192xf32, #tpu.memory_space<hbm>>) target(%arg12 : memref<8192xf32, #tpu.memory_space<vmem>>) target_semaphore(%arg17 : memref<!tpu.dma_semaphore, #tpu.memory_space<semaphore_mem>>)
      %dma_wait3A_287 = arith.constant 114688 : i32
      %dma_wait3A_288 = tpu.memref_slice %arg5[%dma_wait3A_287] : memref<131072xi32, #tpu.memory_space<hbm>> -> memref<8192xi32, #tpu.memory_space<hbm>>
      %dma_wait3A_289 = arith.constant 114688 : i32
      %dma_wait3A_290 = tpu.memref_slice %arg5[%dma_wait3A_289] : memref<131072xi32, #tpu.memory_space<hbm>> -> memref<8192xi32, #tpu.memory_space<hbm>>
      tpu.wait_dma2 semaphore(%arg16 : memref<!tpu.dma_semaphore, #tpu.memory_space<semaphore_mem>>) src(%dma_wait3A_290 : memref<8192xi32, #tpu.memory_space<hbm>>) dst(%arg9 : memref<8192xi32, #tpu.memory_space<vmem>>)
      %dma_wait3A_291 = arith.constant 114688 : i32
      %dma_wait3A_292 = tpu.memref_slice %arg2[%dma_wait3A_291] : memref<131072xf32, #tpu.memory_space<hbm>> -> memref<8192xf32, #tpu.memory_space<hbm>>
      %dma_wait3A_293 = arith.constant 114688 : i32
      %dma_wait3A_294 = tpu.memref_slice %arg2[%dma_wait3A_293] : memref<131072xf32, #tpu.memory_space<hbm>> -> memref<8192xf32, #tpu.memory_space<hbm>>
      tpu.wait_dma2 semaphore(%arg16 : memref<!tpu.dma_semaphore, #tpu.memory_space<semaphore_mem>>) src(%dma_wait3A_294 : memref<8192xf32, #tpu.memory_space<hbm>>) dst(%arg10 : memref<8192xf32, #tpu.memory_space<vmem>>)
      "tpu.region"() ({
        %run_scoped3A = tpu.sem_alloc : memref<!tpu.dma_semaphore, #tpu.memory_space<semaphore_mem>>
        %dma_start3A_303 = arith.constant 0 : i32
        %dma_start3A_304 = tpu.memref_slice %arg14[%dma_start3A_303] : memref<524288xf32, #tpu.memory_space<vmem_shared>> -> memref<524288xf32, #tpu.memory_space<vmem_shared>>
        tpu.enqueue_indirect_dma source(%arg10 : memref<8192xf32, #tpu.memory_space<vmem>>) target(%dma_start3A_304 : memref<524288xf32, #tpu.memory_space<vmem_shared>>) offsets(%arg9 : memref<8192xi32, #tpu.memory_space<vmem>>) semaphore(%run_scoped3A : memref<!tpu.dma_semaphore, #tpu.memory_space<semaphore_mem>>)
        %dma_wait3A_305 = arith.constant 0 : i32
        %dma_wait3A_306 = tpu.memref_slice %arg14[%dma_wait3A_305] : memref<524288xf32, #tpu.memory_space<vmem_shared>> -> memref<524288xf32, #tpu.memory_space<vmem_shared>>
        tpu.wait_indirect_dma semaphore(%run_scoped3A : memref<!tpu.dma_semaphore, #tpu.memory_space<semaphore_mem>>) src(%arg10 : memref<8192xf32, #tpu.memory_space<vmem>>) dst(%dma_wait3A_306 : memref<524288xf32, #tpu.memory_space<vmem_shared>>)
        tpu.yield
      }) : () -> ()
      %dma_wait3A_295 = arith.constant 122880 : i32
      %dma_wait3A_296 = tpu.memref_slice %arg5[%dma_wait3A_295] : memref<131072xi32, #tpu.memory_space<hbm>> -> memref<8192xi32, #tpu.memory_space<hbm>>
      %dma_wait3A_297 = arith.constant 122880 : i32
      %dma_wait3A_298 = tpu.memref_slice %arg5[%dma_wait3A_297] : memref<131072xi32, #tpu.memory_space<hbm>> -> memref<8192xi32, #tpu.memory_space<hbm>>
      tpu.wait_dma2 semaphore(%arg17 : memref<!tpu.dma_semaphore, #tpu.memory_space<semaphore_mem>>) src(%dma_wait3A_298 : memref<8192xi32, #tpu.memory_space<hbm>>) dst(%arg11 : memref<8192xi32, #tpu.memory_space<vmem>>)
      %dma_wait3A_299 = arith.constant 122880 : i32
      %dma_wait3A_300 = tpu.memref_slice %arg2[%dma_wait3A_299] : memref<131072xf32, #tpu.memory_space<hbm>> -> memref<8192xf32, #tpu.memory_space<hbm>>
      %dma_wait3A_301 = arith.constant 122880 : i32
      %dma_wait3A_302 = tpu.memref_slice %arg2[%dma_wait3A_301] : memref<131072xf32, #tpu.memory_space<hbm>> -> memref<8192xf32, #tpu.memory_space<hbm>>
      tpu.wait_dma2 semaphore(%arg17 : memref<!tpu.dma_semaphore, #tpu.memory_space<semaphore_mem>>) src(%dma_wait3A_302 : memref<8192xf32, #tpu.memory_space<hbm>>) dst(%arg12 : memref<8192xf32, #tpu.memory_space<vmem>>)
      "tpu.region"() ({
        %run_scoped3A = tpu.sem_alloc : memref<!tpu.dma_semaphore, #tpu.memory_space<semaphore_mem>>
        %dma_start3A_303 = arith.constant 0 : i32
        %dma_start3A_304 = tpu.memref_slice %arg14[%dma_start3A_303] : memref<524288xf32, #tpu.memory_space<vmem_shared>> -> memref<524288xf32, #tpu.memory_space<vmem_shared>>
        tpu.enqueue_indirect_dma source(%arg12 : memref<8192xf32, #tpu.memory_space<vmem>>) target(%dma_start3A_304 : memref<524288xf32, #tpu.memory_space<vmem_shared>>) offsets(%arg11 : memref<8192xi32, #tpu.memory_space<vmem>>) semaphore(%run_scoped3A : memref<!tpu.dma_semaphore, #tpu.memory_space<semaphore_mem>>)
        %dma_wait3A_305 = arith.constant 0 : i32
        %dma_wait3A_306 = tpu.memref_slice %arg14[%dma_wait3A_305] : memref<524288xf32, #tpu.memory_space<vmem_shared>> -> memref<524288xf32, #tpu.memory_space<vmem_shared>>
        tpu.wait_indirect_dma semaphore(%run_scoped3A : memref<!tpu.dma_semaphore, #tpu.memory_space<semaphore_mem>>) src(%arg12 : memref<8192xf32, #tpu.memory_space<vmem>>) dst(%dma_wait3A_306 : memref<524288xf32, #tpu.memory_space<vmem_shared>>)
        tpu.yield
      }) : () -> ()
    } else {
    }
    %eq3A_22 = arith.constant 0 : i32
    %eq3A_23 = arith.cmpi eq, %arg0, %eq3A_22 : i32
    %eq3A_24 = arith.constant 1 : i32
    %eq3A_25 = arith.cmpi eq, %arg1, %eq3A_24 : i32
    %and3A_26 = arith.andi %eq3A_23, %eq3A_25 : i1
    %convert_element_type3A_27 = arith.extui %and3A_26 : i1 to i32
    %cond3A_28 = arith.constant 0 : i32
    %cond3A_29 = arith.cmpi ne, %convert_element_type3A_27, %cond3A_28 : i32
    scf.if %cond3A_29 {
      %dma_start3A = arith.constant 0 : i32
      %dma_start3A_49 = tpu.memref_slice %arg5[%dma_start3A] : memref<131072xi32, #tpu.memory_space<hbm>> -> memref<8192xi32, #tpu.memory_space<hbm>>
      %dma_start3A_50 = arith.constant 0 : i32
      %dma_start3A_51 = tpu.memref_slice %arg5[%dma_start3A_50] : memref<131072xi32, #tpu.memory_space<hbm>> -> memref<8192xi32, #tpu.memory_space<hbm>>
      tpu.enqueue_dma source(%dma_start3A_51 : memref<8192xi32, #tpu.memory_space<hbm>>) target(%arg9 : memref<8192xi32, #tpu.memory_space<vmem>>) target_semaphore(%arg16 : memref<!tpu.dma_semaphore, #tpu.memory_space<semaphore_mem>>)
      %dma_start3A_52 = arith.constant 0 : i32
      %dma_start3A_53 = tpu.memref_slice %arg3[%dma_start3A_52] : memref<131072xf32, #tpu.memory_space<hbm>> -> memref<8192xf32, #tpu.memory_space<hbm>>
      %dma_start3A_54 = arith.constant 0 : i32
      %dma_start3A_55 = tpu.memref_slice %arg3[%dma_start3A_54] : memref<131072xf32, #tpu.memory_space<hbm>> -> memref<8192xf32, #tpu.memory_space<hbm>>
      tpu.enqueue_dma source(%dma_start3A_55 : memref<8192xf32, #tpu.memory_space<hbm>>) target(%arg10 : memref<8192xf32, #tpu.memory_space<vmem>>) target_semaphore(%arg16 : memref<!tpu.dma_semaphore, #tpu.memory_space<semaphore_mem>>)
      %dma_start3A_56 = arith.constant 8192 : i32
      %dma_start3A_57 = tpu.memref_slice %arg5[%dma_start3A_56] : memref<131072xi32, #tpu.memory_space<hbm>> -> memref<8192xi32, #tpu.memory_space<hbm>>
      %dma_start3A_58 = arith.constant 8192 : i32
      %dma_start3A_59 = tpu.memref_slice %arg5[%dma_start3A_58] : memref<131072xi32, #tpu.memory_space<hbm>> -> memref<8192xi32, #tpu.memory_space<hbm>>
      tpu.enqueue_dma source(%dma_start3A_59 : memref<8192xi32, #tpu.memory_space<hbm>>) target(%arg11 : memref<8192xi32, #tpu.memory_space<vmem>>) target_semaphore(%arg17 : memref<!tpu.dma_semaphore, #tpu.memory_space<semaphore_mem>>)
      %dma_start3A_60 = arith.constant 8192 : i32
      %dma_start3A_61 = tpu.memref_slice %arg3[%dma_start3A_60] : memref<131072xf32, #tpu.memory_space<hbm>> -> memref<8192xf32, #tpu.memory_space<hbm>>
      %dma_start3A_62 = arith.constant 8192 : i32
      %dma_start3A_63 = tpu.memref_slice %arg3[%dma_start3A_62] : memref<131072xf32, #tpu.memory_space<hbm>> -> memref<8192xf32, #tpu.memory_space<hbm>>
      tpu.enqueue_dma source(%dma_start3A_63 : memref<8192xf32, #tpu.memory_space<hbm>>) target(%arg12 : memref<8192xf32, #tpu.memory_space<vmem>>) target_semaphore(%arg17 : memref<!tpu.dma_semaphore, #tpu.memory_space<semaphore_mem>>)
      %dma_wait3A = arith.constant 0 : i32
      %dma_wait3A_64 = tpu.memref_slice %arg5[%dma_wait3A] : memref<131072xi32, #tpu.memory_space<hbm>> -> memref<8192xi32, #tpu.memory_space<hbm>>
      %dma_wait3A_65 = arith.constant 0 : i32
      %dma_wait3A_66 = tpu.memref_slice %arg5[%dma_wait3A_65] : memref<131072xi32, #tpu.memory_space<hbm>> -> memref<8192xi32, #tpu.memory_space<hbm>>
      tpu.wait_dma2 semaphore(%arg16 : memref<!tpu.dma_semaphore, #tpu.memory_space<semaphore_mem>>) src(%dma_wait3A_66 : memref<8192xi32, #tpu.memory_space<hbm>>) dst(%arg9 : memref<8192xi32, #tpu.memory_space<vmem>>)
      %dma_wait3A_67 = arith.constant 0 : i32
      %dma_wait3A_68 = tpu.memref_slice %arg3[%dma_wait3A_67] : memref<131072xf32, #tpu.memory_space<hbm>> -> memref<8192xf32, #tpu.memory_space<hbm>>
      %dma_wait3A_69 = arith.constant 0 : i32
      %dma_wait3A_70 = tpu.memref_slice %arg3[%dma_wait3A_69] : memref<131072xf32, #tpu.memory_space<hbm>> -> memref<8192xf32, #tpu.memory_space<hbm>>
      tpu.wait_dma2 semaphore(%arg16 : memref<!tpu.dma_semaphore, #tpu.memory_space<semaphore_mem>>) src(%dma_wait3A_70 : memref<8192xf32, #tpu.memory_space<hbm>>) dst(%arg10 : memref<8192xf32, #tpu.memory_space<vmem>>)
      "tpu.region"() ({
        %run_scoped3A = tpu.sem_alloc : memref<!tpu.dma_semaphore, #tpu.memory_space<semaphore_mem>>
        %dma_start3A_303 = arith.constant 0 : i32
        %dma_start3A_304 = tpu.memref_slice %arg15[%dma_start3A_303] : memref<524288xf32, #tpu.memory_space<vmem_shared>> -> memref<524288xf32, #tpu.memory_space<vmem_shared>>
        tpu.enqueue_indirect_dma source(%arg10 : memref<8192xf32, #tpu.memory_space<vmem>>) target(%dma_start3A_304 : memref<524288xf32, #tpu.memory_space<vmem_shared>>) offsets(%arg9 : memref<8192xi32, #tpu.memory_space<vmem>>) semaphore(%run_scoped3A : memref<!tpu.dma_semaphore, #tpu.memory_space<semaphore_mem>>)
        %dma_wait3A_305 = arith.constant 0 : i32
        %dma_wait3A_306 = tpu.memref_slice %arg15[%dma_wait3A_305] : memref<524288xf32, #tpu.memory_space<vmem_shared>> -> memref<524288xf32, #tpu.memory_space<vmem_shared>>
        tpu.wait_indirect_dma semaphore(%run_scoped3A : memref<!tpu.dma_semaphore, #tpu.memory_space<semaphore_mem>>) src(%arg10 : memref<8192xf32, #tpu.memory_space<vmem>>) dst(%dma_wait3A_306 : memref<524288xf32, #tpu.memory_space<vmem_shared>>)
        tpu.yield
      }) : () -> ()
      %dma_start3A_71 = arith.constant 16384 : i32
      %dma_start3A_72 = tpu.memref_slice %arg5[%dma_start3A_71] : memref<131072xi32, #tpu.memory_space<hbm>> -> memref<8192xi32, #tpu.memory_space<hbm>>
      %dma_start3A_73 = arith.constant 16384 : i32
      %dma_start3A_74 = tpu.memref_slice %arg5[%dma_start3A_73] : memref<131072xi32, #tpu.memory_space<hbm>> -> memref<8192xi32, #tpu.memory_space<hbm>>
      tpu.enqueue_dma source(%dma_start3A_74 : memref<8192xi32, #tpu.memory_space<hbm>>) target(%arg9 : memref<8192xi32, #tpu.memory_space<vmem>>) target_semaphore(%arg16 : memref<!tpu.dma_semaphore, #tpu.memory_space<semaphore_mem>>)
      %dma_start3A_75 = arith.constant 16384 : i32
      %dma_start3A_76 = tpu.memref_slice %arg3[%dma_start3A_75] : memref<131072xf32, #tpu.memory_space<hbm>> -> memref<8192xf32, #tpu.memory_space<hbm>>
      %dma_start3A_77 = arith.constant 16384 : i32
      %dma_start3A_78 = tpu.memref_slice %arg3[%dma_start3A_77] : memref<131072xf32, #tpu.memory_space<hbm>> -> memref<8192xf32, #tpu.memory_space<hbm>>
      tpu.enqueue_dma source(%dma_start3A_78 : memref<8192xf32, #tpu.memory_space<hbm>>) target(%arg10 : memref<8192xf32, #tpu.memory_space<vmem>>) target_semaphore(%arg16 : memref<!tpu.dma_semaphore, #tpu.memory_space<semaphore_mem>>)
      %dma_wait3A_79 = arith.constant 8192 : i32
      %dma_wait3A_80 = tpu.memref_slice %arg5[%dma_wait3A_79] : memref<131072xi32, #tpu.memory_space<hbm>> -> memref<8192xi32, #tpu.memory_space<hbm>>
      %dma_wait3A_81 = arith.constant 8192 : i32
      %dma_wait3A_82 = tpu.memref_slice %arg5[%dma_wait3A_81] : memref<131072xi32, #tpu.memory_space<hbm>> -> memref<8192xi32, #tpu.memory_space<hbm>>
      tpu.wait_dma2 semaphore(%arg17 : memref<!tpu.dma_semaphore, #tpu.memory_space<semaphore_mem>>) src(%dma_wait3A_82 : memref<8192xi32, #tpu.memory_space<hbm>>) dst(%arg11 : memref<8192xi32, #tpu.memory_space<vmem>>)
      %dma_wait3A_83 = arith.constant 8192 : i32
      %dma_wait3A_84 = tpu.memref_slice %arg3[%dma_wait3A_83] : memref<131072xf32, #tpu.memory_space<hbm>> -> memref<8192xf32, #tpu.memory_space<hbm>>
      %dma_wait3A_85 = arith.constant 8192 : i32
      %dma_wait3A_86 = tpu.memref_slice %arg3[%dma_wait3A_85] : memref<131072xf32, #tpu.memory_space<hbm>> -> memref<8192xf32, #tpu.memory_space<hbm>>
      tpu.wait_dma2 semaphore(%arg17 : memref<!tpu.dma_semaphore, #tpu.memory_space<semaphore_mem>>) src(%dma_wait3A_86 : memref<8192xf32, #tpu.memory_space<hbm>>) dst(%arg12 : memref<8192xf32, #tpu.memory_space<vmem>>)
      "tpu.region"() ({
        %run_scoped3A = tpu.sem_alloc : memref<!tpu.dma_semaphore, #tpu.memory_space<semaphore_mem>>
        %dma_start3A_303 = arith.constant 0 : i32
        %dma_start3A_304 = tpu.memref_slice %arg15[%dma_start3A_303] : memref<524288xf32, #tpu.memory_space<vmem_shared>> -> memref<524288xf32, #tpu.memory_space<vmem_shared>>
        tpu.enqueue_indirect_dma source(%arg12 : memref<8192xf32, #tpu.memory_space<vmem>>) target(%dma_start3A_304 : memref<524288xf32, #tpu.memory_space<vmem_shared>>) offsets(%arg11 : memref<8192xi32, #tpu.memory_space<vmem>>) semaphore(%run_scoped3A : memref<!tpu.dma_semaphore, #tpu.memory_space<semaphore_mem>>)
        %dma_wait3A_305 = arith.constant 0 : i32
        %dma_wait3A_306 = tpu.memref_slice %arg15[%dma_wait3A_305] : memref<524288xf32, #tpu.memory_space<vmem_shared>> -> memref<524288xf32, #tpu.memory_space<vmem_shared>>
        tpu.wait_indirect_dma semaphore(%run_scoped3A : memref<!tpu.dma_semaphore, #tpu.memory_space<semaphore_mem>>) src(%arg12 : memref<8192xf32, #tpu.memory_space<vmem>>) dst(%dma_wait3A_306 : memref<524288xf32, #tpu.memory_space<vmem_shared>>)
        tpu.yield
      }) : () -> ()
      %dma_start3A_87 = arith.constant 24576 : i32
      %dma_start3A_88 = tpu.memref_slice %arg5[%dma_start3A_87] : memref<131072xi32, #tpu.memory_space<hbm>> -> memref<8192xi32, #tpu.memory_space<hbm>>
      %dma_start3A_89 = arith.constant 24576 : i32
      %dma_start3A_90 = tpu.memref_slice %arg5[%dma_start3A_89] : memref<131072xi32, #tpu.memory_space<hbm>> -> memref<8192xi32, #tpu.memory_space<hbm>>
      tpu.enqueue_dma source(%dma_start3A_90 : memref<8192xi32, #tpu.memory_space<hbm>>) target(%arg11 : memref<8192xi32, #tpu.memory_space<vmem>>) target_semaphore(%arg17 : memref<!tpu.dma_semaphore, #tpu.memory_space<semaphore_mem>>)
      %dma_start3A_91 = arith.constant 24576 : i32
      %dma_start3A_92 = tpu.memref_slice %arg3[%dma_start3A_91] : memref<131072xf32, #tpu.memory_space<hbm>> -> memref<8192xf32, #tpu.memory_space<hbm>>
      %dma_start3A_93 = arith.constant 24576 : i32
      %dma_start3A_94 = tpu.memref_slice %arg3[%dma_start3A_93] : memref<131072xf32, #tpu.memory_space<hbm>> -> memref<8192xf32, #tpu.memory_space<hbm>>
      tpu.enqueue_dma source(%dma_start3A_94 : memref<8192xf32, #tpu.memory_space<hbm>>) target(%arg12 : memref<8192xf32, #tpu.memory_space<vmem>>) target_semaphore(%arg17 : memref<!tpu.dma_semaphore, #tpu.memory_space<semaphore_mem>>)
      %dma_wait3A_95 = arith.constant 16384 : i32
      %dma_wait3A_96 = tpu.memref_slice %arg5[%dma_wait3A_95] : memref<131072xi32, #tpu.memory_space<hbm>> -> memref<8192xi32, #tpu.memory_space<hbm>>
      %dma_wait3A_97 = arith.constant 16384 : i32
      %dma_wait3A_98 = tpu.memref_slice %arg5[%dma_wait3A_97] : memref<131072xi32, #tpu.memory_space<hbm>> -> memref<8192xi32, #tpu.memory_space<hbm>>
      tpu.wait_dma2 semaphore(%arg16 : memref<!tpu.dma_semaphore, #tpu.memory_space<semaphore_mem>>) src(%dma_wait3A_98 : memref<8192xi32, #tpu.memory_space<hbm>>) dst(%arg9 : memref<8192xi32, #tpu.memory_space<vmem>>)
      %dma_wait3A_99 = arith.constant 16384 : i32
      %dma_wait3A_100 = tpu.memref_slice %arg3[%dma_wait3A_99] : memref<131072xf32, #tpu.memory_space<hbm>> -> memref<8192xf32, #tpu.memory_space<hbm>>
      %dma_wait3A_101 = arith.constant 16384 : i32
      %dma_wait3A_102 = tpu.memref_slice %arg3[%dma_wait3A_101] : memref<131072xf32, #tpu.memory_space<hbm>> -> memref<8192xf32, #tpu.memory_space<hbm>>
      tpu.wait_dma2 semaphore(%arg16 : memref<!tpu.dma_semaphore, #tpu.memory_space<semaphore_mem>>) src(%dma_wait3A_102 : memref<8192xf32, #tpu.memory_space<hbm>>) dst(%arg10 : memref<8192xf32, #tpu.memory_space<vmem>>)
      "tpu.region"() ({
        %run_scoped3A = tpu.sem_alloc : memref<!tpu.dma_semaphore, #tpu.memory_space<semaphore_mem>>
        %dma_start3A_303 = arith.constant 0 : i32
        %dma_start3A_304 = tpu.memref_slice %arg15[%dma_start3A_303] : memref<524288xf32, #tpu.memory_space<vmem_shared>> -> memref<524288xf32, #tpu.memory_space<vmem_shared>>
        tpu.enqueue_indirect_dma source(%arg10 : memref<8192xf32, #tpu.memory_space<vmem>>) target(%dma_start3A_304 : memref<524288xf32, #tpu.memory_space<vmem_shared>>) offsets(%arg9 : memref<8192xi32, #tpu.memory_space<vmem>>) semaphore(%run_scoped3A : memref<!tpu.dma_semaphore, #tpu.memory_space<semaphore_mem>>)
        %dma_wait3A_305 = arith.constant 0 : i32
        %dma_wait3A_306 = tpu.memref_slice %arg15[%dma_wait3A_305] : memref<524288xf32, #tpu.memory_space<vmem_shared>> -> memref<524288xf32, #tpu.memory_space<vmem_shared>>
        tpu.wait_indirect_dma semaphore(%run_scoped3A : memref<!tpu.dma_semaphore, #tpu.memory_space<semaphore_mem>>) src(%arg10 : memref<8192xf32, #tpu.memory_space<vmem>>) dst(%dma_wait3A_306 : memref<524288xf32, #tpu.memory_space<vmem_shared>>)
        tpu.yield
      }) : () -> ()
      %dma_start3A_103 = arith.constant 32768 : i32
      %dma_start3A_104 = tpu.memref_slice %arg5[%dma_start3A_103] : memref<131072xi32, #tpu.memory_space<hbm>> -> memref<8192xi32, #tpu.memory_space<hbm>>
      %dma_start3A_105 = arith.constant 32768 : i32
      %dma_start3A_106 = tpu.memref_slice %arg5[%dma_start3A_105] : memref<131072xi32, #tpu.memory_space<hbm>> -> memref<8192xi32, #tpu.memory_space<hbm>>
      tpu.enqueue_dma source(%dma_start3A_106 : memref<8192xi32, #tpu.memory_space<hbm>>) target(%arg9 : memref<8192xi32, #tpu.memory_space<vmem>>) target_semaphore(%arg16 : memref<!tpu.dma_semaphore, #tpu.memory_space<semaphore_mem>>)
      %dma_start3A_107 = arith.constant 32768 : i32
      %dma_start3A_108 = tpu.memref_slice %arg3[%dma_start3A_107] : memref<131072xf32, #tpu.memory_space<hbm>> -> memref<8192xf32, #tpu.memory_space<hbm>>
      %dma_start3A_109 = arith.constant 32768 : i32
      %dma_start3A_110 = tpu.memref_slice %arg3[%dma_start3A_109] : memref<131072xf32, #tpu.memory_space<hbm>> -> memref<8192xf32, #tpu.memory_space<hbm>>
      tpu.enqueue_dma source(%dma_start3A_110 : memref<8192xf32, #tpu.memory_space<hbm>>) target(%arg10 : memref<8192xf32, #tpu.memory_space<vmem>>) target_semaphore(%arg16 : memref<!tpu.dma_semaphore, #tpu.memory_space<semaphore_mem>>)
      %dma_wait3A_111 = arith.constant 24576 : i32
      %dma_wait3A_112 = tpu.memref_slice %arg5[%dma_wait3A_111] : memref<131072xi32, #tpu.memory_space<hbm>> -> memref<8192xi32, #tpu.memory_space<hbm>>
      %dma_wait3A_113 = arith.constant 24576 : i32
      %dma_wait3A_114 = tpu.memref_slice %arg5[%dma_wait3A_113] : memref<131072xi32, #tpu.memory_space<hbm>> -> memref<8192xi32, #tpu.memory_space<hbm>>
      tpu.wait_dma2 semaphore(%arg17 : memref<!tpu.dma_semaphore, #tpu.memory_space<semaphore_mem>>) src(%dma_wait3A_114 : memref<8192xi32, #tpu.memory_space<hbm>>) dst(%arg11 : memref<8192xi32, #tpu.memory_space<vmem>>)
      %dma_wait3A_115 = arith.constant 24576 : i32
      %dma_wait3A_116 = tpu.memref_slice %arg3[%dma_wait3A_115] : memref<131072xf32, #tpu.memory_space<hbm>> -> memref<8192xf32, #tpu.memory_space<hbm>>
      %dma_wait3A_117 = arith.constant 24576 : i32
      %dma_wait3A_118 = tpu.memref_slice %arg3[%dma_wait3A_117] : memref<131072xf32, #tpu.memory_space<hbm>> -> memref<8192xf32, #tpu.memory_space<hbm>>
      tpu.wait_dma2 semaphore(%arg17 : memref<!tpu.dma_semaphore, #tpu.memory_space<semaphore_mem>>) src(%dma_wait3A_118 : memref<8192xf32, #tpu.memory_space<hbm>>) dst(%arg12 : memref<8192xf32, #tpu.memory_space<vmem>>)
      "tpu.region"() ({
        %run_scoped3A = tpu.sem_alloc : memref<!tpu.dma_semaphore, #tpu.memory_space<semaphore_mem>>
        %dma_start3A_303 = arith.constant 0 : i32
        %dma_start3A_304 = tpu.memref_slice %arg15[%dma_start3A_303] : memref<524288xf32, #tpu.memory_space<vmem_shared>> -> memref<524288xf32, #tpu.memory_space<vmem_shared>>
        tpu.enqueue_indirect_dma source(%arg12 : memref<8192xf32, #tpu.memory_space<vmem>>) target(%dma_start3A_304 : memref<524288xf32, #tpu.memory_space<vmem_shared>>) offsets(%arg11 : memref<8192xi32, #tpu.memory_space<vmem>>) semaphore(%run_scoped3A : memref<!tpu.dma_semaphore, #tpu.memory_space<semaphore_mem>>)
        %dma_wait3A_305 = arith.constant 0 : i32
        %dma_wait3A_306 = tpu.memref_slice %arg15[%dma_wait3A_305] : memref<524288xf32, #tpu.memory_space<vmem_shared>> -> memref<524288xf32, #tpu.memory_space<vmem_shared>>
        tpu.wait_indirect_dma semaphore(%run_scoped3A : memref<!tpu.dma_semaphore, #tpu.memory_space<semaphore_mem>>) src(%arg12 : memref<8192xf32, #tpu.memory_space<vmem>>) dst(%dma_wait3A_306 : memref<524288xf32, #tpu.memory_space<vmem_shared>>)
        tpu.yield
      }) : () -> ()
      %dma_start3A_119 = arith.constant 40960 : i32
      %dma_start3A_120 = tpu.memref_slice %arg5[%dma_start3A_119] : memref<131072xi32, #tpu.memory_space<hbm>> -> memref<8192xi32, #tpu.memory_space<hbm>>
      %dma_start3A_121 = arith.constant 40960 : i32
      %dma_start3A_122 = tpu.memref_slice %arg5[%dma_start3A_121] : memref<131072xi32, #tpu.memory_space<hbm>> -> memref<8192xi32, #tpu.memory_space<hbm>>
      tpu.enqueue_dma source(%dma_start3A_122 : memref<8192xi32, #tpu.memory_space<hbm>>) target(%arg11 : memref<8192xi32, #tpu.memory_space<vmem>>) target_semaphore(%arg17 : memref<!tpu.dma_semaphore, #tpu.memory_space<semaphore_mem>>)
      %dma_start3A_123 = arith.constant 40960 : i32
      %dma_start3A_124 = tpu.memref_slice %arg3[%dma_start3A_123] : memref<131072xf32, #tpu.memory_space<hbm>> -> memref<8192xf32, #tpu.memory_space<hbm>>
      %dma_start3A_125 = arith.constant 40960 : i32
      %dma_start3A_126 = tpu.memref_slice %arg3[%dma_start3A_125] : memref<131072xf32, #tpu.memory_space<hbm>> -> memref<8192xf32, #tpu.memory_space<hbm>>
      tpu.enqueue_dma source(%dma_start3A_126 : memref<8192xf32, #tpu.memory_space<hbm>>) target(%arg12 : memref<8192xf32, #tpu.memory_space<vmem>>) target_semaphore(%arg17 : memref<!tpu.dma_semaphore, #tpu.memory_space<semaphore_mem>>)
      %dma_wait3A_127 = arith.constant 32768 : i32
      %dma_wait3A_128 = tpu.memref_slice %arg5[%dma_wait3A_127] : memref<131072xi32, #tpu.memory_space<hbm>> -> memref<8192xi32, #tpu.memory_space<hbm>>
      %dma_wait3A_129 = arith.constant 32768 : i32
      %dma_wait3A_130 = tpu.memref_slice %arg5[%dma_wait3A_129] : memref<131072xi32, #tpu.memory_space<hbm>> -> memref<8192xi32, #tpu.memory_space<hbm>>
      tpu.wait_dma2 semaphore(%arg16 : memref<!tpu.dma_semaphore, #tpu.memory_space<semaphore_mem>>) src(%dma_wait3A_130 : memref<8192xi32, #tpu.memory_space<hbm>>) dst(%arg9 : memref<8192xi32, #tpu.memory_space<vmem>>)
      %dma_wait3A_131 = arith.constant 32768 : i32
      %dma_wait3A_132 = tpu.memref_slice %arg3[%dma_wait3A_131] : memref<131072xf32, #tpu.memory_space<hbm>> -> memref<8192xf32, #tpu.memory_space<hbm>>
      %dma_wait3A_133 = arith.constant 32768 : i32
      %dma_wait3A_134 = tpu.memref_slice %arg3[%dma_wait3A_133] : memref<131072xf32, #tpu.memory_space<hbm>> -> memref<8192xf32, #tpu.memory_space<hbm>>
      tpu.wait_dma2 semaphore(%arg16 : memref<!tpu.dma_semaphore, #tpu.memory_space<semaphore_mem>>) src(%dma_wait3A_134 : memref<8192xf32, #tpu.memory_space<hbm>>) dst(%arg10 : memref<8192xf32, #tpu.memory_space<vmem>>)
      "tpu.region"() ({
        %run_scoped3A = tpu.sem_alloc : memref<!tpu.dma_semaphore, #tpu.memory_space<semaphore_mem>>
        %dma_start3A_303 = arith.constant 0 : i32
        %dma_start3A_304 = tpu.memref_slice %arg15[%dma_start3A_303] : memref<524288xf32, #tpu.memory_space<vmem_shared>> -> memref<524288xf32, #tpu.memory_space<vmem_shared>>
        tpu.enqueue_indirect_dma source(%arg10 : memref<8192xf32, #tpu.memory_space<vmem>>) target(%dma_start3A_304 : memref<524288xf32, #tpu.memory_space<vmem_shared>>) offsets(%arg9 : memref<8192xi32, #tpu.memory_space<vmem>>) semaphore(%run_scoped3A : memref<!tpu.dma_semaphore, #tpu.memory_space<semaphore_mem>>)
        %dma_wait3A_305 = arith.constant 0 : i32
        %dma_wait3A_306 = tpu.memref_slice %arg15[%dma_wait3A_305] : memref<524288xf32, #tpu.memory_space<vmem_shared>> -> memref<524288xf32, #tpu.memory_space<vmem_shared>>
        tpu.wait_indirect_dma semaphore(%run_scoped3A : memref<!tpu.dma_semaphore, #tpu.memory_space<semaphore_mem>>) src(%arg10 : memref<8192xf32, #tpu.memory_space<vmem>>) dst(%dma_wait3A_306 : memref<524288xf32, #tpu.memory_space<vmem_shared>>)
        tpu.yield
      }) : () -> ()
      %dma_start3A_135 = arith.constant 49152 : i32
      %dma_start3A_136 = tpu.memref_slice %arg5[%dma_start3A_135] : memref<131072xi32, #tpu.memory_space<hbm>> -> memref<8192xi32, #tpu.memory_space<hbm>>
      %dma_start3A_137 = arith.constant 49152 : i32
      %dma_start3A_138 = tpu.memref_slice %arg5[%dma_start3A_137] : memref<131072xi32, #tpu.memory_space<hbm>> -> memref<8192xi32, #tpu.memory_space<hbm>>
      tpu.enqueue_dma source(%dma_start3A_138 : memref<8192xi32, #tpu.memory_space<hbm>>) target(%arg9 : memref<8192xi32, #tpu.memory_space<vmem>>) target_semaphore(%arg16 : memref<!tpu.dma_semaphore, #tpu.memory_space<semaphore_mem>>)
      %dma_start3A_139 = arith.constant 49152 : i32
      %dma_start3A_140 = tpu.memref_slice %arg3[%dma_start3A_139] : memref<131072xf32, #tpu.memory_space<hbm>> -> memref<8192xf32, #tpu.memory_space<hbm>>
      %dma_start3A_141 = arith.constant 49152 : i32
      %dma_start3A_142 = tpu.memref_slice %arg3[%dma_start3A_141] : memref<131072xf32, #tpu.memory_space<hbm>> -> memref<8192xf32, #tpu.memory_space<hbm>>
      tpu.enqueue_dma source(%dma_start3A_142 : memref<8192xf32, #tpu.memory_space<hbm>>) target(%arg10 : memref<8192xf32, #tpu.memory_space<vmem>>) target_semaphore(%arg16 : memref<!tpu.dma_semaphore, #tpu.memory_space<semaphore_mem>>)
      %dma_wait3A_143 = arith.constant 40960 : i32
      %dma_wait3A_144 = tpu.memref_slice %arg5[%dma_wait3A_143] : memref<131072xi32, #tpu.memory_space<hbm>> -> memref<8192xi32, #tpu.memory_space<hbm>>
      %dma_wait3A_145 = arith.constant 40960 : i32
      %dma_wait3A_146 = tpu.memref_slice %arg5[%dma_wait3A_145] : memref<131072xi32, #tpu.memory_space<hbm>> -> memref<8192xi32, #tpu.memory_space<hbm>>
      tpu.wait_dma2 semaphore(%arg17 : memref<!tpu.dma_semaphore, #tpu.memory_space<semaphore_mem>>) src(%dma_wait3A_146 : memref<8192xi32, #tpu.memory_space<hbm>>) dst(%arg11 : memref<8192xi32, #tpu.memory_space<vmem>>)
      %dma_wait3A_147 = arith.constant 40960 : i32
      %dma_wait3A_148 = tpu.memref_slice %arg3[%dma_wait3A_147] : memref<131072xf32, #tpu.memory_space<hbm>> -> memref<8192xf32, #tpu.memory_space<hbm>>
      %dma_wait3A_149 = arith.constant 40960 : i32
      %dma_wait3A_150 = tpu.memref_slice %arg3[%dma_wait3A_149] : memref<131072xf32, #tpu.memory_space<hbm>> -> memref<8192xf32, #tpu.memory_space<hbm>>
      tpu.wait_dma2 semaphore(%arg17 : memref<!tpu.dma_semaphore, #tpu.memory_space<semaphore_mem>>) src(%dma_wait3A_150 : memref<8192xf32, #tpu.memory_space<hbm>>) dst(%arg12 : memref<8192xf32, #tpu.memory_space<vmem>>)
      "tpu.region"() ({
        %run_scoped3A = tpu.sem_alloc : memref<!tpu.dma_semaphore, #tpu.memory_space<semaphore_mem>>
        %dma_start3A_303 = arith.constant 0 : i32
        %dma_start3A_304 = tpu.memref_slice %arg15[%dma_start3A_303] : memref<524288xf32, #tpu.memory_space<vmem_shared>> -> memref<524288xf32, #tpu.memory_space<vmem_shared>>
        tpu.enqueue_indirect_dma source(%arg12 : memref<8192xf32, #tpu.memory_space<vmem>>) target(%dma_start3A_304 : memref<524288xf32, #tpu.memory_space<vmem_shared>>) offsets(%arg11 : memref<8192xi32, #tpu.memory_space<vmem>>) semaphore(%run_scoped3A : memref<!tpu.dma_semaphore, #tpu.memory_space<semaphore_mem>>)
        %dma_wait3A_305 = arith.constant 0 : i32
        %dma_wait3A_306 = tpu.memref_slice %arg15[%dma_wait3A_305] : memref<524288xf32, #tpu.memory_space<vmem_shared>> -> memref<524288xf32, #tpu.memory_space<vmem_shared>>
        tpu.wait_indirect_dma semaphore(%run_scoped3A : memref<!tpu.dma_semaphore, #tpu.memory_space<semaphore_mem>>) src(%arg12 : memref<8192xf32, #tpu.memory_space<vmem>>) dst(%dma_wait3A_306 : memref<524288xf32, #tpu.memory_space<vmem_shared>>)
        tpu.yield
      }) : () -> ()
      %dma_start3A_151 = arith.constant 57344 : i32
      %dma_start3A_152 = tpu.memref_slice %arg5[%dma_start3A_151] : memref<131072xi32, #tpu.memory_space<hbm>> -> memref<8192xi32, #tpu.memory_space<hbm>>
      %dma_start3A_153 = arith.constant 57344 : i32
      %dma_start3A_154 = tpu.memref_slice %arg5[%dma_start3A_153] : memref<131072xi32, #tpu.memory_space<hbm>> -> memref<8192xi32, #tpu.memory_space<hbm>>
      tpu.enqueue_dma source(%dma_start3A_154 : memref<8192xi32, #tpu.memory_space<hbm>>) target(%arg11 : memref<8192xi32, #tpu.memory_space<vmem>>) target_semaphore(%arg17 : memref<!tpu.dma_semaphore, #tpu.memory_space<semaphore_mem>>)
      %dma_start3A_155 = arith.constant 57344 : i32
      %dma_start3A_156 = tpu.memref_slice %arg3[%dma_start3A_155] : memref<131072xf32, #tpu.memory_space<hbm>> -> memref<8192xf32, #tpu.memory_space<hbm>>
      %dma_start3A_157 = arith.constant 57344 : i32
      %dma_start3A_158 = tpu.memref_slice %arg3[%dma_start3A_157] : memref<131072xf32, #tpu.memory_space<hbm>> -> memref<8192xf32, #tpu.memory_space<hbm>>
      tpu.enqueue_dma source(%dma_start3A_158 : memref<8192xf32, #tpu.memory_space<hbm>>) target(%arg12 : memref<8192xf32, #tpu.memory_space<vmem>>) target_semaphore(%arg17 : memref<!tpu.dma_semaphore, #tpu.memory_space<semaphore_mem>>)
      %dma_wait3A_159 = arith.constant 49152 : i32
      %dma_wait3A_160 = tpu.memref_slice %arg5[%dma_wait3A_159] : memref<131072xi32, #tpu.memory_space<hbm>> -> memref<8192xi32, #tpu.memory_space<hbm>>
      %dma_wait3A_161 = arith.constant 49152 : i32
      %dma_wait3A_162 = tpu.memref_slice %arg5[%dma_wait3A_161] : memref<131072xi32, #tpu.memory_space<hbm>> -> memref<8192xi32, #tpu.memory_space<hbm>>
      tpu.wait_dma2 semaphore(%arg16 : memref<!tpu.dma_semaphore, #tpu.memory_space<semaphore_mem>>) src(%dma_wait3A_162 : memref<8192xi32, #tpu.memory_space<hbm>>) dst(%arg9 : memref<8192xi32, #tpu.memory_space<vmem>>)
      %dma_wait3A_163 = arith.constant 49152 : i32
      %dma_wait3A_164 = tpu.memref_slice %arg3[%dma_wait3A_163] : memref<131072xf32, #tpu.memory_space<hbm>> -> memref<8192xf32, #tpu.memory_space<hbm>>
      %dma_wait3A_165 = arith.constant 49152 : i32
      %dma_wait3A_166 = tpu.memref_slice %arg3[%dma_wait3A_165] : memref<131072xf32, #tpu.memory_space<hbm>> -> memref<8192xf32, #tpu.memory_space<hbm>>
      tpu.wait_dma2 semaphore(%arg16 : memref<!tpu.dma_semaphore, #tpu.memory_space<semaphore_mem>>) src(%dma_wait3A_166 : memref<8192xf32, #tpu.memory_space<hbm>>) dst(%arg10 : memref<8192xf32, #tpu.memory_space<vmem>>)
      "tpu.region"() ({
        %run_scoped3A = tpu.sem_alloc : memref<!tpu.dma_semaphore, #tpu.memory_space<semaphore_mem>>
        %dma_start3A_303 = arith.constant 0 : i32
        %dma_start3A_304 = tpu.memref_slice %arg15[%dma_start3A_303] : memref<524288xf32, #tpu.memory_space<vmem_shared>> -> memref<524288xf32, #tpu.memory_space<vmem_shared>>
        tpu.enqueue_indirect_dma source(%arg10 : memref<8192xf32, #tpu.memory_space<vmem>>) target(%dma_start3A_304 : memref<524288xf32, #tpu.memory_space<vmem_shared>>) offsets(%arg9 : memref<8192xi32, #tpu.memory_space<vmem>>) semaphore(%run_scoped3A : memref<!tpu.dma_semaphore, #tpu.memory_space<semaphore_mem>>)
        %dma_wait3A_305 = arith.constant 0 : i32
        %dma_wait3A_306 = tpu.memref_slice %arg15[%dma_wait3A_305] : memref<524288xf32, #tpu.memory_space<vmem_shared>> -> memref<524288xf32, #tpu.memory_space<vmem_shared>>
        tpu.wait_indirect_dma semaphore(%run_scoped3A : memref<!tpu.dma_semaphore, #tpu.memory_space<semaphore_mem>>) src(%arg10 : memref<8192xf32, #tpu.memory_space<vmem>>) dst(%dma_wait3A_306 : memref<524288xf32, #tpu.memory_space<vmem_shared>>)
        tpu.yield
      }) : () -> ()
      %dma_start3A_167 = arith.constant 65536 : i32
      %dma_start3A_168 = tpu.memref_slice %arg5[%dma_start3A_167] : memref<131072xi32, #tpu.memory_space<hbm>> -> memref<8192xi32, #tpu.memory_space<hbm>>
      %dma_start3A_169 = arith.constant 65536 : i32
      %dma_start3A_170 = tpu.memref_slice %arg5[%dma_start3A_169] : memref<131072xi32, #tpu.memory_space<hbm>> -> memref<8192xi32, #tpu.memory_space<hbm>>
      tpu.enqueue_dma source(%dma_start3A_170 : memref<8192xi32, #tpu.memory_space<hbm>>) target(%arg9 : memref<8192xi32, #tpu.memory_space<vmem>>) target_semaphore(%arg16 : memref<!tpu.dma_semaphore, #tpu.memory_space<semaphore_mem>>)
      %dma_start3A_171 = arith.constant 65536 : i32
      %dma_start3A_172 = tpu.memref_slice %arg3[%dma_start3A_171] : memref<131072xf32, #tpu.memory_space<hbm>> -> memref<8192xf32, #tpu.memory_space<hbm>>
      %dma_start3A_173 = arith.constant 65536 : i32
      %dma_start3A_174 = tpu.memref_slice %arg3[%dma_start3A_173] : memref<131072xf32, #tpu.memory_space<hbm>> -> memref<8192xf32, #tpu.memory_space<hbm>>
      tpu.enqueue_dma source(%dma_start3A_174 : memref<8192xf32, #tpu.memory_space<hbm>>) target(%arg10 : memref<8192xf32, #tpu.memory_space<vmem>>) target_semaphore(%arg16 : memref<!tpu.dma_semaphore, #tpu.memory_space<semaphore_mem>>)
      %dma_wait3A_175 = arith.constant 57344 : i32
      %dma_wait3A_176 = tpu.memref_slice %arg5[%dma_wait3A_175] : memref<131072xi32, #tpu.memory_space<hbm>> -> memref<8192xi32, #tpu.memory_space<hbm>>
      %dma_wait3A_177 = arith.constant 57344 : i32
      %dma_wait3A_178 = tpu.memref_slice %arg5[%dma_wait3A_177] : memref<131072xi32, #tpu.memory_space<hbm>> -> memref<8192xi32, #tpu.memory_space<hbm>>
      tpu.wait_dma2 semaphore(%arg17 : memref<!tpu.dma_semaphore, #tpu.memory_space<semaphore_mem>>) src(%dma_wait3A_178 : memref<8192xi32, #tpu.memory_space<hbm>>) dst(%arg11 : memref<8192xi32, #tpu.memory_space<vmem>>)
      %dma_wait3A_179 = arith.constant 57344 : i32
      %dma_wait3A_180 = tpu.memref_slice %arg3[%dma_wait3A_179] : memref<131072xf32, #tpu.memory_space<hbm>> -> memref<8192xf32, #tpu.memory_space<hbm>>
      %dma_wait3A_181 = arith.constant 57344 : i32
      %dma_wait3A_182 = tpu.memref_slice %arg3[%dma_wait3A_181] : memref<131072xf32, #tpu.memory_space<hbm>> -> memref<8192xf32, #tpu.memory_space<hbm>>
      tpu.wait_dma2 semaphore(%arg17 : memref<!tpu.dma_semaphore, #tpu.memory_space<semaphore_mem>>) src(%dma_wait3A_182 : memref<8192xf32, #tpu.memory_space<hbm>>) dst(%arg12 : memref<8192xf32, #tpu.memory_space<vmem>>)
      "tpu.region"() ({
        %run_scoped3A = tpu.sem_alloc : memref<!tpu.dma_semaphore, #tpu.memory_space<semaphore_mem>>
        %dma_start3A_303 = arith.constant 0 : i32
        %dma_start3A_304 = tpu.memref_slice %arg15[%dma_start3A_303] : memref<524288xf32, #tpu.memory_space<vmem_shared>> -> memref<524288xf32, #tpu.memory_space<vmem_shared>>
        tpu.enqueue_indirect_dma source(%arg12 : memref<8192xf32, #tpu.memory_space<vmem>>) target(%dma_start3A_304 : memref<524288xf32, #tpu.memory_space<vmem_shared>>) offsets(%arg11 : memref<8192xi32, #tpu.memory_space<vmem>>) semaphore(%run_scoped3A : memref<!tpu.dma_semaphore, #tpu.memory_space<semaphore_mem>>)
        %dma_wait3A_305 = arith.constant 0 : i32
        %dma_wait3A_306 = tpu.memref_slice %arg15[%dma_wait3A_305] : memref<524288xf32, #tpu.memory_space<vmem_shared>> -> memref<524288xf32, #tpu.memory_space<vmem_shared>>
        tpu.wait_indirect_dma semaphore(%run_scoped3A : memref<!tpu.dma_semaphore, #tpu.memory_space<semaphore_mem>>) src(%arg12 : memref<8192xf32, #tpu.memory_space<vmem>>) dst(%dma_wait3A_306 : memref<524288xf32, #tpu.memory_space<vmem_shared>>)
        tpu.yield
      }) : () -> ()
      %dma_start3A_183 = arith.constant 73728 : i32
      %dma_start3A_184 = tpu.memref_slice %arg5[%dma_start3A_183] : memref<131072xi32, #tpu.memory_space<hbm>> -> memref<8192xi32, #tpu.memory_space<hbm>>
      %dma_start3A_185 = arith.constant 73728 : i32
      %dma_start3A_186 = tpu.memref_slice %arg5[%dma_start3A_185] : memref<131072xi32, #tpu.memory_space<hbm>> -> memref<8192xi32, #tpu.memory_space<hbm>>
      tpu.enqueue_dma source(%dma_start3A_186 : memref<8192xi32, #tpu.memory_space<hbm>>) target(%arg11 : memref<8192xi32, #tpu.memory_space<vmem>>) target_semaphore(%arg17 : memref<!tpu.dma_semaphore, #tpu.memory_space<semaphore_mem>>)
      %dma_start3A_187 = arith.constant 73728 : i32
      %dma_start3A_188 = tpu.memref_slice %arg3[%dma_start3A_187] : memref<131072xf32, #tpu.memory_space<hbm>> -> memref<8192xf32, #tpu.memory_space<hbm>>
      %dma_start3A_189 = arith.constant 73728 : i32
      %dma_start3A_190 = tpu.memref_slice %arg3[%dma_start3A_189] : memref<131072xf32, #tpu.memory_space<hbm>> -> memref<8192xf32, #tpu.memory_space<hbm>>
      tpu.enqueue_dma source(%dma_start3A_190 : memref<8192xf32, #tpu.memory_space<hbm>>) target(%arg12 : memref<8192xf32, #tpu.memory_space<vmem>>) target_semaphore(%arg17 : memref<!tpu.dma_semaphore, #tpu.memory_space<semaphore_mem>>)
      %dma_wait3A_191 = arith.constant 65536 : i32
      %dma_wait3A_192 = tpu.memref_slice %arg5[%dma_wait3A_191] : memref<131072xi32, #tpu.memory_space<hbm>> -> memref<8192xi32, #tpu.memory_space<hbm>>
      %dma_wait3A_193 = arith.constant 65536 : i32
      %dma_wait3A_194 = tpu.memref_slice %arg5[%dma_wait3A_193] : memref<131072xi32, #tpu.memory_space<hbm>> -> memref<8192xi32, #tpu.memory_space<hbm>>
      tpu.wait_dma2 semaphore(%arg16 : memref<!tpu.dma_semaphore, #tpu.memory_space<semaphore_mem>>) src(%dma_wait3A_194 : memref<8192xi32, #tpu.memory_space<hbm>>) dst(%arg9 : memref<8192xi32, #tpu.memory_space<vmem>>)
      %dma_wait3A_195 = arith.constant 65536 : i32
      %dma_wait3A_196 = tpu.memref_slice %arg3[%dma_wait3A_195] : memref<131072xf32, #tpu.memory_space<hbm>> -> memref<8192xf32, #tpu.memory_space<hbm>>
      %dma_wait3A_197 = arith.constant 65536 : i32
      %dma_wait3A_198 = tpu.memref_slice %arg3[%dma_wait3A_197] : memref<131072xf32, #tpu.memory_space<hbm>> -> memref<8192xf32, #tpu.memory_space<hbm>>
      tpu.wait_dma2 semaphore(%arg16 : memref<!tpu.dma_semaphore, #tpu.memory_space<semaphore_mem>>) src(%dma_wait3A_198 : memref<8192xf32, #tpu.memory_space<hbm>>) dst(%arg10 : memref<8192xf32, #tpu.memory_space<vmem>>)
      "tpu.region"() ({
        %run_scoped3A = tpu.sem_alloc : memref<!tpu.dma_semaphore, #tpu.memory_space<semaphore_mem>>
        %dma_start3A_303 = arith.constant 0 : i32
        %dma_start3A_304 = tpu.memref_slice %arg15[%dma_start3A_303] : memref<524288xf32, #tpu.memory_space<vmem_shared>> -> memref<524288xf32, #tpu.memory_space<vmem_shared>>
        tpu.enqueue_indirect_dma source(%arg10 : memref<8192xf32, #tpu.memory_space<vmem>>) target(%dma_start3A_304 : memref<524288xf32, #tpu.memory_space<vmem_shared>>) offsets(%arg9 : memref<8192xi32, #tpu.memory_space<vmem>>) semaphore(%run_scoped3A : memref<!tpu.dma_semaphore, #tpu.memory_space<semaphore_mem>>)
        %dma_wait3A_305 = arith.constant 0 : i32
        %dma_wait3A_306 = tpu.memref_slice %arg15[%dma_wait3A_305] : memref<524288xf32, #tpu.memory_space<vmem_shared>> -> memref<524288xf32, #tpu.memory_space<vmem_shared>>
        tpu.wait_indirect_dma semaphore(%run_scoped3A : memref<!tpu.dma_semaphore, #tpu.memory_space<semaphore_mem>>) src(%arg10 : memref<8192xf32, #tpu.memory_space<vmem>>) dst(%dma_wait3A_306 : memref<524288xf32, #tpu.memory_space<vmem_shared>>)
        tpu.yield
      }) : () -> ()
      %dma_start3A_199 = arith.constant 81920 : i32
      %dma_start3A_200 = tpu.memref_slice %arg5[%dma_start3A_199] : memref<131072xi32, #tpu.memory_space<hbm>> -> memref<8192xi32, #tpu.memory_space<hbm>>
      %dma_start3A_201 = arith.constant 81920 : i32
      %dma_start3A_202 = tpu.memref_slice %arg5[%dma_start3A_201] : memref<131072xi32, #tpu.memory_space<hbm>> -> memref<8192xi32, #tpu.memory_space<hbm>>
      tpu.enqueue_dma source(%dma_start3A_202 : memref<8192xi32, #tpu.memory_space<hbm>>) target(%arg9 : memref<8192xi32, #tpu.memory_space<vmem>>) target_semaphore(%arg16 : memref<!tpu.dma_semaphore, #tpu.memory_space<semaphore_mem>>)
      %dma_start3A_203 = arith.constant 81920 : i32
      %dma_start3A_204 = tpu.memref_slice %arg3[%dma_start3A_203] : memref<131072xf32, #tpu.memory_space<hbm>> -> memref<8192xf32, #tpu.memory_space<hbm>>
      %dma_start3A_205 = arith.constant 81920 : i32
      %dma_start3A_206 = tpu.memref_slice %arg3[%dma_start3A_205] : memref<131072xf32, #tpu.memory_space<hbm>> -> memref<8192xf32, #tpu.memory_space<hbm>>
      tpu.enqueue_dma source(%dma_start3A_206 : memref<8192xf32, #tpu.memory_space<hbm>>) target(%arg10 : memref<8192xf32, #tpu.memory_space<vmem>>) target_semaphore(%arg16 : memref<!tpu.dma_semaphore, #tpu.memory_space<semaphore_mem>>)
      %dma_wait3A_207 = arith.constant 73728 : i32
      %dma_wait3A_208 = tpu.memref_slice %arg5[%dma_wait3A_207] : memref<131072xi32, #tpu.memory_space<hbm>> -> memref<8192xi32, #tpu.memory_space<hbm>>
      %dma_wait3A_209 = arith.constant 73728 : i32
      %dma_wait3A_210 = tpu.memref_slice %arg5[%dma_wait3A_209] : memref<131072xi32, #tpu.memory_space<hbm>> -> memref<8192xi32, #tpu.memory_space<hbm>>
      tpu.wait_dma2 semaphore(%arg17 : memref<!tpu.dma_semaphore, #tpu.memory_space<semaphore_mem>>) src(%dma_wait3A_210 : memref<8192xi32, #tpu.memory_space<hbm>>) dst(%arg11 : memref<8192xi32, #tpu.memory_space<vmem>>)
      %dma_wait3A_211 = arith.constant 73728 : i32
      %dma_wait3A_212 = tpu.memref_slice %arg3[%dma_wait3A_211] : memref<131072xf32, #tpu.memory_space<hbm>> -> memref<8192xf32, #tpu.memory_space<hbm>>
      %dma_wait3A_213 = arith.constant 73728 : i32
      %dma_wait3A_214 = tpu.memref_slice %arg3[%dma_wait3A_213] : memref<131072xf32, #tpu.memory_space<hbm>> -> memref<8192xf32, #tpu.memory_space<hbm>>
      tpu.wait_dma2 semaphore(%arg17 : memref<!tpu.dma_semaphore, #tpu.memory_space<semaphore_mem>>) src(%dma_wait3A_214 : memref<8192xf32, #tpu.memory_space<hbm>>) dst(%arg12 : memref<8192xf32, #tpu.memory_space<vmem>>)
      "tpu.region"() ({
        %run_scoped3A = tpu.sem_alloc : memref<!tpu.dma_semaphore, #tpu.memory_space<semaphore_mem>>
        %dma_start3A_303 = arith.constant 0 : i32
        %dma_start3A_304 = tpu.memref_slice %arg15[%dma_start3A_303] : memref<524288xf32, #tpu.memory_space<vmem_shared>> -> memref<524288xf32, #tpu.memory_space<vmem_shared>>
        tpu.enqueue_indirect_dma source(%arg12 : memref<8192xf32, #tpu.memory_space<vmem>>) target(%dma_start3A_304 : memref<524288xf32, #tpu.memory_space<vmem_shared>>) offsets(%arg11 : memref<8192xi32, #tpu.memory_space<vmem>>) semaphore(%run_scoped3A : memref<!tpu.dma_semaphore, #tpu.memory_space<semaphore_mem>>)
        %dma_wait3A_305 = arith.constant 0 : i32
        %dma_wait3A_306 = tpu.memref_slice %arg15[%dma_wait3A_305] : memref<524288xf32, #tpu.memory_space<vmem_shared>> -> memref<524288xf32, #tpu.memory_space<vmem_shared>>
        tpu.wait_indirect_dma semaphore(%run_scoped3A : memref<!tpu.dma_semaphore, #tpu.memory_space<semaphore_mem>>) src(%arg12 : memref<8192xf32, #tpu.memory_space<vmem>>) dst(%dma_wait3A_306 : memref<524288xf32, #tpu.memory_space<vmem_shared>>)
        tpu.yield
      }) : () -> ()
      %dma_start3A_215 = arith.constant 90112 : i32
      %dma_start3A_216 = tpu.memref_slice %arg5[%dma_start3A_215] : memref<131072xi32, #tpu.memory_space<hbm>> -> memref<8192xi32, #tpu.memory_space<hbm>>
      %dma_start3A_217 = arith.constant 90112 : i32
      %dma_start3A_218 = tpu.memref_slice %arg5[%dma_start3A_217] : memref<131072xi32, #tpu.memory_space<hbm>> -> memref<8192xi32, #tpu.memory_space<hbm>>
      tpu.enqueue_dma source(%dma_start3A_218 : memref<8192xi32, #tpu.memory_space<hbm>>) target(%arg11 : memref<8192xi32, #tpu.memory_space<vmem>>) target_semaphore(%arg17 : memref<!tpu.dma_semaphore, #tpu.memory_space<semaphore_mem>>)
      %dma_start3A_219 = arith.constant 90112 : i32
      %dma_start3A_220 = tpu.memref_slice %arg3[%dma_start3A_219] : memref<131072xf32, #tpu.memory_space<hbm>> -> memref<8192xf32, #tpu.memory_space<hbm>>
      %dma_start3A_221 = arith.constant 90112 : i32
      %dma_start3A_222 = tpu.memref_slice %arg3[%dma_start3A_221] : memref<131072xf32, #tpu.memory_space<hbm>> -> memref<8192xf32, #tpu.memory_space<hbm>>
      tpu.enqueue_dma source(%dma_start3A_222 : memref<8192xf32, #tpu.memory_space<hbm>>) target(%arg12 : memref<8192xf32, #tpu.memory_space<vmem>>) target_semaphore(%arg17 : memref<!tpu.dma_semaphore, #tpu.memory_space<semaphore_mem>>)
      %dma_wait3A_223 = arith.constant 81920 : i32
      %dma_wait3A_224 = tpu.memref_slice %arg5[%dma_wait3A_223] : memref<131072xi32, #tpu.memory_space<hbm>> -> memref<8192xi32, #tpu.memory_space<hbm>>
      %dma_wait3A_225 = arith.constant 81920 : i32
      %dma_wait3A_226 = tpu.memref_slice %arg5[%dma_wait3A_225] : memref<131072xi32, #tpu.memory_space<hbm>> -> memref<8192xi32, #tpu.memory_space<hbm>>
      tpu.wait_dma2 semaphore(%arg16 : memref<!tpu.dma_semaphore, #tpu.memory_space<semaphore_mem>>) src(%dma_wait3A_226 : memref<8192xi32, #tpu.memory_space<hbm>>) dst(%arg9 : memref<8192xi32, #tpu.memory_space<vmem>>)
      %dma_wait3A_227 = arith.constant 81920 : i32
      %dma_wait3A_228 = tpu.memref_slice %arg3[%dma_wait3A_227] : memref<131072xf32, #tpu.memory_space<hbm>> -> memref<8192xf32, #tpu.memory_space<hbm>>
      %dma_wait3A_229 = arith.constant 81920 : i32
      %dma_wait3A_230 = tpu.memref_slice %arg3[%dma_wait3A_229] : memref<131072xf32, #tpu.memory_space<hbm>> -> memref<8192xf32, #tpu.memory_space<hbm>>
      tpu.wait_dma2 semaphore(%arg16 : memref<!tpu.dma_semaphore, #tpu.memory_space<semaphore_mem>>) src(%dma_wait3A_230 : memref<8192xf32, #tpu.memory_space<hbm>>) dst(%arg10 : memref<8192xf32, #tpu.memory_space<vmem>>)
      "tpu.region"() ({
        %run_scoped3A = tpu.sem_alloc : memref<!tpu.dma_semaphore, #tpu.memory_space<semaphore_mem>>
        %dma_start3A_303 = arith.constant 0 : i32
        %dma_start3A_304 = tpu.memref_slice %arg15[%dma_start3A_303] : memref<524288xf32, #tpu.memory_space<vmem_shared>> -> memref<524288xf32, #tpu.memory_space<vmem_shared>>
        tpu.enqueue_indirect_dma source(%arg10 : memref<8192xf32, #tpu.memory_space<vmem>>) target(%dma_start3A_304 : memref<524288xf32, #tpu.memory_space<vmem_shared>>) offsets(%arg9 : memref<8192xi32, #tpu.memory_space<vmem>>) semaphore(%run_scoped3A : memref<!tpu.dma_semaphore, #tpu.memory_space<semaphore_mem>>)
        %dma_wait3A_305 = arith.constant 0 : i32
        %dma_wait3A_306 = tpu.memref_slice %arg15[%dma_wait3A_305] : memref<524288xf32, #tpu.memory_space<vmem_shared>> -> memref<524288xf32, #tpu.memory_space<vmem_shared>>
        tpu.wait_indirect_dma semaphore(%run_scoped3A : memref<!tpu.dma_semaphore, #tpu.memory_space<semaphore_mem>>) src(%arg10 : memref<8192xf32, #tpu.memory_space<vmem>>) dst(%dma_wait3A_306 : memref<524288xf32, #tpu.memory_space<vmem_shared>>)
        tpu.yield
      }) : () -> ()
      %dma_start3A_231 = arith.constant 98304 : i32
      %dma_start3A_232 = tpu.memref_slice %arg5[%dma_start3A_231] : memref<131072xi32, #tpu.memory_space<hbm>> -> memref<8192xi32, #tpu.memory_space<hbm>>
      %dma_start3A_233 = arith.constant 98304 : i32
      %dma_start3A_234 = tpu.memref_slice %arg5[%dma_start3A_233] : memref<131072xi32, #tpu.memory_space<hbm>> -> memref<8192xi32, #tpu.memory_space<hbm>>
      tpu.enqueue_dma source(%dma_start3A_234 : memref<8192xi32, #tpu.memory_space<hbm>>) target(%arg9 : memref<8192xi32, #tpu.memory_space<vmem>>) target_semaphore(%arg16 : memref<!tpu.dma_semaphore, #tpu.memory_space<semaphore_mem>>)
      %dma_start3A_235 = arith.constant 98304 : i32
      %dma_start3A_236 = tpu.memref_slice %arg3[%dma_start3A_235] : memref<131072xf32, #tpu.memory_space<hbm>> -> memref<8192xf32, #tpu.memory_space<hbm>>
      %dma_start3A_237 = arith.constant 98304 : i32
      %dma_start3A_238 = tpu.memref_slice %arg3[%dma_start3A_237] : memref<131072xf32, #tpu.memory_space<hbm>> -> memref<8192xf32, #tpu.memory_space<hbm>>
      tpu.enqueue_dma source(%dma_start3A_238 : memref<8192xf32, #tpu.memory_space<hbm>>) target(%arg10 : memref<8192xf32, #tpu.memory_space<vmem>>) target_semaphore(%arg16 : memref<!tpu.dma_semaphore, #tpu.memory_space<semaphore_mem>>)
      %dma_wait3A_239 = arith.constant 90112 : i32
      %dma_wait3A_240 = tpu.memref_slice %arg5[%dma_wait3A_239] : memref<131072xi32, #tpu.memory_space<hbm>> -> memref<8192xi32, #tpu.memory_space<hbm>>
      %dma_wait3A_241 = arith.constant 90112 : i32
      %dma_wait3A_242 = tpu.memref_slice %arg5[%dma_wait3A_241] : memref<131072xi32, #tpu.memory_space<hbm>> -> memref<8192xi32, #tpu.memory_space<hbm>>
      tpu.wait_dma2 semaphore(%arg17 : memref<!tpu.dma_semaphore, #tpu.memory_space<semaphore_mem>>) src(%dma_wait3A_242 : memref<8192xi32, #tpu.memory_space<hbm>>) dst(%arg11 : memref<8192xi32, #tpu.memory_space<vmem>>)
      %dma_wait3A_243 = arith.constant 90112 : i32
      %dma_wait3A_244 = tpu.memref_slice %arg3[%dma_wait3A_243] : memref<131072xf32, #tpu.memory_space<hbm>> -> memref<8192xf32, #tpu.memory_space<hbm>>
      %dma_wait3A_245 = arith.constant 90112 : i32
      %dma_wait3A_246 = tpu.memref_slice %arg3[%dma_wait3A_245] : memref<131072xf32, #tpu.memory_space<hbm>> -> memref<8192xf32, #tpu.memory_space<hbm>>
      tpu.wait_dma2 semaphore(%arg17 : memref<!tpu.dma_semaphore, #tpu.memory_space<semaphore_mem>>) src(%dma_wait3A_246 : memref<8192xf32, #tpu.memory_space<hbm>>) dst(%arg12 : memref<8192xf32, #tpu.memory_space<vmem>>)
      "tpu.region"() ({
        %run_scoped3A = tpu.sem_alloc : memref<!tpu.dma_semaphore, #tpu.memory_space<semaphore_mem>>
        %dma_start3A_303 = arith.constant 0 : i32
        %dma_start3A_304 = tpu.memref_slice %arg15[%dma_start3A_303] : memref<524288xf32, #tpu.memory_space<vmem_shared>> -> memref<524288xf32, #tpu.memory_space<vmem_shared>>
        tpu.enqueue_indirect_dma source(%arg12 : memref<8192xf32, #tpu.memory_space<vmem>>) target(%dma_start3A_304 : memref<524288xf32, #tpu.memory_space<vmem_shared>>) offsets(%arg11 : memref<8192xi32, #tpu.memory_space<vmem>>) semaphore(%run_scoped3A : memref<!tpu.dma_semaphore, #tpu.memory_space<semaphore_mem>>)
        %dma_wait3A_305 = arith.constant 0 : i32
        %dma_wait3A_306 = tpu.memref_slice %arg15[%dma_wait3A_305] : memref<524288xf32, #tpu.memory_space<vmem_shared>> -> memref<524288xf32, #tpu.memory_space<vmem_shared>>
        tpu.wait_indirect_dma semaphore(%run_scoped3A : memref<!tpu.dma_semaphore, #tpu.memory_space<semaphore_mem>>) src(%arg12 : memref<8192xf32, #tpu.memory_space<vmem>>) dst(%dma_wait3A_306 : memref<524288xf32, #tpu.memory_space<vmem_shared>>)
        tpu.yield
      }) : () -> ()
      %dma_start3A_247 = arith.constant 106496 : i32
      %dma_start3A_248 = tpu.memref_slice %arg5[%dma_start3A_247] : memref<131072xi32, #tpu.memory_space<hbm>> -> memref<8192xi32, #tpu.memory_space<hbm>>
      %dma_start3A_249 = arith.constant 106496 : i32
      %dma_start3A_250 = tpu.memref_slice %arg5[%dma_start3A_249] : memref<131072xi32, #tpu.memory_space<hbm>> -> memref<8192xi32, #tpu.memory_space<hbm>>
      tpu.enqueue_dma source(%dma_start3A_250 : memref<8192xi32, #tpu.memory_space<hbm>>) target(%arg11 : memref<8192xi32, #tpu.memory_space<vmem>>) target_semaphore(%arg17 : memref<!tpu.dma_semaphore, #tpu.memory_space<semaphore_mem>>)
      %dma_start3A_251 = arith.constant 106496 : i32
      %dma_start3A_252 = tpu.memref_slice %arg3[%dma_start3A_251] : memref<131072xf32, #tpu.memory_space<hbm>> -> memref<8192xf32, #tpu.memory_space<hbm>>
      %dma_start3A_253 = arith.constant 106496 : i32
      %dma_start3A_254 = tpu.memref_slice %arg3[%dma_start3A_253] : memref<131072xf32, #tpu.memory_space<hbm>> -> memref<8192xf32, #tpu.memory_space<hbm>>
      tpu.enqueue_dma source(%dma_start3A_254 : memref<8192xf32, #tpu.memory_space<hbm>>) target(%arg12 : memref<8192xf32, #tpu.memory_space<vmem>>) target_semaphore(%arg17 : memref<!tpu.dma_semaphore, #tpu.memory_space<semaphore_mem>>)
      %dma_wait3A_255 = arith.constant 98304 : i32
      %dma_wait3A_256 = tpu.memref_slice %arg5[%dma_wait3A_255] : memref<131072xi32, #tpu.memory_space<hbm>> -> memref<8192xi32, #tpu.memory_space<hbm>>
      %dma_wait3A_257 = arith.constant 98304 : i32
      %dma_wait3A_258 = tpu.memref_slice %arg5[%dma_wait3A_257] : memref<131072xi32, #tpu.memory_space<hbm>> -> memref<8192xi32, #tpu.memory_space<hbm>>
      tpu.wait_dma2 semaphore(%arg16 : memref<!tpu.dma_semaphore, #tpu.memory_space<semaphore_mem>>) src(%dma_wait3A_258 : memref<8192xi32, #tpu.memory_space<hbm>>) dst(%arg9 : memref<8192xi32, #tpu.memory_space<vmem>>)
      %dma_wait3A_259 = arith.constant 98304 : i32
      %dma_wait3A_260 = tpu.memref_slice %arg3[%dma_wait3A_259] : memref<131072xf32, #tpu.memory_space<hbm>> -> memref<8192xf32, #tpu.memory_space<hbm>>
      %dma_wait3A_261 = arith.constant 98304 : i32
      %dma_wait3A_262 = tpu.memref_slice %arg3[%dma_wait3A_261] : memref<131072xf32, #tpu.memory_space<hbm>> -> memref<8192xf32, #tpu.memory_space<hbm>>
      tpu.wait_dma2 semaphore(%arg16 : memref<!tpu.dma_semaphore, #tpu.memory_space<semaphore_mem>>) src(%dma_wait3A_262 : memref<8192xf32, #tpu.memory_space<hbm>>) dst(%arg10 : memref<8192xf32, #tpu.memory_space<vmem>>)
      "tpu.region"() ({
        %run_scoped3A = tpu.sem_alloc : memref<!tpu.dma_semaphore, #tpu.memory_space<semaphore_mem>>
        %dma_start3A_303 = arith.constant 0 : i32
        %dma_start3A_304 = tpu.memref_slice %arg15[%dma_start3A_303] : memref<524288xf32, #tpu.memory_space<vmem_shared>> -> memref<524288xf32, #tpu.memory_space<vmem_shared>>
        tpu.enqueue_indirect_dma source(%arg10 : memref<8192xf32, #tpu.memory_space<vmem>>) target(%dma_start3A_304 : memref<524288xf32, #tpu.memory_space<vmem_shared>>) offsets(%arg9 : memref<8192xi32, #tpu.memory_space<vmem>>) semaphore(%run_scoped3A : memref<!tpu.dma_semaphore, #tpu.memory_space<semaphore_mem>>)
        %dma_wait3A_305 = arith.constant 0 : i32
        %dma_wait3A_306 = tpu.memref_slice %arg15[%dma_wait3A_305] : memref<524288xf32, #tpu.memory_space<vmem_shared>> -> memref<524288xf32, #tpu.memory_space<vmem_shared>>
        tpu.wait_indirect_dma semaphore(%run_scoped3A : memref<!tpu.dma_semaphore, #tpu.memory_space<semaphore_mem>>) src(%arg10 : memref<8192xf32, #tpu.memory_space<vmem>>) dst(%dma_wait3A_306 : memref<524288xf32, #tpu.memory_space<vmem_shared>>)
        tpu.yield
      }) : () -> ()
      %dma_start3A_263 = arith.constant 114688 : i32
      %dma_start3A_264 = tpu.memref_slice %arg5[%dma_start3A_263] : memref<131072xi32, #tpu.memory_space<hbm>> -> memref<8192xi32, #tpu.memory_space<hbm>>
      %dma_start3A_265 = arith.constant 114688 : i32
      %dma_start3A_266 = tpu.memref_slice %arg5[%dma_start3A_265] : memref<131072xi32, #tpu.memory_space<hbm>> -> memref<8192xi32, #tpu.memory_space<hbm>>
      tpu.enqueue_dma source(%dma_start3A_266 : memref<8192xi32, #tpu.memory_space<hbm>>) target(%arg9 : memref<8192xi32, #tpu.memory_space<vmem>>) target_semaphore(%arg16 : memref<!tpu.dma_semaphore, #tpu.memory_space<semaphore_mem>>)
      %dma_start3A_267 = arith.constant 114688 : i32
      %dma_start3A_268 = tpu.memref_slice %arg3[%dma_start3A_267] : memref<131072xf32, #tpu.memory_space<hbm>> -> memref<8192xf32, #tpu.memory_space<hbm>>
      %dma_start3A_269 = arith.constant 114688 : i32
      %dma_start3A_270 = tpu.memref_slice %arg3[%dma_start3A_269] : memref<131072xf32, #tpu.memory_space<hbm>> -> memref<8192xf32, #tpu.memory_space<hbm>>
      tpu.enqueue_dma source(%dma_start3A_270 : memref<8192xf32, #tpu.memory_space<hbm>>) target(%arg10 : memref<8192xf32, #tpu.memory_space<vmem>>) target_semaphore(%arg16 : memref<!tpu.dma_semaphore, #tpu.memory_space<semaphore_mem>>)
      %dma_wait3A_271 = arith.constant 106496 : i32
      %dma_wait3A_272 = tpu.memref_slice %arg5[%dma_wait3A_271] : memref<131072xi32, #tpu.memory_space<hbm>> -> memref<8192xi32, #tpu.memory_space<hbm>>
      %dma_wait3A_273 = arith.constant 106496 : i32
      %dma_wait3A_274 = tpu.memref_slice %arg5[%dma_wait3A_273] : memref<131072xi32, #tpu.memory_space<hbm>> -> memref<8192xi32, #tpu.memory_space<hbm>>
      tpu.wait_dma2 semaphore(%arg17 : memref<!tpu.dma_semaphore, #tpu.memory_space<semaphore_mem>>) src(%dma_wait3A_274 : memref<8192xi32, #tpu.memory_space<hbm>>) dst(%arg11 : memref<8192xi32, #tpu.memory_space<vmem>>)
      %dma_wait3A_275 = arith.constant 106496 : i32
      %dma_wait3A_276 = tpu.memref_slice %arg3[%dma_wait3A_275] : memref<131072xf32, #tpu.memory_space<hbm>> -> memref<8192xf32, #tpu.memory_space<hbm>>
      %dma_wait3A_277 = arith.constant 106496 : i32
      %dma_wait3A_278 = tpu.memref_slice %arg3[%dma_wait3A_277] : memref<131072xf32, #tpu.memory_space<hbm>> -> memref<8192xf32, #tpu.memory_space<hbm>>
      tpu.wait_dma2 semaphore(%arg17 : memref<!tpu.dma_semaphore, #tpu.memory_space<semaphore_mem>>) src(%dma_wait3A_278 : memref<8192xf32, #tpu.memory_space<hbm>>) dst(%arg12 : memref<8192xf32, #tpu.memory_space<vmem>>)
      "tpu.region"() ({
        %run_scoped3A = tpu.sem_alloc : memref<!tpu.dma_semaphore, #tpu.memory_space<semaphore_mem>>
        %dma_start3A_303 = arith.constant 0 : i32
        %dma_start3A_304 = tpu.memref_slice %arg15[%dma_start3A_303] : memref<524288xf32, #tpu.memory_space<vmem_shared>> -> memref<524288xf32, #tpu.memory_space<vmem_shared>>
        tpu.enqueue_indirect_dma source(%arg12 : memref<8192xf32, #tpu.memory_space<vmem>>) target(%dma_start3A_304 : memref<524288xf32, #tpu.memory_space<vmem_shared>>) offsets(%arg11 : memref<8192xi32, #tpu.memory_space<vmem>>) semaphore(%run_scoped3A : memref<!tpu.dma_semaphore, #tpu.memory_space<semaphore_mem>>)
        %dma_wait3A_305 = arith.constant 0 : i32
        %dma_wait3A_306 = tpu.memref_slice %arg15[%dma_wait3A_305] : memref<524288xf32, #tpu.memory_space<vmem_shared>> -> memref<524288xf32, #tpu.memory_space<vmem_shared>>
        tpu.wait_indirect_dma semaphore(%run_scoped3A : memref<!tpu.dma_semaphore, #tpu.memory_space<semaphore_mem>>) src(%arg12 : memref<8192xf32, #tpu.memory_space<vmem>>) dst(%dma_wait3A_306 : memref<524288xf32, #tpu.memory_space<vmem_shared>>)
        tpu.yield
      }) : () -> ()
      %dma_start3A_279 = arith.constant 122880 : i32
      %dma_start3A_280 = tpu.memref_slice %arg5[%dma_start3A_279] : memref<131072xi32, #tpu.memory_space<hbm>> -> memref<8192xi32, #tpu.memory_space<hbm>>
      %dma_start3A_281 = arith.constant 122880 : i32
      %dma_start3A_282 = tpu.memref_slice %arg5[%dma_start3A_281] : memref<131072xi32, #tpu.memory_space<hbm>> -> memref<8192xi32, #tpu.memory_space<hbm>>
      tpu.enqueue_dma source(%dma_start3A_282 : memref<8192xi32, #tpu.memory_space<hbm>>) target(%arg11 : memref<8192xi32, #tpu.memory_space<vmem>>) target_semaphore(%arg17 : memref<!tpu.dma_semaphore, #tpu.memory_space<semaphore_mem>>)
      %dma_start3A_283 = arith.constant 122880 : i32
      %dma_start3A_284 = tpu.memref_slice %arg3[%dma_start3A_283] : memref<131072xf32, #tpu.memory_space<hbm>> -> memref<8192xf32, #tpu.memory_space<hbm>>
      %dma_start3A_285 = arith.constant 122880 : i32
      %dma_start3A_286 = tpu.memref_slice %arg3[%dma_start3A_285] : memref<131072xf32, #tpu.memory_space<hbm>> -> memref<8192xf32, #tpu.memory_space<hbm>>
      tpu.enqueue_dma source(%dma_start3A_286 : memref<8192xf32, #tpu.memory_space<hbm>>) target(%arg12 : memref<8192xf32, #tpu.memory_space<vmem>>) target_semaphore(%arg17 : memref<!tpu.dma_semaphore, #tpu.memory_space<semaphore_mem>>)
      %dma_wait3A_287 = arith.constant 114688 : i32
      %dma_wait3A_288 = tpu.memref_slice %arg5[%dma_wait3A_287] : memref<131072xi32, #tpu.memory_space<hbm>> -> memref<8192xi32, #tpu.memory_space<hbm>>
      %dma_wait3A_289 = arith.constant 114688 : i32
      %dma_wait3A_290 = tpu.memref_slice %arg5[%dma_wait3A_289] : memref<131072xi32, #tpu.memory_space<hbm>> -> memref<8192xi32, #tpu.memory_space<hbm>>
      tpu.wait_dma2 semaphore(%arg16 : memref<!tpu.dma_semaphore, #tpu.memory_space<semaphore_mem>>) src(%dma_wait3A_290 : memref<8192xi32, #tpu.memory_space<hbm>>) dst(%arg9 : memref<8192xi32, #tpu.memory_space<vmem>>)
      %dma_wait3A_291 = arith.constant 114688 : i32
      %dma_wait3A_292 = tpu.memref_slice %arg3[%dma_wait3A_291] : memref<131072xf32, #tpu.memory_space<hbm>> -> memref<8192xf32, #tpu.memory_space<hbm>>
      %dma_wait3A_293 = arith.constant 114688 : i32
      %dma_wait3A_294 = tpu.memref_slice %arg3[%dma_wait3A_293] : memref<131072xf32, #tpu.memory_space<hbm>> -> memref<8192xf32, #tpu.memory_space<hbm>>
      tpu.wait_dma2 semaphore(%arg16 : memref<!tpu.dma_semaphore, #tpu.memory_space<semaphore_mem>>) src(%dma_wait3A_294 : memref<8192xf32, #tpu.memory_space<hbm>>) dst(%arg10 : memref<8192xf32, #tpu.memory_space<vmem>>)
      "tpu.region"() ({
        %run_scoped3A = tpu.sem_alloc : memref<!tpu.dma_semaphore, #tpu.memory_space<semaphore_mem>>
        %dma_start3A_303 = arith.constant 0 : i32
        %dma_start3A_304 = tpu.memref_slice %arg15[%dma_start3A_303] : memref<524288xf32, #tpu.memory_space<vmem_shared>> -> memref<524288xf32, #tpu.memory_space<vmem_shared>>
        tpu.enqueue_indirect_dma source(%arg10 : memref<8192xf32, #tpu.memory_space<vmem>>) target(%dma_start3A_304 : memref<524288xf32, #tpu.memory_space<vmem_shared>>) offsets(%arg9 : memref<8192xi32, #tpu.memory_space<vmem>>) semaphore(%run_scoped3A : memref<!tpu.dma_semaphore, #tpu.memory_space<semaphore_mem>>)
        %dma_wait3A_305 = arith.constant 0 : i32
        %dma_wait3A_306 = tpu.memref_slice %arg15[%dma_wait3A_305] : memref<524288xf32, #tpu.memory_space<vmem_shared>> -> memref<524288xf32, #tpu.memory_space<vmem_shared>>
        tpu.wait_indirect_dma semaphore(%run_scoped3A : memref<!tpu.dma_semaphore, #tpu.memory_space<semaphore_mem>>) src(%arg10 : memref<8192xf32, #tpu.memory_space<vmem>>) dst(%dma_wait3A_306 : memref<524288xf32, #tpu.memory_space<vmem_shared>>)
        tpu.yield
      }) : () -> ()
      %dma_wait3A_295 = arith.constant 122880 : i32
      %dma_wait3A_296 = tpu.memref_slice %arg5[%dma_wait3A_295] : memref<131072xi32, #tpu.memory_space<hbm>> -> memref<8192xi32, #tpu.memory_space<hbm>>
      %dma_wait3A_297 = arith.constant 122880 : i32
      %dma_wait3A_298 = tpu.memref_slice %arg5[%dma_wait3A_297] : memref<131072xi32, #tpu.memory_space<hbm>> -> memref<8192xi32, #tpu.memory_space<hbm>>
      tpu.wait_dma2 semaphore(%arg17 : memref<!tpu.dma_semaphore, #tpu.memory_space<semaphore_mem>>) src(%dma_wait3A_298 : memref<8192xi32, #tpu.memory_space<hbm>>) dst(%arg11 : memref<8192xi32, #tpu.memory_space<vmem>>)
      %dma_wait3A_299 = arith.constant 122880 : i32
      %dma_wait3A_300 = tpu.memref_slice %arg3[%dma_wait3A_299] : memref<131072xf32, #tpu.memory_space<hbm>> -> memref<8192xf32, #tpu.memory_space<hbm>>
      %dma_wait3A_301 = arith.constant 122880 : i32
      %dma_wait3A_302 = tpu.memref_slice %arg3[%dma_wait3A_301] : memref<131072xf32, #tpu.memory_space<hbm>> -> memref<8192xf32, #tpu.memory_space<hbm>>
      tpu.wait_dma2 semaphore(%arg17 : memref<!tpu.dma_semaphore, #tpu.memory_space<semaphore_mem>>) src(%dma_wait3A_302 : memref<8192xf32, #tpu.memory_space<hbm>>) dst(%arg12 : memref<8192xf32, #tpu.memory_space<vmem>>)
      "tpu.region"() ({
        %run_scoped3A = tpu.sem_alloc : memref<!tpu.dma_semaphore, #tpu.memory_space<semaphore_mem>>
        %dma_start3A_303 = arith.constant 0 : i32
        %dma_start3A_304 = tpu.memref_slice %arg15[%dma_start3A_303] : memref<524288xf32, #tpu.memory_space<vmem_shared>> -> memref<524288xf32, #tpu.memory_space<vmem_shared>>
        tpu.enqueue_indirect_dma source(%arg12 : memref<8192xf32, #tpu.memory_space<vmem>>) target(%dma_start3A_304 : memref<524288xf32, #tpu.memory_space<vmem_shared>>) offsets(%arg11 : memref<8192xi32, #tpu.memory_space<vmem>>) semaphore(%run_scoped3A : memref<!tpu.dma_semaphore, #tpu.memory_space<semaphore_mem>>)
        %dma_wait3A_305 = arith.constant 0 : i32
        %dma_wait3A_306 = tpu.memref_slice %arg15[%dma_wait3A_305] : memref<524288xf32, #tpu.memory_space<vmem_shared>> -> memref<524288xf32, #tpu.memory_space<vmem_shared>>
        tpu.wait_indirect_dma semaphore(%run_scoped3A : memref<!tpu.dma_semaphore, #tpu.memory_space<semaphore_mem>>) src(%arg12 : memref<8192xf32, #tpu.memory_space<vmem>>) dst(%dma_wait3A_306 : memref<524288xf32, #tpu.memory_space<vmem_shared>>)
        tpu.yield
      }) : () -> ()
    } else {
    }
    %eq3A_30 = arith.constant 1 : i32
    %eq3A_31 = arith.cmpi eq, %arg0, %eq3A_30 : i32
    %eq3A_32 = arith.constant 0 : i32
    %eq3A_33 = arith.cmpi eq, %arg1, %eq3A_32 : i32
    %and3A_34 = arith.andi %eq3A_31, %eq3A_33 : i1
    %convert_element_type3A_35 = arith.extui %and3A_34 : i1 to i32
    %cond3A_36 = arith.constant 0 : i32
    %cond3A_37 = arith.cmpi ne, %convert_element_type3A_35, %cond3A_36 : i32
    scf.if %cond3A_37 {
      %dma_start3A = arith.constant 0 : i32
      %dma_start3A_49 = tpu.memref_slice %arg5[%dma_start3A] : memref<131072xi32, #tpu.memory_space<hbm>> -> memref<8192xi32, #tpu.memory_space<hbm>>
      %dma_start3A_50 = arith.constant 0 : i32
      %dma_start3A_51 = tpu.memref_slice %arg5[%dma_start3A_50] : memref<131072xi32, #tpu.memory_space<hbm>> -> memref<8192xi32, #tpu.memory_space<hbm>>
      tpu.enqueue_dma source(%dma_start3A_51 : memref<8192xi32, #tpu.memory_space<hbm>>) target(%arg9 : memref<8192xi32, #tpu.memory_space<vmem>>) target_semaphore(%arg16 : memref<!tpu.dma_semaphore, #tpu.memory_space<semaphore_mem>>)
      %dma_start3A_52 = arith.constant 0 : i32
      %dma_start3A_53 = tpu.memref_slice %arg4[%dma_start3A_52] : memref<131072xf32, #tpu.memory_space<hbm>> -> memref<8192xf32, #tpu.memory_space<hbm>>
      %dma_start3A_54 = arith.constant 0 : i32
      %dma_start3A_55 = tpu.memref_slice %arg4[%dma_start3A_54] : memref<131072xf32, #tpu.memory_space<hbm>> -> memref<8192xf32, #tpu.memory_space<hbm>>
      tpu.enqueue_dma source(%dma_start3A_55 : memref<8192xf32, #tpu.memory_space<hbm>>) target(%arg10 : memref<8192xf32, #tpu.memory_space<vmem>>) target_semaphore(%arg16 : memref<!tpu.dma_semaphore, #tpu.memory_space<semaphore_mem>>)
      %dma_start3A_56 = arith.constant 8192 : i32
      %dma_start3A_57 = tpu.memref_slice %arg5[%dma_start3A_56] : memref<131072xi32, #tpu.memory_space<hbm>> -> memref<8192xi32, #tpu.memory_space<hbm>>
      %dma_start3A_58 = arith.constant 8192 : i32
      %dma_start3A_59 = tpu.memref_slice %arg5[%dma_start3A_58] : memref<131072xi32, #tpu.memory_space<hbm>> -> memref<8192xi32, #tpu.memory_space<hbm>>
      tpu.enqueue_dma source(%dma_start3A_59 : memref<8192xi32, #tpu.memory_space<hbm>>) target(%arg11 : memref<8192xi32, #tpu.memory_space<vmem>>) target_semaphore(%arg17 : memref<!tpu.dma_semaphore, #tpu.memory_space<semaphore_mem>>)
      %dma_start3A_60 = arith.constant 8192 : i32
      %dma_start3A_61 = tpu.memref_slice %arg4[%dma_start3A_60] : memref<131072xf32, #tpu.memory_space<hbm>> -> memref<8192xf32, #tpu.memory_space<hbm>>
      %dma_start3A_62 = arith.constant 8192 : i32
      %dma_start3A_63 = tpu.memref_slice %arg4[%dma_start3A_62] : memref<131072xf32, #tpu.memory_space<hbm>> -> memref<8192xf32, #tpu.memory_space<hbm>>
      tpu.enqueue_dma source(%dma_start3A_63 : memref<8192xf32, #tpu.memory_space<hbm>>) target(%arg12 : memref<8192xf32, #tpu.memory_space<vmem>>) target_semaphore(%arg17 : memref<!tpu.dma_semaphore, #tpu.memory_space<semaphore_mem>>)
      %dma_wait3A = arith.constant 0 : i32
      %dma_wait3A_64 = tpu.memref_slice %arg5[%dma_wait3A] : memref<131072xi32, #tpu.memory_space<hbm>> -> memref<8192xi32, #tpu.memory_space<hbm>>
      %dma_wait3A_65 = arith.constant 0 : i32
      %dma_wait3A_66 = tpu.memref_slice %arg5[%dma_wait3A_65] : memref<131072xi32, #tpu.memory_space<hbm>> -> memref<8192xi32, #tpu.memory_space<hbm>>
      tpu.wait_dma2 semaphore(%arg16 : memref<!tpu.dma_semaphore, #tpu.memory_space<semaphore_mem>>) src(%dma_wait3A_66 : memref<8192xi32, #tpu.memory_space<hbm>>) dst(%arg9 : memref<8192xi32, #tpu.memory_space<vmem>>)
      %dma_wait3A_67 = arith.constant 0 : i32
      %dma_wait3A_68 = tpu.memref_slice %arg4[%dma_wait3A_67] : memref<131072xf32, #tpu.memory_space<hbm>> -> memref<8192xf32, #tpu.memory_space<hbm>>
      %dma_wait3A_69 = arith.constant 0 : i32
      %dma_wait3A_70 = tpu.memref_slice %arg4[%dma_wait3A_69] : memref<131072xf32, #tpu.memory_space<hbm>> -> memref<8192xf32, #tpu.memory_space<hbm>>
      tpu.wait_dma2 semaphore(%arg16 : memref<!tpu.dma_semaphore, #tpu.memory_space<semaphore_mem>>) src(%dma_wait3A_70 : memref<8192xf32, #tpu.memory_space<hbm>>) dst(%arg10 : memref<8192xf32, #tpu.memory_space<vmem>>)
      "tpu.region"() ({
        %run_scoped3A = tpu.sem_alloc : memref<!tpu.dma_semaphore, #tpu.memory_space<semaphore_mem>>
        %dma_start3A_303 = arith.constant 0 : i32
        %dma_start3A_304 = tpu.memref_slice %arg14[%dma_start3A_303] : memref<524288xf32, #tpu.memory_space<vmem_shared>> -> memref<524288xf32, #tpu.memory_space<vmem_shared>>
        tpu.enqueue_indirect_dma source(%arg10 : memref<8192xf32, #tpu.memory_space<vmem>>) target(%dma_start3A_304 : memref<524288xf32, #tpu.memory_space<vmem_shared>>) offsets(%arg9 : memref<8192xi32, #tpu.memory_space<vmem>>) semaphore(%run_scoped3A : memref<!tpu.dma_semaphore, #tpu.memory_space<semaphore_mem>>)
        %dma_wait3A_305 = arith.constant 0 : i32
        %dma_wait3A_306 = tpu.memref_slice %arg14[%dma_wait3A_305] : memref<524288xf32, #tpu.memory_space<vmem_shared>> -> memref<524288xf32, #tpu.memory_space<vmem_shared>>
        tpu.wait_indirect_dma semaphore(%run_scoped3A : memref<!tpu.dma_semaphore, #tpu.memory_space<semaphore_mem>>) src(%arg10 : memref<8192xf32, #tpu.memory_space<vmem>>) dst(%dma_wait3A_306 : memref<524288xf32, #tpu.memory_space<vmem_shared>>)
        tpu.yield
      }) : () -> ()
      %dma_start3A_71 = arith.constant 16384 : i32
      %dma_start3A_72 = tpu.memref_slice %arg5[%dma_start3A_71] : memref<131072xi32, #tpu.memory_space<hbm>> -> memref<8192xi32, #tpu.memory_space<hbm>>
      %dma_start3A_73 = arith.constant 16384 : i32
      %dma_start3A_74 = tpu.memref_slice %arg5[%dma_start3A_73] : memref<131072xi32, #tpu.memory_space<hbm>> -> memref<8192xi32, #tpu.memory_space<hbm>>
      tpu.enqueue_dma source(%dma_start3A_74 : memref<8192xi32, #tpu.memory_space<hbm>>) target(%arg9 : memref<8192xi32, #tpu.memory_space<vmem>>) target_semaphore(%arg16 : memref<!tpu.dma_semaphore, #tpu.memory_space<semaphore_mem>>)
      %dma_start3A_75 = arith.constant 16384 : i32
      %dma_start3A_76 = tpu.memref_slice %arg4[%dma_start3A_75] : memref<131072xf32, #tpu.memory_space<hbm>> -> memref<8192xf32, #tpu.memory_space<hbm>>
      %dma_start3A_77 = arith.constant 16384 : i32
      %dma_start3A_78 = tpu.memref_slice %arg4[%dma_start3A_77] : memref<131072xf32, #tpu.memory_space<hbm>> -> memref<8192xf32, #tpu.memory_space<hbm>>
      tpu.enqueue_dma source(%dma_start3A_78 : memref<8192xf32, #tpu.memory_space<hbm>>) target(%arg10 : memref<8192xf32, #tpu.memory_space<vmem>>) target_semaphore(%arg16 : memref<!tpu.dma_semaphore, #tpu.memory_space<semaphore_mem>>)
      %dma_wait3A_79 = arith.constant 8192 : i32
      %dma_wait3A_80 = tpu.memref_slice %arg5[%dma_wait3A_79] : memref<131072xi32, #tpu.memory_space<hbm>> -> memref<8192xi32, #tpu.memory_space<hbm>>
      %dma_wait3A_81 = arith.constant 8192 : i32
      %dma_wait3A_82 = tpu.memref_slice %arg5[%dma_wait3A_81] : memref<131072xi32, #tpu.memory_space<hbm>> -> memref<8192xi32, #tpu.memory_space<hbm>>
      tpu.wait_dma2 semaphore(%arg17 : memref<!tpu.dma_semaphore, #tpu.memory_space<semaphore_mem>>) src(%dma_wait3A_82 : memref<8192xi32, #tpu.memory_space<hbm>>) dst(%arg11 : memref<8192xi32, #tpu.memory_space<vmem>>)
      %dma_wait3A_83 = arith.constant 8192 : i32
      %dma_wait3A_84 = tpu.memref_slice %arg4[%dma_wait3A_83] : memref<131072xf32, #tpu.memory_space<hbm>> -> memref<8192xf32, #tpu.memory_space<hbm>>
      %dma_wait3A_85 = arith.constant 8192 : i32
      %dma_wait3A_86 = tpu.memref_slice %arg4[%dma_wait3A_85] : memref<131072xf32, #tpu.memory_space<hbm>> -> memref<8192xf32, #tpu.memory_space<hbm>>
      tpu.wait_dma2 semaphore(%arg17 : memref<!tpu.dma_semaphore, #tpu.memory_space<semaphore_mem>>) src(%dma_wait3A_86 : memref<8192xf32, #tpu.memory_space<hbm>>) dst(%arg12 : memref<8192xf32, #tpu.memory_space<vmem>>)
      "tpu.region"() ({
        %run_scoped3A = tpu.sem_alloc : memref<!tpu.dma_semaphore, #tpu.memory_space<semaphore_mem>>
        %dma_start3A_303 = arith.constant 0 : i32
        %dma_start3A_304 = tpu.memref_slice %arg14[%dma_start3A_303] : memref<524288xf32, #tpu.memory_space<vmem_shared>> -> memref<524288xf32, #tpu.memory_space<vmem_shared>>
        tpu.enqueue_indirect_dma source(%arg12 : memref<8192xf32, #tpu.memory_space<vmem>>) target(%dma_start3A_304 : memref<524288xf32, #tpu.memory_space<vmem_shared>>) offsets(%arg11 : memref<8192xi32, #tpu.memory_space<vmem>>) semaphore(%run_scoped3A : memref<!tpu.dma_semaphore, #tpu.memory_space<semaphore_mem>>)
        %dma_wait3A_305 = arith.constant 0 : i32
        %dma_wait3A_306 = tpu.memref_slice %arg14[%dma_wait3A_305] : memref<524288xf32, #tpu.memory_space<vmem_shared>> -> memref<524288xf32, #tpu.memory_space<vmem_shared>>
        tpu.wait_indirect_dma semaphore(%run_scoped3A : memref<!tpu.dma_semaphore, #tpu.memory_space<semaphore_mem>>) src(%arg12 : memref<8192xf32, #tpu.memory_space<vmem>>) dst(%dma_wait3A_306 : memref<524288xf32, #tpu.memory_space<vmem_shared>>)
        tpu.yield
      }) : () -> ()
      %dma_start3A_87 = arith.constant 24576 : i32
      %dma_start3A_88 = tpu.memref_slice %arg5[%dma_start3A_87] : memref<131072xi32, #tpu.memory_space<hbm>> -> memref<8192xi32, #tpu.memory_space<hbm>>
      %dma_start3A_89 = arith.constant 24576 : i32
      %dma_start3A_90 = tpu.memref_slice %arg5[%dma_start3A_89] : memref<131072xi32, #tpu.memory_space<hbm>> -> memref<8192xi32, #tpu.memory_space<hbm>>
      tpu.enqueue_dma source(%dma_start3A_90 : memref<8192xi32, #tpu.memory_space<hbm>>) target(%arg11 : memref<8192xi32, #tpu.memory_space<vmem>>) target_semaphore(%arg17 : memref<!tpu.dma_semaphore, #tpu.memory_space<semaphore_mem>>)
      %dma_start3A_91 = arith.constant 24576 : i32
      %dma_start3A_92 = tpu.memref_slice %arg4[%dma_start3A_91] : memref<131072xf32, #tpu.memory_space<hbm>> -> memref<8192xf32, #tpu.memory_space<hbm>>
      %dma_start3A_93 = arith.constant 24576 : i32
      %dma_start3A_94 = tpu.memref_slice %arg4[%dma_start3A_93] : memref<131072xf32, #tpu.memory_space<hbm>> -> memref<8192xf32, #tpu.memory_space<hbm>>
      tpu.enqueue_dma source(%dma_start3A_94 : memref<8192xf32, #tpu.memory_space<hbm>>) target(%arg12 : memref<8192xf32, #tpu.memory_space<vmem>>) target_semaphore(%arg17 : memref<!tpu.dma_semaphore, #tpu.memory_space<semaphore_mem>>)
      %dma_wait3A_95 = arith.constant 16384 : i32
      %dma_wait3A_96 = tpu.memref_slice %arg5[%dma_wait3A_95] : memref<131072xi32, #tpu.memory_space<hbm>> -> memref<8192xi32, #tpu.memory_space<hbm>>
      %dma_wait3A_97 = arith.constant 16384 : i32
      %dma_wait3A_98 = tpu.memref_slice %arg5[%dma_wait3A_97] : memref<131072xi32, #tpu.memory_space<hbm>> -> memref<8192xi32, #tpu.memory_space<hbm>>
      tpu.wait_dma2 semaphore(%arg16 : memref<!tpu.dma_semaphore, #tpu.memory_space<semaphore_mem>>) src(%dma_wait3A_98 : memref<8192xi32, #tpu.memory_space<hbm>>) dst(%arg9 : memref<8192xi32, #tpu.memory_space<vmem>>)
      %dma_wait3A_99 = arith.constant 16384 : i32
      %dma_wait3A_100 = tpu.memref_slice %arg4[%dma_wait3A_99] : memref<131072xf32, #tpu.memory_space<hbm>> -> memref<8192xf32, #tpu.memory_space<hbm>>
      %dma_wait3A_101 = arith.constant 16384 : i32
      %dma_wait3A_102 = tpu.memref_slice %arg4[%dma_wait3A_101] : memref<131072xf32, #tpu.memory_space<hbm>> -> memref<8192xf32, #tpu.memory_space<hbm>>
      tpu.wait_dma2 semaphore(%arg16 : memref<!tpu.dma_semaphore, #tpu.memory_space<semaphore_mem>>) src(%dma_wait3A_102 : memref<8192xf32, #tpu.memory_space<hbm>>) dst(%arg10 : memref<8192xf32, #tpu.memory_space<vmem>>)
      "tpu.region"() ({
        %run_scoped3A = tpu.sem_alloc : memref<!tpu.dma_semaphore, #tpu.memory_space<semaphore_mem>>
        %dma_start3A_303 = arith.constant 0 : i32
        %dma_start3A_304 = tpu.memref_slice %arg14[%dma_start3A_303] : memref<524288xf32, #tpu.memory_space<vmem_shared>> -> memref<524288xf32, #tpu.memory_space<vmem_shared>>
        tpu.enqueue_indirect_dma source(%arg10 : memref<8192xf32, #tpu.memory_space<vmem>>) target(%dma_start3A_304 : memref<524288xf32, #tpu.memory_space<vmem_shared>>) offsets(%arg9 : memref<8192xi32, #tpu.memory_space<vmem>>) semaphore(%run_scoped3A : memref<!tpu.dma_semaphore, #tpu.memory_space<semaphore_mem>>)
        %dma_wait3A_305 = arith.constant 0 : i32
        %dma_wait3A_306 = tpu.memref_slice %arg14[%dma_wait3A_305] : memref<524288xf32, #tpu.memory_space<vmem_shared>> -> memref<524288xf32, #tpu.memory_space<vmem_shared>>
        tpu.wait_indirect_dma semaphore(%run_scoped3A : memref<!tpu.dma_semaphore, #tpu.memory_space<semaphore_mem>>) src(%arg10 : memref<8192xf32, #tpu.memory_space<vmem>>) dst(%dma_wait3A_306 : memref<524288xf32, #tpu.memory_space<vmem_shared>>)
        tpu.yield
      }) : () -> ()
      %dma_start3A_103 = arith.constant 32768 : i32
      %dma_start3A_104 = tpu.memref_slice %arg5[%dma_start3A_103] : memref<131072xi32, #tpu.memory_space<hbm>> -> memref<8192xi32, #tpu.memory_space<hbm>>
      %dma_start3A_105 = arith.constant 32768 : i32
      %dma_start3A_106 = tpu.memref_slice %arg5[%dma_start3A_105] : memref<131072xi32, #tpu.memory_space<hbm>> -> memref<8192xi32, #tpu.memory_space<hbm>>
      tpu.enqueue_dma source(%dma_start3A_106 : memref<8192xi32, #tpu.memory_space<hbm>>) target(%arg9 : memref<8192xi32, #tpu.memory_space<vmem>>) target_semaphore(%arg16 : memref<!tpu.dma_semaphore, #tpu.memory_space<semaphore_mem>>)
      %dma_start3A_107 = arith.constant 32768 : i32
      %dma_start3A_108 = tpu.memref_slice %arg4[%dma_start3A_107] : memref<131072xf32, #tpu.memory_space<hbm>> -> memref<8192xf32, #tpu.memory_space<hbm>>
      %dma_start3A_109 = arith.constant 32768 : i32
      %dma_start3A_110 = tpu.memref_slice %arg4[%dma_start3A_109] : memref<131072xf32, #tpu.memory_space<hbm>> -> memref<8192xf32, #tpu.memory_space<hbm>>
      tpu.enqueue_dma source(%dma_start3A_110 : memref<8192xf32, #tpu.memory_space<hbm>>) target(%arg10 : memref<8192xf32, #tpu.memory_space<vmem>>) target_semaphore(%arg16 : memref<!tpu.dma_semaphore, #tpu.memory_space<semaphore_mem>>)
      %dma_wait3A_111 = arith.constant 24576 : i32
      %dma_wait3A_112 = tpu.memref_slice %arg5[%dma_wait3A_111] : memref<131072xi32, #tpu.memory_space<hbm>> -> memref<8192xi32, #tpu.memory_space<hbm>>
      %dma_wait3A_113 = arith.constant 24576 : i32
      %dma_wait3A_114 = tpu.memref_slice %arg5[%dma_wait3A_113] : memref<131072xi32, #tpu.memory_space<hbm>> -> memref<8192xi32, #tpu.memory_space<hbm>>
      tpu.wait_dma2 semaphore(%arg17 : memref<!tpu.dma_semaphore, #tpu.memory_space<semaphore_mem>>) src(%dma_wait3A_114 : memref<8192xi32, #tpu.memory_space<hbm>>) dst(%arg11 : memref<8192xi32, #tpu.memory_space<vmem>>)
      %dma_wait3A_115 = arith.constant 24576 : i32
      %dma_wait3A_116 = tpu.memref_slice %arg4[%dma_wait3A_115] : memref<131072xf32, #tpu.memory_space<hbm>> -> memref<8192xf32, #tpu.memory_space<hbm>>
      %dma_wait3A_117 = arith.constant 24576 : i32
      %dma_wait3A_118 = tpu.memref_slice %arg4[%dma_wait3A_117] : memref<131072xf32, #tpu.memory_space<hbm>> -> memref<8192xf32, #tpu.memory_space<hbm>>
      tpu.wait_dma2 semaphore(%arg17 : memref<!tpu.dma_semaphore, #tpu.memory_space<semaphore_mem>>) src(%dma_wait3A_118 : memref<8192xf32, #tpu.memory_space<hbm>>) dst(%arg12 : memref<8192xf32, #tpu.memory_space<vmem>>)
      "tpu.region"() ({
        %run_scoped3A = tpu.sem_alloc : memref<!tpu.dma_semaphore, #tpu.memory_space<semaphore_mem>>
        %dma_start3A_303 = arith.constant 0 : i32
        %dma_start3A_304 = tpu.memref_slice %arg14[%dma_start3A_303] : memref<524288xf32, #tpu.memory_space<vmem_shared>> -> memref<524288xf32, #tpu.memory_space<vmem_shared>>
        tpu.enqueue_indirect_dma source(%arg12 : memref<8192xf32, #tpu.memory_space<vmem>>) target(%dma_start3A_304 : memref<524288xf32, #tpu.memory_space<vmem_shared>>) offsets(%arg11 : memref<8192xi32, #tpu.memory_space<vmem>>) semaphore(%run_scoped3A : memref<!tpu.dma_semaphore, #tpu.memory_space<semaphore_mem>>)
        %dma_wait3A_305 = arith.constant 0 : i32
        %dma_wait3A_306 = tpu.memref_slice %arg14[%dma_wait3A_305] : memref<524288xf32, #tpu.memory_space<vmem_shared>> -> memref<524288xf32, #tpu.memory_space<vmem_shared>>
        tpu.wait_indirect_dma semaphore(%run_scoped3A : memref<!tpu.dma_semaphore, #tpu.memory_space<semaphore_mem>>) src(%arg12 : memref<8192xf32, #tpu.memory_space<vmem>>) dst(%dma_wait3A_306 : memref<524288xf32, #tpu.memory_space<vmem_shared>>)
        tpu.yield
      }) : () -> ()
      %dma_start3A_119 = arith.constant 40960 : i32
      %dma_start3A_120 = tpu.memref_slice %arg5[%dma_start3A_119] : memref<131072xi32, #tpu.memory_space<hbm>> -> memref<8192xi32, #tpu.memory_space<hbm>>
      %dma_start3A_121 = arith.constant 40960 : i32
      %dma_start3A_122 = tpu.memref_slice %arg5[%dma_start3A_121] : memref<131072xi32, #tpu.memory_space<hbm>> -> memref<8192xi32, #tpu.memory_space<hbm>>
      tpu.enqueue_dma source(%dma_start3A_122 : memref<8192xi32, #tpu.memory_space<hbm>>) target(%arg11 : memref<8192xi32, #tpu.memory_space<vmem>>) target_semaphore(%arg17 : memref<!tpu.dma_semaphore, #tpu.memory_space<semaphore_mem>>)
      %dma_start3A_123 = arith.constant 40960 : i32
      %dma_start3A_124 = tpu.memref_slice %arg4[%dma_start3A_123] : memref<131072xf32, #tpu.memory_space<hbm>> -> memref<8192xf32, #tpu.memory_space<hbm>>
      %dma_start3A_125 = arith.constant 40960 : i32
      %dma_start3A_126 = tpu.memref_slice %arg4[%dma_start3A_125] : memref<131072xf32, #tpu.memory_space<hbm>> -> memref<8192xf32, #tpu.memory_space<hbm>>
      tpu.enqueue_dma source(%dma_start3A_126 : memref<8192xf32, #tpu.memory_space<hbm>>) target(%arg12 : memref<8192xf32, #tpu.memory_space<vmem>>) target_semaphore(%arg17 : memref<!tpu.dma_semaphore, #tpu.memory_space<semaphore_mem>>)
      %dma_wait3A_127 = arith.constant 32768 : i32
      %dma_wait3A_128 = tpu.memref_slice %arg5[%dma_wait3A_127] : memref<131072xi32, #tpu.memory_space<hbm>> -> memref<8192xi32, #tpu.memory_space<hbm>>
      %dma_wait3A_129 = arith.constant 32768 : i32
      %dma_wait3A_130 = tpu.memref_slice %arg5[%dma_wait3A_129] : memref<131072xi32, #tpu.memory_space<hbm>> -> memref<8192xi32, #tpu.memory_space<hbm>>
      tpu.wait_dma2 semaphore(%arg16 : memref<!tpu.dma_semaphore, #tpu.memory_space<semaphore_mem>>) src(%dma_wait3A_130 : memref<8192xi32, #tpu.memory_space<hbm>>) dst(%arg9 : memref<8192xi32, #tpu.memory_space<vmem>>)
      %dma_wait3A_131 = arith.constant 32768 : i32
      %dma_wait3A_132 = tpu.memref_slice %arg4[%dma_wait3A_131] : memref<131072xf32, #tpu.memory_space<hbm>> -> memref<8192xf32, #tpu.memory_space<hbm>>
      %dma_wait3A_133 = arith.constant 32768 : i32
      %dma_wait3A_134 = tpu.memref_slice %arg4[%dma_wait3A_133] : memref<131072xf32, #tpu.memory_space<hbm>> -> memref<8192xf32, #tpu.memory_space<hbm>>
      tpu.wait_dma2 semaphore(%arg16 : memref<!tpu.dma_semaphore, #tpu.memory_space<semaphore_mem>>) src(%dma_wait3A_134 : memref<8192xf32, #tpu.memory_space<hbm>>) dst(%arg10 : memref<8192xf32, #tpu.memory_space<vmem>>)
      "tpu.region"() ({
        %run_scoped3A = tpu.sem_alloc : memref<!tpu.dma_semaphore, #tpu.memory_space<semaphore_mem>>
        %dma_start3A_303 = arith.constant 0 : i32
        %dma_start3A_304 = tpu.memref_slice %arg14[%dma_start3A_303] : memref<524288xf32, #tpu.memory_space<vmem_shared>> -> memref<524288xf32, #tpu.memory_space<vmem_shared>>
        tpu.enqueue_indirect_dma source(%arg10 : memref<8192xf32, #tpu.memory_space<vmem>>) target(%dma_start3A_304 : memref<524288xf32, #tpu.memory_space<vmem_shared>>) offsets(%arg9 : memref<8192xi32, #tpu.memory_space<vmem>>) semaphore(%run_scoped3A : memref<!tpu.dma_semaphore, #tpu.memory_space<semaphore_mem>>)
        %dma_wait3A_305 = arith.constant 0 : i32
        %dma_wait3A_306 = tpu.memref_slice %arg14[%dma_wait3A_305] : memref<524288xf32, #tpu.memory_space<vmem_shared>> -> memref<524288xf32, #tpu.memory_space<vmem_shared>>
        tpu.wait_indirect_dma semaphore(%run_scoped3A : memref<!tpu.dma_semaphore, #tpu.memory_space<semaphore_mem>>) src(%arg10 : memref<8192xf32, #tpu.memory_space<vmem>>) dst(%dma_wait3A_306 : memref<524288xf32, #tpu.memory_space<vmem_shared>>)
        tpu.yield
      }) : () -> ()
      %dma_start3A_135 = arith.constant 49152 : i32
      %dma_start3A_136 = tpu.memref_slice %arg5[%dma_start3A_135] : memref<131072xi32, #tpu.memory_space<hbm>> -> memref<8192xi32, #tpu.memory_space<hbm>>
      %dma_start3A_137 = arith.constant 49152 : i32
      %dma_start3A_138 = tpu.memref_slice %arg5[%dma_start3A_137] : memref<131072xi32, #tpu.memory_space<hbm>> -> memref<8192xi32, #tpu.memory_space<hbm>>
      tpu.enqueue_dma source(%dma_start3A_138 : memref<8192xi32, #tpu.memory_space<hbm>>) target(%arg9 : memref<8192xi32, #tpu.memory_space<vmem>>) target_semaphore(%arg16 : memref<!tpu.dma_semaphore, #tpu.memory_space<semaphore_mem>>)
      %dma_start3A_139 = arith.constant 49152 : i32
      %dma_start3A_140 = tpu.memref_slice %arg4[%dma_start3A_139] : memref<131072xf32, #tpu.memory_space<hbm>> -> memref<8192xf32, #tpu.memory_space<hbm>>
      %dma_start3A_141 = arith.constant 49152 : i32
      %dma_start3A_142 = tpu.memref_slice %arg4[%dma_start3A_141] : memref<131072xf32, #tpu.memory_space<hbm>> -> memref<8192xf32, #tpu.memory_space<hbm>>
      tpu.enqueue_dma source(%dma_start3A_142 : memref<8192xf32, #tpu.memory_space<hbm>>) target(%arg10 : memref<8192xf32, #tpu.memory_space<vmem>>) target_semaphore(%arg16 : memref<!tpu.dma_semaphore, #tpu.memory_space<semaphore_mem>>)
      %dma_wait3A_143 = arith.constant 40960 : i32
      %dma_wait3A_144 = tpu.memref_slice %arg5[%dma_wait3A_143] : memref<131072xi32, #tpu.memory_space<hbm>> -> memref<8192xi32, #tpu.memory_space<hbm>>
      %dma_wait3A_145 = arith.constant 40960 : i32
      %dma_wait3A_146 = tpu.memref_slice %arg5[%dma_wait3A_145] : memref<131072xi32, #tpu.memory_space<hbm>> -> memref<8192xi32, #tpu.memory_space<hbm>>
      tpu.wait_dma2 semaphore(%arg17 : memref<!tpu.dma_semaphore, #tpu.memory_space<semaphore_mem>>) src(%dma_wait3A_146 : memref<8192xi32, #tpu.memory_space<hbm>>) dst(%arg11 : memref<8192xi32, #tpu.memory_space<vmem>>)
      %dma_wait3A_147 = arith.constant 40960 : i32
      %dma_wait3A_148 = tpu.memref_slice %arg4[%dma_wait3A_147] : memref<131072xf32, #tpu.memory_space<hbm>> -> memref<8192xf32, #tpu.memory_space<hbm>>
      %dma_wait3A_149 = arith.constant 40960 : i32
      %dma_wait3A_150 = tpu.memref_slice %arg4[%dma_wait3A_149] : memref<131072xf32, #tpu.memory_space<hbm>> -> memref<8192xf32, #tpu.memory_space<hbm>>
      tpu.wait_dma2 semaphore(%arg17 : memref<!tpu.dma_semaphore, #tpu.memory_space<semaphore_mem>>) src(%dma_wait3A_150 : memref<8192xf32, #tpu.memory_space<hbm>>) dst(%arg12 : memref<8192xf32, #tpu.memory_space<vmem>>)
      "tpu.region"() ({
        %run_scoped3A = tpu.sem_alloc : memref<!tpu.dma_semaphore, #tpu.memory_space<semaphore_mem>>
        %dma_start3A_303 = arith.constant 0 : i32
        %dma_start3A_304 = tpu.memref_slice %arg14[%dma_start3A_303] : memref<524288xf32, #tpu.memory_space<vmem_shared>> -> memref<524288xf32, #tpu.memory_space<vmem_shared>>
        tpu.enqueue_indirect_dma source(%arg12 : memref<8192xf32, #tpu.memory_space<vmem>>) target(%dma_start3A_304 : memref<524288xf32, #tpu.memory_space<vmem_shared>>) offsets(%arg11 : memref<8192xi32, #tpu.memory_space<vmem>>) semaphore(%run_scoped3A : memref<!tpu.dma_semaphore, #tpu.memory_space<semaphore_mem>>)
        %dma_wait3A_305 = arith.constant 0 : i32
        %dma_wait3A_306 = tpu.memref_slice %arg14[%dma_wait3A_305] : memref<524288xf32, #tpu.memory_space<vmem_shared>> -> memref<524288xf32, #tpu.memory_space<vmem_shared>>
        tpu.wait_indirect_dma semaphore(%run_scoped3A : memref<!tpu.dma_semaphore, #tpu.memory_space<semaphore_mem>>) src(%arg12 : memref<8192xf32, #tpu.memory_space<vmem>>) dst(%dma_wait3A_306 : memref<524288xf32, #tpu.memory_space<vmem_shared>>)
        tpu.yield
      }) : () -> ()
      %dma_start3A_151 = arith.constant 57344 : i32
      %dma_start3A_152 = tpu.memref_slice %arg5[%dma_start3A_151] : memref<131072xi32, #tpu.memory_space<hbm>> -> memref<8192xi32, #tpu.memory_space<hbm>>
      %dma_start3A_153 = arith.constant 57344 : i32
      %dma_start3A_154 = tpu.memref_slice %arg5[%dma_start3A_153] : memref<131072xi32, #tpu.memory_space<hbm>> -> memref<8192xi32, #tpu.memory_space<hbm>>
      tpu.enqueue_dma source(%dma_start3A_154 : memref<8192xi32, #tpu.memory_space<hbm>>) target(%arg11 : memref<8192xi32, #tpu.memory_space<vmem>>) target_semaphore(%arg17 : memref<!tpu.dma_semaphore, #tpu.memory_space<semaphore_mem>>)
      %dma_start3A_155 = arith.constant 57344 : i32
      %dma_start3A_156 = tpu.memref_slice %arg4[%dma_start3A_155] : memref<131072xf32, #tpu.memory_space<hbm>> -> memref<8192xf32, #tpu.memory_space<hbm>>
      %dma_start3A_157 = arith.constant 57344 : i32
      %dma_start3A_158 = tpu.memref_slice %arg4[%dma_start3A_157] : memref<131072xf32, #tpu.memory_space<hbm>> -> memref<8192xf32, #tpu.memory_space<hbm>>
      tpu.enqueue_dma source(%dma_start3A_158 : memref<8192xf32, #tpu.memory_space<hbm>>) target(%arg12 : memref<8192xf32, #tpu.memory_space<vmem>>) target_semaphore(%arg17 : memref<!tpu.dma_semaphore, #tpu.memory_space<semaphore_mem>>)
      %dma_wait3A_159 = arith.constant 49152 : i32
      %dma_wait3A_160 = tpu.memref_slice %arg5[%dma_wait3A_159] : memref<131072xi32, #tpu.memory_space<hbm>> -> memref<8192xi32, #tpu.memory_space<hbm>>
      %dma_wait3A_161 = arith.constant 49152 : i32
      %dma_wait3A_162 = tpu.memref_slice %arg5[%dma_wait3A_161] : memref<131072xi32, #tpu.memory_space<hbm>> -> memref<8192xi32, #tpu.memory_space<hbm>>
      tpu.wait_dma2 semaphore(%arg16 : memref<!tpu.dma_semaphore, #tpu.memory_space<semaphore_mem>>) src(%dma_wait3A_162 : memref<8192xi32, #tpu.memory_space<hbm>>) dst(%arg9 : memref<8192xi32, #tpu.memory_space<vmem>>)
      %dma_wait3A_163 = arith.constant 49152 : i32
      %dma_wait3A_164 = tpu.memref_slice %arg4[%dma_wait3A_163] : memref<131072xf32, #tpu.memory_space<hbm>> -> memref<8192xf32, #tpu.memory_space<hbm>>
      %dma_wait3A_165 = arith.constant 49152 : i32
      %dma_wait3A_166 = tpu.memref_slice %arg4[%dma_wait3A_165] : memref<131072xf32, #tpu.memory_space<hbm>> -> memref<8192xf32, #tpu.memory_space<hbm>>
      tpu.wait_dma2 semaphore(%arg16 : memref<!tpu.dma_semaphore, #tpu.memory_space<semaphore_mem>>) src(%dma_wait3A_166 : memref<8192xf32, #tpu.memory_space<hbm>>) dst(%arg10 : memref<8192xf32, #tpu.memory_space<vmem>>)
      "tpu.region"() ({
        %run_scoped3A = tpu.sem_alloc : memref<!tpu.dma_semaphore, #tpu.memory_space<semaphore_mem>>
        %dma_start3A_303 = arith.constant 0 : i32
        %dma_start3A_304 = tpu.memref_slice %arg14[%dma_start3A_303] : memref<524288xf32, #tpu.memory_space<vmem_shared>> -> memref<524288xf32, #tpu.memory_space<vmem_shared>>
        tpu.enqueue_indirect_dma source(%arg10 : memref<8192xf32, #tpu.memory_space<vmem>>) target(%dma_start3A_304 : memref<524288xf32, #tpu.memory_space<vmem_shared>>) offsets(%arg9 : memref<8192xi32, #tpu.memory_space<vmem>>) semaphore(%run_scoped3A : memref<!tpu.dma_semaphore, #tpu.memory_space<semaphore_mem>>)
        %dma_wait3A_305 = arith.constant 0 : i32
        %dma_wait3A_306 = tpu.memref_slice %arg14[%dma_wait3A_305] : memref<524288xf32, #tpu.memory_space<vmem_shared>> -> memref<524288xf32, #tpu.memory_space<vmem_shared>>
        tpu.wait_indirect_dma semaphore(%run_scoped3A : memref<!tpu.dma_semaphore, #tpu.memory_space<semaphore_mem>>) src(%arg10 : memref<8192xf32, #tpu.memory_space<vmem>>) dst(%dma_wait3A_306 : memref<524288xf32, #tpu.memory_space<vmem_shared>>)
        tpu.yield
      }) : () -> ()
      %dma_start3A_167 = arith.constant 65536 : i32
      %dma_start3A_168 = tpu.memref_slice %arg5[%dma_start3A_167] : memref<131072xi32, #tpu.memory_space<hbm>> -> memref<8192xi32, #tpu.memory_space<hbm>>
      %dma_start3A_169 = arith.constant 65536 : i32
      %dma_start3A_170 = tpu.memref_slice %arg5[%dma_start3A_169] : memref<131072xi32, #tpu.memory_space<hbm>> -> memref<8192xi32, #tpu.memory_space<hbm>>
      tpu.enqueue_dma source(%dma_start3A_170 : memref<8192xi32, #tpu.memory_space<hbm>>) target(%arg9 : memref<8192xi32, #tpu.memory_space<vmem>>) target_semaphore(%arg16 : memref<!tpu.dma_semaphore, #tpu.memory_space<semaphore_mem>>)
      %dma_start3A_171 = arith.constant 65536 : i32
      %dma_start3A_172 = tpu.memref_slice %arg4[%dma_start3A_171] : memref<131072xf32, #tpu.memory_space<hbm>> -> memref<8192xf32, #tpu.memory_space<hbm>>
      %dma_start3A_173 = arith.constant 65536 : i32
      %dma_start3A_174 = tpu.memref_slice %arg4[%dma_start3A_173] : memref<131072xf32, #tpu.memory_space<hbm>> -> memref<8192xf32, #tpu.memory_space<hbm>>
      tpu.enqueue_dma source(%dma_start3A_174 : memref<8192xf32, #tpu.memory_space<hbm>>) target(%arg10 : memref<8192xf32, #tpu.memory_space<vmem>>) target_semaphore(%arg16 : memref<!tpu.dma_semaphore, #tpu.memory_space<semaphore_mem>>)
      %dma_wait3A_175 = arith.constant 57344 : i32
      %dma_wait3A_176 = tpu.memref_slice %arg5[%dma_wait3A_175] : memref<131072xi32, #tpu.memory_space<hbm>> -> memref<8192xi32, #tpu.memory_space<hbm>>
      %dma_wait3A_177 = arith.constant 57344 : i32
      %dma_wait3A_178 = tpu.memref_slice %arg5[%dma_wait3A_177] : memref<131072xi32, #tpu.memory_space<hbm>> -> memref<8192xi32, #tpu.memory_space<hbm>>
      tpu.wait_dma2 semaphore(%arg17 : memref<!tpu.dma_semaphore, #tpu.memory_space<semaphore_mem>>) src(%dma_wait3A_178 : memref<8192xi32, #tpu.memory_space<hbm>>) dst(%arg11 : memref<8192xi32, #tpu.memory_space<vmem>>)
      %dma_wait3A_179 = arith.constant 57344 : i32
      %dma_wait3A_180 = tpu.memref_slice %arg4[%dma_wait3A_179] : memref<131072xf32, #tpu.memory_space<hbm>> -> memref<8192xf32, #tpu.memory_space<hbm>>
      %dma_wait3A_181 = arith.constant 57344 : i32
      %dma_wait3A_182 = tpu.memref_slice %arg4[%dma_wait3A_181] : memref<131072xf32, #tpu.memory_space<hbm>> -> memref<8192xf32, #tpu.memory_space<hbm>>
      tpu.wait_dma2 semaphore(%arg17 : memref<!tpu.dma_semaphore, #tpu.memory_space<semaphore_mem>>) src(%dma_wait3A_182 : memref<8192xf32, #tpu.memory_space<hbm>>) dst(%arg12 : memref<8192xf32, #tpu.memory_space<vmem>>)
      "tpu.region"() ({
        %run_scoped3A = tpu.sem_alloc : memref<!tpu.dma_semaphore, #tpu.memory_space<semaphore_mem>>
        %dma_start3A_303 = arith.constant 0 : i32
        %dma_start3A_304 = tpu.memref_slice %arg14[%dma_start3A_303] : memref<524288xf32, #tpu.memory_space<vmem_shared>> -> memref<524288xf32, #tpu.memory_space<vmem_shared>>
        tpu.enqueue_indirect_dma source(%arg12 : memref<8192xf32, #tpu.memory_space<vmem>>) target(%dma_start3A_304 : memref<524288xf32, #tpu.memory_space<vmem_shared>>) offsets(%arg11 : memref<8192xi32, #tpu.memory_space<vmem>>) semaphore(%run_scoped3A : memref<!tpu.dma_semaphore, #tpu.memory_space<semaphore_mem>>)
        %dma_wait3A_305 = arith.constant 0 : i32
        %dma_wait3A_306 = tpu.memref_slice %arg14[%dma_wait3A_305] : memref<524288xf32, #tpu.memory_space<vmem_shared>> -> memref<524288xf32, #tpu.memory_space<vmem_shared>>
        tpu.wait_indirect_dma semaphore(%run_scoped3A : memref<!tpu.dma_semaphore, #tpu.memory_space<semaphore_mem>>) src(%arg12 : memref<8192xf32, #tpu.memory_space<vmem>>) dst(%dma_wait3A_306 : memref<524288xf32, #tpu.memory_space<vmem_shared>>)
        tpu.yield
      }) : () -> ()
      %dma_start3A_183 = arith.constant 73728 : i32
      %dma_start3A_184 = tpu.memref_slice %arg5[%dma_start3A_183] : memref<131072xi32, #tpu.memory_space<hbm>> -> memref<8192xi32, #tpu.memory_space<hbm>>
      %dma_start3A_185 = arith.constant 73728 : i32
      %dma_start3A_186 = tpu.memref_slice %arg5[%dma_start3A_185] : memref<131072xi32, #tpu.memory_space<hbm>> -> memref<8192xi32, #tpu.memory_space<hbm>>
      tpu.enqueue_dma source(%dma_start3A_186 : memref<8192xi32, #tpu.memory_space<hbm>>) target(%arg11 : memref<8192xi32, #tpu.memory_space<vmem>>) target_semaphore(%arg17 : memref<!tpu.dma_semaphore, #tpu.memory_space<semaphore_mem>>)
      %dma_start3A_187 = arith.constant 73728 : i32
      %dma_start3A_188 = tpu.memref_slice %arg4[%dma_start3A_187] : memref<131072xf32, #tpu.memory_space<hbm>> -> memref<8192xf32, #tpu.memory_space<hbm>>
      %dma_start3A_189 = arith.constant 73728 : i32
      %dma_start3A_190 = tpu.memref_slice %arg4[%dma_start3A_189] : memref<131072xf32, #tpu.memory_space<hbm>> -> memref<8192xf32, #tpu.memory_space<hbm>>
      tpu.enqueue_dma source(%dma_start3A_190 : memref<8192xf32, #tpu.memory_space<hbm>>) target(%arg12 : memref<8192xf32, #tpu.memory_space<vmem>>) target_semaphore(%arg17 : memref<!tpu.dma_semaphore, #tpu.memory_space<semaphore_mem>>)
      %dma_wait3A_191 = arith.constant 65536 : i32
      %dma_wait3A_192 = tpu.memref_slice %arg5[%dma_wait3A_191] : memref<131072xi32, #tpu.memory_space<hbm>> -> memref<8192xi32, #tpu.memory_space<hbm>>
      %dma_wait3A_193 = arith.constant 65536 : i32
      %dma_wait3A_194 = tpu.memref_slice %arg5[%dma_wait3A_193] : memref<131072xi32, #tpu.memory_space<hbm>> -> memref<8192xi32, #tpu.memory_space<hbm>>
      tpu.wait_dma2 semaphore(%arg16 : memref<!tpu.dma_semaphore, #tpu.memory_space<semaphore_mem>>) src(%dma_wait3A_194 : memref<8192xi32, #tpu.memory_space<hbm>>) dst(%arg9 : memref<8192xi32, #tpu.memory_space<vmem>>)
      %dma_wait3A_195 = arith.constant 65536 : i32
      %dma_wait3A_196 = tpu.memref_slice %arg4[%dma_wait3A_195] : memref<131072xf32, #tpu.memory_space<hbm>> -> memref<8192xf32, #tpu.memory_space<hbm>>
      %dma_wait3A_197 = arith.constant 65536 : i32
      %dma_wait3A_198 = tpu.memref_slice %arg4[%dma_wait3A_197] : memref<131072xf32, #tpu.memory_space<hbm>> -> memref<8192xf32, #tpu.memory_space<hbm>>
      tpu.wait_dma2 semaphore(%arg16 : memref<!tpu.dma_semaphore, #tpu.memory_space<semaphore_mem>>) src(%dma_wait3A_198 : memref<8192xf32, #tpu.memory_space<hbm>>) dst(%arg10 : memref<8192xf32, #tpu.memory_space<vmem>>)
      "tpu.region"() ({
        %run_scoped3A = tpu.sem_alloc : memref<!tpu.dma_semaphore, #tpu.memory_space<semaphore_mem>>
        %dma_start3A_303 = arith.constant 0 : i32
        %dma_start3A_304 = tpu.memref_slice %arg14[%dma_start3A_303] : memref<524288xf32, #tpu.memory_space<vmem_shared>> -> memref<524288xf32, #tpu.memory_space<vmem_shared>>
        tpu.enqueue_indirect_dma source(%arg10 : memref<8192xf32, #tpu.memory_space<vmem>>) target(%dma_start3A_304 : memref<524288xf32, #tpu.memory_space<vmem_shared>>) offsets(%arg9 : memref<8192xi32, #tpu.memory_space<vmem>>) semaphore(%run_scoped3A : memref<!tpu.dma_semaphore, #tpu.memory_space<semaphore_mem>>)
        %dma_wait3A_305 = arith.constant 0 : i32
        %dma_wait3A_306 = tpu.memref_slice %arg14[%dma_wait3A_305] : memref<524288xf32, #tpu.memory_space<vmem_shared>> -> memref<524288xf32, #tpu.memory_space<vmem_shared>>
        tpu.wait_indirect_dma semaphore(%run_scoped3A : memref<!tpu.dma_semaphore, #tpu.memory_space<semaphore_mem>>) src(%arg10 : memref<8192xf32, #tpu.memory_space<vmem>>) dst(%dma_wait3A_306 : memref<524288xf32, #tpu.memory_space<vmem_shared>>)
        tpu.yield
      }) : () -> ()
      %dma_start3A_199 = arith.constant 81920 : i32
      %dma_start3A_200 = tpu.memref_slice %arg5[%dma_start3A_199] : memref<131072xi32, #tpu.memory_space<hbm>> -> memref<8192xi32, #tpu.memory_space<hbm>>
      %dma_start3A_201 = arith.constant 81920 : i32
      %dma_start3A_202 = tpu.memref_slice %arg5[%dma_start3A_201] : memref<131072xi32, #tpu.memory_space<hbm>> -> memref<8192xi32, #tpu.memory_space<hbm>>
      tpu.enqueue_dma source(%dma_start3A_202 : memref<8192xi32, #tpu.memory_space<hbm>>) target(%arg9 : memref<8192xi32, #tpu.memory_space<vmem>>) target_semaphore(%arg16 : memref<!tpu.dma_semaphore, #tpu.memory_space<semaphore_mem>>)
      %dma_start3A_203 = arith.constant 81920 : i32
      %dma_start3A_204 = tpu.memref_slice %arg4[%dma_start3A_203] : memref<131072xf32, #tpu.memory_space<hbm>> -> memref<8192xf32, #tpu.memory_space<hbm>>
      %dma_start3A_205 = arith.constant 81920 : i32
      %dma_start3A_206 = tpu.memref_slice %arg4[%dma_start3A_205] : memref<131072xf32, #tpu.memory_space<hbm>> -> memref<8192xf32, #tpu.memory_space<hbm>>
      tpu.enqueue_dma source(%dma_start3A_206 : memref<8192xf32, #tpu.memory_space<hbm>>) target(%arg10 : memref<8192xf32, #tpu.memory_space<vmem>>) target_semaphore(%arg16 : memref<!tpu.dma_semaphore, #tpu.memory_space<semaphore_mem>>)
      %dma_wait3A_207 = arith.constant 73728 : i32
      %dma_wait3A_208 = tpu.memref_slice %arg5[%dma_wait3A_207] : memref<131072xi32, #tpu.memory_space<hbm>> -> memref<8192xi32, #tpu.memory_space<hbm>>
      %dma_wait3A_209 = arith.constant 73728 : i32
      %dma_wait3A_210 = tpu.memref_slice %arg5[%dma_wait3A_209] : memref<131072xi32, #tpu.memory_space<hbm>> -> memref<8192xi32, #tpu.memory_space<hbm>>
      tpu.wait_dma2 semaphore(%arg17 : memref<!tpu.dma_semaphore, #tpu.memory_space<semaphore_mem>>) src(%dma_wait3A_210 : memref<8192xi32, #tpu.memory_space<hbm>>) dst(%arg11 : memref<8192xi32, #tpu.memory_space<vmem>>)
      %dma_wait3A_211 = arith.constant 73728 : i32
      %dma_wait3A_212 = tpu.memref_slice %arg4[%dma_wait3A_211] : memref<131072xf32, #tpu.memory_space<hbm>> -> memref<8192xf32, #tpu.memory_space<hbm>>
      %dma_wait3A_213 = arith.constant 73728 : i32
      %dma_wait3A_214 = tpu.memref_slice %arg4[%dma_wait3A_213] : memref<131072xf32, #tpu.memory_space<hbm>> -> memref<8192xf32, #tpu.memory_space<hbm>>
      tpu.wait_dma2 semaphore(%arg17 : memref<!tpu.dma_semaphore, #tpu.memory_space<semaphore_mem>>) src(%dma_wait3A_214 : memref<8192xf32, #tpu.memory_space<hbm>>) dst(%arg12 : memref<8192xf32, #tpu.memory_space<vmem>>)
      "tpu.region"() ({
        %run_scoped3A = tpu.sem_alloc : memref<!tpu.dma_semaphore, #tpu.memory_space<semaphore_mem>>
        %dma_start3A_303 = arith.constant 0 : i32
        %dma_start3A_304 = tpu.memref_slice %arg14[%dma_start3A_303] : memref<524288xf32, #tpu.memory_space<vmem_shared>> -> memref<524288xf32, #tpu.memory_space<vmem_shared>>
        tpu.enqueue_indirect_dma source(%arg12 : memref<8192xf32, #tpu.memory_space<vmem>>) target(%dma_start3A_304 : memref<524288xf32, #tpu.memory_space<vmem_shared>>) offsets(%arg11 : memref<8192xi32, #tpu.memory_space<vmem>>) semaphore(%run_scoped3A : memref<!tpu.dma_semaphore, #tpu.memory_space<semaphore_mem>>)
        %dma_wait3A_305 = arith.constant 0 : i32
        %dma_wait3A_306 = tpu.memref_slice %arg14[%dma_wait3A_305] : memref<524288xf32, #tpu.memory_space<vmem_shared>> -> memref<524288xf32, #tpu.memory_space<vmem_shared>>
        tpu.wait_indirect_dma semaphore(%run_scoped3A : memref<!tpu.dma_semaphore, #tpu.memory_space<semaphore_mem>>) src(%arg12 : memref<8192xf32, #tpu.memory_space<vmem>>) dst(%dma_wait3A_306 : memref<524288xf32, #tpu.memory_space<vmem_shared>>)
        tpu.yield
      }) : () -> ()
      %dma_start3A_215 = arith.constant 90112 : i32
      %dma_start3A_216 = tpu.memref_slice %arg5[%dma_start3A_215] : memref<131072xi32, #tpu.memory_space<hbm>> -> memref<8192xi32, #tpu.memory_space<hbm>>
      %dma_start3A_217 = arith.constant 90112 : i32
      %dma_start3A_218 = tpu.memref_slice %arg5[%dma_start3A_217] : memref<131072xi32, #tpu.memory_space<hbm>> -> memref<8192xi32, #tpu.memory_space<hbm>>
      tpu.enqueue_dma source(%dma_start3A_218 : memref<8192xi32, #tpu.memory_space<hbm>>) target(%arg11 : memref<8192xi32, #tpu.memory_space<vmem>>) target_semaphore(%arg17 : memref<!tpu.dma_semaphore, #tpu.memory_space<semaphore_mem>>)
      %dma_start3A_219 = arith.constant 90112 : i32
      %dma_start3A_220 = tpu.memref_slice %arg4[%dma_start3A_219] : memref<131072xf32, #tpu.memory_space<hbm>> -> memref<8192xf32, #tpu.memory_space<hbm>>
      %dma_start3A_221 = arith.constant 90112 : i32
      %dma_start3A_222 = tpu.memref_slice %arg4[%dma_start3A_221] : memref<131072xf32, #tpu.memory_space<hbm>> -> memref<8192xf32, #tpu.memory_space<hbm>>
      tpu.enqueue_dma source(%dma_start3A_222 : memref<8192xf32, #tpu.memory_space<hbm>>) target(%arg12 : memref<8192xf32, #tpu.memory_space<vmem>>) target_semaphore(%arg17 : memref<!tpu.dma_semaphore, #tpu.memory_space<semaphore_mem>>)
      %dma_wait3A_223 = arith.constant 81920 : i32
      %dma_wait3A_224 = tpu.memref_slice %arg5[%dma_wait3A_223] : memref<131072xi32, #tpu.memory_space<hbm>> -> memref<8192xi32, #tpu.memory_space<hbm>>
      %dma_wait3A_225 = arith.constant 81920 : i32
      %dma_wait3A_226 = tpu.memref_slice %arg5[%dma_wait3A_225] : memref<131072xi32, #tpu.memory_space<hbm>> -> memref<8192xi32, #tpu.memory_space<hbm>>
      tpu.wait_dma2 semaphore(%arg16 : memref<!tpu.dma_semaphore, #tpu.memory_space<semaphore_mem>>) src(%dma_wait3A_226 : memref<8192xi32, #tpu.memory_space<hbm>>) dst(%arg9 : memref<8192xi32, #tpu.memory_space<vmem>>)
      %dma_wait3A_227 = arith.constant 81920 : i32
      %dma_wait3A_228 = tpu.memref_slice %arg4[%dma_wait3A_227] : memref<131072xf32, #tpu.memory_space<hbm>> -> memref<8192xf32, #tpu.memory_space<hbm>>
      %dma_wait3A_229 = arith.constant 81920 : i32
      %dma_wait3A_230 = tpu.memref_slice %arg4[%dma_wait3A_229] : memref<131072xf32, #tpu.memory_space<hbm>> -> memref<8192xf32, #tpu.memory_space<hbm>>
      tpu.wait_dma2 semaphore(%arg16 : memref<!tpu.dma_semaphore, #tpu.memory_space<semaphore_mem>>) src(%dma_wait3A_230 : memref<8192xf32, #tpu.memory_space<hbm>>) dst(%arg10 : memref<8192xf32, #tpu.memory_space<vmem>>)
      "tpu.region"() ({
        %run_scoped3A = tpu.sem_alloc : memref<!tpu.dma_semaphore, #tpu.memory_space<semaphore_mem>>
        %dma_start3A_303 = arith.constant 0 : i32
        %dma_start3A_304 = tpu.memref_slice %arg14[%dma_start3A_303] : memref<524288xf32, #tpu.memory_space<vmem_shared>> -> memref<524288xf32, #tpu.memory_space<vmem_shared>>
        tpu.enqueue_indirect_dma source(%arg10 : memref<8192xf32, #tpu.memory_space<vmem>>) target(%dma_start3A_304 : memref<524288xf32, #tpu.memory_space<vmem_shared>>) offsets(%arg9 : memref<8192xi32, #tpu.memory_space<vmem>>) semaphore(%run_scoped3A : memref<!tpu.dma_semaphore, #tpu.memory_space<semaphore_mem>>)
        %dma_wait3A_305 = arith.constant 0 : i32
        %dma_wait3A_306 = tpu.memref_slice %arg14[%dma_wait3A_305] : memref<524288xf32, #tpu.memory_space<vmem_shared>> -> memref<524288xf32, #tpu.memory_space<vmem_shared>>
        tpu.wait_indirect_dma semaphore(%run_scoped3A : memref<!tpu.dma_semaphore, #tpu.memory_space<semaphore_mem>>) src(%arg10 : memref<8192xf32, #tpu.memory_space<vmem>>) dst(%dma_wait3A_306 : memref<524288xf32, #tpu.memory_space<vmem_shared>>)
        tpu.yield
      }) : () -> ()
      %dma_start3A_231 = arith.constant 98304 : i32
      %dma_start3A_232 = tpu.memref_slice %arg5[%dma_start3A_231] : memref<131072xi32, #tpu.memory_space<hbm>> -> memref<8192xi32, #tpu.memory_space<hbm>>
      %dma_start3A_233 = arith.constant 98304 : i32
      %dma_start3A_234 = tpu.memref_slice %arg5[%dma_start3A_233] : memref<131072xi32, #tpu.memory_space<hbm>> -> memref<8192xi32, #tpu.memory_space<hbm>>
      tpu.enqueue_dma source(%dma_start3A_234 : memref<8192xi32, #tpu.memory_space<hbm>>) target(%arg9 : memref<8192xi32, #tpu.memory_space<vmem>>) target_semaphore(%arg16 : memref<!tpu.dma_semaphore, #tpu.memory_space<semaphore_mem>>)
      %dma_start3A_235 = arith.constant 98304 : i32
      %dma_start3A_236 = tpu.memref_slice %arg4[%dma_start3A_235] : memref<131072xf32, #tpu.memory_space<hbm>> -> memref<8192xf32, #tpu.memory_space<hbm>>
      %dma_start3A_237 = arith.constant 98304 : i32
      %dma_start3A_238 = tpu.memref_slice %arg4[%dma_start3A_237] : memref<131072xf32, #tpu.memory_space<hbm>> -> memref<8192xf32, #tpu.memory_space<hbm>>
      tpu.enqueue_dma source(%dma_start3A_238 : memref<8192xf32, #tpu.memory_space<hbm>>) target(%arg10 : memref<8192xf32, #tpu.memory_space<vmem>>) target_semaphore(%arg16 : memref<!tpu.dma_semaphore, #tpu.memory_space<semaphore_mem>>)
      %dma_wait3A_239 = arith.constant 90112 : i32
      %dma_wait3A_240 = tpu.memref_slice %arg5[%dma_wait3A_239] : memref<131072xi32, #tpu.memory_space<hbm>> -> memref<8192xi32, #tpu.memory_space<hbm>>
      %dma_wait3A_241 = arith.constant 90112 : i32
      %dma_wait3A_242 = tpu.memref_slice %arg5[%dma_wait3A_241] : memref<131072xi32, #tpu.memory_space<hbm>> -> memref<8192xi32, #tpu.memory_space<hbm>>
      tpu.wait_dma2 semaphore(%arg17 : memref<!tpu.dma_semaphore, #tpu.memory_space<semaphore_mem>>) src(%dma_wait3A_242 : memref<8192xi32, #tpu.memory_space<hbm>>) dst(%arg11 : memref<8192xi32, #tpu.memory_space<vmem>>)
      %dma_wait3A_243 = arith.constant 90112 : i32
      %dma_wait3A_244 = tpu.memref_slice %arg4[%dma_wait3A_243] : memref<131072xf32, #tpu.memory_space<hbm>> -> memref<8192xf32, #tpu.memory_space<hbm>>
      %dma_wait3A_245 = arith.constant 90112 : i32
      %dma_wait3A_246 = tpu.memref_slice %arg4[%dma_wait3A_245] : memref<131072xf32, #tpu.memory_space<hbm>> -> memref<8192xf32, #tpu.memory_space<hbm>>
      tpu.wait_dma2 semaphore(%arg17 : memref<!tpu.dma_semaphore, #tpu.memory_space<semaphore_mem>>) src(%dma_wait3A_246 : memref<8192xf32, #tpu.memory_space<hbm>>) dst(%arg12 : memref<8192xf32, #tpu.memory_space<vmem>>)
      "tpu.region"() ({
        %run_scoped3A = tpu.sem_alloc : memref<!tpu.dma_semaphore, #tpu.memory_space<semaphore_mem>>
        %dma_start3A_303 = arith.constant 0 : i32
        %dma_start3A_304 = tpu.memref_slice %arg14[%dma_start3A_303] : memref<524288xf32, #tpu.memory_space<vmem_shared>> -> memref<524288xf32, #tpu.memory_space<vmem_shared>>
        tpu.enqueue_indirect_dma source(%arg12 : memref<8192xf32, #tpu.memory_space<vmem>>) target(%dma_start3A_304 : memref<524288xf32, #tpu.memory_space<vmem_shared>>) offsets(%arg11 : memref<8192xi32, #tpu.memory_space<vmem>>) semaphore(%run_scoped3A : memref<!tpu.dma_semaphore, #tpu.memory_space<semaphore_mem>>)
        %dma_wait3A_305 = arith.constant 0 : i32
        %dma_wait3A_306 = tpu.memref_slice %arg14[%dma_wait3A_305] : memref<524288xf32, #tpu.memory_space<vmem_shared>> -> memref<524288xf32, #tpu.memory_space<vmem_shared>>
        tpu.wait_indirect_dma semaphore(%run_scoped3A : memref<!tpu.dma_semaphore, #tpu.memory_space<semaphore_mem>>) src(%arg12 : memref<8192xf32, #tpu.memory_space<vmem>>) dst(%dma_wait3A_306 : memref<524288xf32, #tpu.memory_space<vmem_shared>>)
        tpu.yield
      }) : () -> ()
      %dma_start3A_247 = arith.constant 106496 : i32
      %dma_start3A_248 = tpu.memref_slice %arg5[%dma_start3A_247] : memref<131072xi32, #tpu.memory_space<hbm>> -> memref<8192xi32, #tpu.memory_space<hbm>>
      %dma_start3A_249 = arith.constant 106496 : i32
      %dma_start3A_250 = tpu.memref_slice %arg5[%dma_start3A_249] : memref<131072xi32, #tpu.memory_space<hbm>> -> memref<8192xi32, #tpu.memory_space<hbm>>
      tpu.enqueue_dma source(%dma_start3A_250 : memref<8192xi32, #tpu.memory_space<hbm>>) target(%arg11 : memref<8192xi32, #tpu.memory_space<vmem>>) target_semaphore(%arg17 : memref<!tpu.dma_semaphore, #tpu.memory_space<semaphore_mem>>)
      %dma_start3A_251 = arith.constant 106496 : i32
      %dma_start3A_252 = tpu.memref_slice %arg4[%dma_start3A_251] : memref<131072xf32, #tpu.memory_space<hbm>> -> memref<8192xf32, #tpu.memory_space<hbm>>
      %dma_start3A_253 = arith.constant 106496 : i32
      %dma_start3A_254 = tpu.memref_slice %arg4[%dma_start3A_253] : memref<131072xf32, #tpu.memory_space<hbm>> -> memref<8192xf32, #tpu.memory_space<hbm>>
      tpu.enqueue_dma source(%dma_start3A_254 : memref<8192xf32, #tpu.memory_space<hbm>>) target(%arg12 : memref<8192xf32, #tpu.memory_space<vmem>>) target_semaphore(%arg17 : memref<!tpu.dma_semaphore, #tpu.memory_space<semaphore_mem>>)
      %dma_wait3A_255 = arith.constant 98304 : i32
      %dma_wait3A_256 = tpu.memref_slice %arg5[%dma_wait3A_255] : memref<131072xi32, #tpu.memory_space<hbm>> -> memref<8192xi32, #tpu.memory_space<hbm>>
      %dma_wait3A_257 = arith.constant 98304 : i32
      %dma_wait3A_258 = tpu.memref_slice %arg5[%dma_wait3A_257] : memref<131072xi32, #tpu.memory_space<hbm>> -> memref<8192xi32, #tpu.memory_space<hbm>>
      tpu.wait_dma2 semaphore(%arg16 : memref<!tpu.dma_semaphore, #tpu.memory_space<semaphore_mem>>) src(%dma_wait3A_258 : memref<8192xi32, #tpu.memory_space<hbm>>) dst(%arg9 : memref<8192xi32, #tpu.memory_space<vmem>>)
      %dma_wait3A_259 = arith.constant 98304 : i32
      %dma_wait3A_260 = tpu.memref_slice %arg4[%dma_wait3A_259] : memref<131072xf32, #tpu.memory_space<hbm>> -> memref<8192xf32, #tpu.memory_space<hbm>>
      %dma_wait3A_261 = arith.constant 98304 : i32
      %dma_wait3A_262 = tpu.memref_slice %arg4[%dma_wait3A_261] : memref<131072xf32, #tpu.memory_space<hbm>> -> memref<8192xf32, #tpu.memory_space<hbm>>
      tpu.wait_dma2 semaphore(%arg16 : memref<!tpu.dma_semaphore, #tpu.memory_space<semaphore_mem>>) src(%dma_wait3A_262 : memref<8192xf32, #tpu.memory_space<hbm>>) dst(%arg10 : memref<8192xf32, #tpu.memory_space<vmem>>)
      "tpu.region"() ({
        %run_scoped3A = tpu.sem_alloc : memref<!tpu.dma_semaphore, #tpu.memory_space<semaphore_mem>>
        %dma_start3A_303 = arith.constant 0 : i32
        %dma_start3A_304 = tpu.memref_slice %arg14[%dma_start3A_303] : memref<524288xf32, #tpu.memory_space<vmem_shared>> -> memref<524288xf32, #tpu.memory_space<vmem_shared>>
        tpu.enqueue_indirect_dma source(%arg10 : memref<8192xf32, #tpu.memory_space<vmem>>) target(%dma_start3A_304 : memref<524288xf32, #tpu.memory_space<vmem_shared>>) offsets(%arg9 : memref<8192xi32, #tpu.memory_space<vmem>>) semaphore(%run_scoped3A : memref<!tpu.dma_semaphore, #tpu.memory_space<semaphore_mem>>)
        %dma_wait3A_305 = arith.constant 0 : i32
        %dma_wait3A_306 = tpu.memref_slice %arg14[%dma_wait3A_305] : memref<524288xf32, #tpu.memory_space<vmem_shared>> -> memref<524288xf32, #tpu.memory_space<vmem_shared>>
        tpu.wait_indirect_dma semaphore(%run_scoped3A : memref<!tpu.dma_semaphore, #tpu.memory_space<semaphore_mem>>) src(%arg10 : memref<8192xf32, #tpu.memory_space<vmem>>) dst(%dma_wait3A_306 : memref<524288xf32, #tpu.memory_space<vmem_shared>>)
        tpu.yield
      }) : () -> ()
      %dma_start3A_263 = arith.constant 114688 : i32
      %dma_start3A_264 = tpu.memref_slice %arg5[%dma_start3A_263] : memref<131072xi32, #tpu.memory_space<hbm>> -> memref<8192xi32, #tpu.memory_space<hbm>>
      %dma_start3A_265 = arith.constant 114688 : i32
      %dma_start3A_266 = tpu.memref_slice %arg5[%dma_start3A_265] : memref<131072xi32, #tpu.memory_space<hbm>> -> memref<8192xi32, #tpu.memory_space<hbm>>
      tpu.enqueue_dma source(%dma_start3A_266 : memref<8192xi32, #tpu.memory_space<hbm>>) target(%arg9 : memref<8192xi32, #tpu.memory_space<vmem>>) target_semaphore(%arg16 : memref<!tpu.dma_semaphore, #tpu.memory_space<semaphore_mem>>)
      %dma_start3A_267 = arith.constant 114688 : i32
      %dma_start3A_268 = tpu.memref_slice %arg4[%dma_start3A_267] : memref<131072xf32, #tpu.memory_space<hbm>> -> memref<8192xf32, #tpu.memory_space<hbm>>
      %dma_start3A_269 = arith.constant 114688 : i32
      %dma_start3A_270 = tpu.memref_slice %arg4[%dma_start3A_269] : memref<131072xf32, #tpu.memory_space<hbm>> -> memref<8192xf32, #tpu.memory_space<hbm>>
      tpu.enqueue_dma source(%dma_start3A_270 : memref<8192xf32, #tpu.memory_space<hbm>>) target(%arg10 : memref<8192xf32, #tpu.memory_space<vmem>>) target_semaphore(%arg16 : memref<!tpu.dma_semaphore, #tpu.memory_space<semaphore_mem>>)
      %dma_wait3A_271 = arith.constant 106496 : i32
      %dma_wait3A_272 = tpu.memref_slice %arg5[%dma_wait3A_271] : memref<131072xi32, #tpu.memory_space<hbm>> -> memref<8192xi32, #tpu.memory_space<hbm>>
      %dma_wait3A_273 = arith.constant 106496 : i32
      %dma_wait3A_274 = tpu.memref_slice %arg5[%dma_wait3A_273] : memref<131072xi32, #tpu.memory_space<hbm>> -> memref<8192xi32, #tpu.memory_space<hbm>>
      tpu.wait_dma2 semaphore(%arg17 : memref<!tpu.dma_semaphore, #tpu.memory_space<semaphore_mem>>) src(%dma_wait3A_274 : memref<8192xi32, #tpu.memory_space<hbm>>) dst(%arg11 : memref<8192xi32, #tpu.memory_space<vmem>>)
      %dma_wait3A_275 = arith.constant 106496 : i32
      %dma_wait3A_276 = tpu.memref_slice %arg4[%dma_wait3A_275] : memref<131072xf32, #tpu.memory_space<hbm>> -> memref<8192xf32, #tpu.memory_space<hbm>>
      %dma_wait3A_277 = arith.constant 106496 : i32
      %dma_wait3A_278 = tpu.memref_slice %arg4[%dma_wait3A_277] : memref<131072xf32, #tpu.memory_space<hbm>> -> memref<8192xf32, #tpu.memory_space<hbm>>
      tpu.wait_dma2 semaphore(%arg17 : memref<!tpu.dma_semaphore, #tpu.memory_space<semaphore_mem>>) src(%dma_wait3A_278 : memref<8192xf32, #tpu.memory_space<hbm>>) dst(%arg12 : memref<8192xf32, #tpu.memory_space<vmem>>)
      "tpu.region"() ({
        %run_scoped3A = tpu.sem_alloc : memref<!tpu.dma_semaphore, #tpu.memory_space<semaphore_mem>>
        %dma_start3A_303 = arith.constant 0 : i32
        %dma_start3A_304 = tpu.memref_slice %arg14[%dma_start3A_303] : memref<524288xf32, #tpu.memory_space<vmem_shared>> -> memref<524288xf32, #tpu.memory_space<vmem_shared>>
        tpu.enqueue_indirect_dma source(%arg12 : memref<8192xf32, #tpu.memory_space<vmem>>) target(%dma_start3A_304 : memref<524288xf32, #tpu.memory_space<vmem_shared>>) offsets(%arg11 : memref<8192xi32, #tpu.memory_space<vmem>>) semaphore(%run_scoped3A : memref<!tpu.dma_semaphore, #tpu.memory_space<semaphore_mem>>)
        %dma_wait3A_305 = arith.constant 0 : i32
        %dma_wait3A_306 = tpu.memref_slice %arg14[%dma_wait3A_305] : memref<524288xf32, #tpu.memory_space<vmem_shared>> -> memref<524288xf32, #tpu.memory_space<vmem_shared>>
        tpu.wait_indirect_dma semaphore(%run_scoped3A : memref<!tpu.dma_semaphore, #tpu.memory_space<semaphore_mem>>) src(%arg12 : memref<8192xf32, #tpu.memory_space<vmem>>) dst(%dma_wait3A_306 : memref<524288xf32, #tpu.memory_space<vmem_shared>>)
        tpu.yield
      }) : () -> ()
      %dma_start3A_279 = arith.constant 122880 : i32
      %dma_start3A_280 = tpu.memref_slice %arg5[%dma_start3A_279] : memref<131072xi32, #tpu.memory_space<hbm>> -> memref<8192xi32, #tpu.memory_space<hbm>>
      %dma_start3A_281 = arith.constant 122880 : i32
      %dma_start3A_282 = tpu.memref_slice %arg5[%dma_start3A_281] : memref<131072xi32, #tpu.memory_space<hbm>> -> memref<8192xi32, #tpu.memory_space<hbm>>
      tpu.enqueue_dma source(%dma_start3A_282 : memref<8192xi32, #tpu.memory_space<hbm>>) target(%arg11 : memref<8192xi32, #tpu.memory_space<vmem>>) target_semaphore(%arg17 : memref<!tpu.dma_semaphore, #tpu.memory_space<semaphore_mem>>)
      %dma_start3A_283 = arith.constant 122880 : i32
      %dma_start3A_284 = tpu.memref_slice %arg4[%dma_start3A_283] : memref<131072xf32, #tpu.memory_space<hbm>> -> memref<8192xf32, #tpu.memory_space<hbm>>
      %dma_start3A_285 = arith.constant 122880 : i32
      %dma_start3A_286 = tpu.memref_slice %arg4[%dma_start3A_285] : memref<131072xf32, #tpu.memory_space<hbm>> -> memref<8192xf32, #tpu.memory_space<hbm>>
      tpu.enqueue_dma source(%dma_start3A_286 : memref<8192xf32, #tpu.memory_space<hbm>>) target(%arg12 : memref<8192xf32, #tpu.memory_space<vmem>>) target_semaphore(%arg17 : memref<!tpu.dma_semaphore, #tpu.memory_space<semaphore_mem>>)
      %dma_wait3A_287 = arith.constant 114688 : i32
      %dma_wait3A_288 = tpu.memref_slice %arg5[%dma_wait3A_287] : memref<131072xi32, #tpu.memory_space<hbm>> -> memref<8192xi32, #tpu.memory_space<hbm>>
      %dma_wait3A_289 = arith.constant 114688 : i32
      %dma_wait3A_290 = tpu.memref_slice %arg5[%dma_wait3A_289] : memref<131072xi32, #tpu.memory_space<hbm>> -> memref<8192xi32, #tpu.memory_space<hbm>>
      tpu.wait_dma2 semaphore(%arg16 : memref<!tpu.dma_semaphore, #tpu.memory_space<semaphore_mem>>) src(%dma_wait3A_290 : memref<8192xi32, #tpu.memory_space<hbm>>) dst(%arg9 : memref<8192xi32, #tpu.memory_space<vmem>>)
      %dma_wait3A_291 = arith.constant 114688 : i32
      %dma_wait3A_292 = tpu.memref_slice %arg4[%dma_wait3A_291] : memref<131072xf32, #tpu.memory_space<hbm>> -> memref<8192xf32, #tpu.memory_space<hbm>>
      %dma_wait3A_293 = arith.constant 114688 : i32
      %dma_wait3A_294 = tpu.memref_slice %arg4[%dma_wait3A_293] : memref<131072xf32, #tpu.memory_space<hbm>> -> memref<8192xf32, #tpu.memory_space<hbm>>
      tpu.wait_dma2 semaphore(%arg16 : memref<!tpu.dma_semaphore, #tpu.memory_space<semaphore_mem>>) src(%dma_wait3A_294 : memref<8192xf32, #tpu.memory_space<hbm>>) dst(%arg10 : memref<8192xf32, #tpu.memory_space<vmem>>)
      "tpu.region"() ({
        %run_scoped3A = tpu.sem_alloc : memref<!tpu.dma_semaphore, #tpu.memory_space<semaphore_mem>>
        %dma_start3A_303 = arith.constant 0 : i32
        %dma_start3A_304 = tpu.memref_slice %arg14[%dma_start3A_303] : memref<524288xf32, #tpu.memory_space<vmem_shared>> -> memref<524288xf32, #tpu.memory_space<vmem_shared>>
        tpu.enqueue_indirect_dma source(%arg10 : memref<8192xf32, #tpu.memory_space<vmem>>) target(%dma_start3A_304 : memref<524288xf32, #tpu.memory_space<vmem_shared>>) offsets(%arg9 : memref<8192xi32, #tpu.memory_space<vmem>>) semaphore(%run_scoped3A : memref<!tpu.dma_semaphore, #tpu.memory_space<semaphore_mem>>)
        %dma_wait3A_305 = arith.constant 0 : i32
        %dma_wait3A_306 = tpu.memref_slice %arg14[%dma_wait3A_305] : memref<524288xf32, #tpu.memory_space<vmem_shared>> -> memref<524288xf32, #tpu.memory_space<vmem_shared>>
        tpu.wait_indirect_dma semaphore(%run_scoped3A : memref<!tpu.dma_semaphore, #tpu.memory_space<semaphore_mem>>) src(%arg10 : memref<8192xf32, #tpu.memory_space<vmem>>) dst(%dma_wait3A_306 : memref<524288xf32, #tpu.memory_space<vmem_shared>>)
        tpu.yield
      }) : () -> ()
      %dma_wait3A_295 = arith.constant 122880 : i32
      %dma_wait3A_296 = tpu.memref_slice %arg5[%dma_wait3A_295] : memref<131072xi32, #tpu.memory_space<hbm>> -> memref<8192xi32, #tpu.memory_space<hbm>>
      %dma_wait3A_297 = arith.constant 122880 : i32
      %dma_wait3A_298 = tpu.memref_slice %arg5[%dma_wait3A_297] : memref<131072xi32, #tpu.memory_space<hbm>> -> memref<8192xi32, #tpu.memory_space<hbm>>
      tpu.wait_dma2 semaphore(%arg17 : memref<!tpu.dma_semaphore, #tpu.memory_space<semaphore_mem>>) src(%dma_wait3A_298 : memref<8192xi32, #tpu.memory_space<hbm>>) dst(%arg11 : memref<8192xi32, #tpu.memory_space<vmem>>)
      %dma_wait3A_299 = arith.constant 122880 : i32
      %dma_wait3A_300 = tpu.memref_slice %arg4[%dma_wait3A_299] : memref<131072xf32, #tpu.memory_space<hbm>> -> memref<8192xf32, #tpu.memory_space<hbm>>
      %dma_wait3A_301 = arith.constant 122880 : i32
      %dma_wait3A_302 = tpu.memref_slice %arg4[%dma_wait3A_301] : memref<131072xf32, #tpu.memory_space<hbm>> -> memref<8192xf32, #tpu.memory_space<hbm>>
      tpu.wait_dma2 semaphore(%arg17 : memref<!tpu.dma_semaphore, #tpu.memory_space<semaphore_mem>>) src(%dma_wait3A_302 : memref<8192xf32, #tpu.memory_space<hbm>>) dst(%arg12 : memref<8192xf32, #tpu.memory_space<vmem>>)
      "tpu.region"() ({
        %run_scoped3A = tpu.sem_alloc : memref<!tpu.dma_semaphore, #tpu.memory_space<semaphore_mem>>
        %dma_start3A_303 = arith.constant 0 : i32
        %dma_start3A_304 = tpu.memref_slice %arg14[%dma_start3A_303] : memref<524288xf32, #tpu.memory_space<vmem_shared>> -> memref<524288xf32, #tpu.memory_space<vmem_shared>>
        tpu.enqueue_indirect_dma source(%arg12 : memref<8192xf32, #tpu.memory_space<vmem>>) target(%dma_start3A_304 : memref<524288xf32, #tpu.memory_space<vmem_shared>>) offsets(%arg11 : memref<8192xi32, #tpu.memory_space<vmem>>) semaphore(%run_scoped3A : memref<!tpu.dma_semaphore, #tpu.memory_space<semaphore_mem>>)
        %dma_wait3A_305 = arith.constant 0 : i32
        %dma_wait3A_306 = tpu.memref_slice %arg14[%dma_wait3A_305] : memref<524288xf32, #tpu.memory_space<vmem_shared>> -> memref<524288xf32, #tpu.memory_space<vmem_shared>>
        tpu.wait_indirect_dma semaphore(%run_scoped3A : memref<!tpu.dma_semaphore, #tpu.memory_space<semaphore_mem>>) src(%arg12 : memref<8192xf32, #tpu.memory_space<vmem>>) dst(%dma_wait3A_306 : memref<524288xf32, #tpu.memory_space<vmem_shared>>)
        tpu.yield
      }) : () -> ()
    } else {
    }
    %barrier3A_38 = arith.constant 0 : index
    tpu.barrier barrier_id(%barrier3A_38)
    %eq3A_39 = arith.constant 0 : i32
    %eq3A_40 = arith.cmpi eq, %arg0, %eq3A_39 : i32
    %convert_element_type3A_41 = arith.extui %eq3A_40 : i1 to i32
    %cond3A_42 = arith.constant 0 : i32
    %cond3A_43 = arith.cmpi ne, %convert_element_type3A_41, %cond3A_42 : i32
    scf.if %cond3A_43 {
      "tpu.region"() ({
        %run_scoped3A = tpu.sem_alloc : memref<!tpu.dma_semaphore, #tpu.memory_space<semaphore_mem>>
        %dma_start3A = tpu.memref_slice %arg6[%mul3A_5] : memref<524288xf32, #tpu.memory_space<hbm>> -> memref<32768xf32, #tpu.memory_space<hbm>>
        %dma_start3A_49 = tpu.memref_slice %arg14[%mul3A_5] : memref<524288xf32, #tpu.memory_space<vmem_shared>> -> memref<32768xf32, #tpu.memory_space<vmem_shared>>
        tpu.enqueue_dma source(%dma_start3A_49 : memref<32768xf32, #tpu.memory_space<vmem_shared>>) target(%dma_start3A : memref<32768xf32, #tpu.memory_space<hbm>>) target_semaphore(%run_scoped3A : memref<!tpu.dma_semaphore, #tpu.memory_space<semaphore_mem>>)
        %dma_wait3A = tpu.memref_slice %arg6[%mul3A_5] : memref<524288xf32, #tpu.memory_space<hbm>> -> memref<32768xf32, #tpu.memory_space<hbm>>
        %dma_wait3A_50 = tpu.memref_slice %arg14[%mul3A_5] : memref<524288xf32, #tpu.memory_space<vmem_shared>> -> memref<32768xf32, #tpu.memory_space<vmem_shared>>
        tpu.wait_dma2 semaphore(%run_scoped3A : memref<!tpu.dma_semaphore, #tpu.memory_space<semaphore_mem>>) src(%dma_wait3A_50 : memref<32768xf32, #tpu.memory_space<vmem_shared>>) dst(%dma_wait3A : memref<32768xf32, #tpu.memory_space<hbm>>)
        tpu.yield
      }) : () -> ()
      "tpu.region"() ({
        %run_scoped3A = tpu.sem_alloc : memref<!tpu.dma_semaphore, #tpu.memory_space<semaphore_mem>>
        %dma_start3A = tpu.memref_slice %arg7[%mul3A_5] : memref<524288xf32, #tpu.memory_space<hbm>> -> memref<32768xf32, #tpu.memory_space<hbm>>
        %dma_start3A_49 = tpu.memref_slice %arg15[%mul3A_5] : memref<524288xf32, #tpu.memory_space<vmem_shared>> -> memref<32768xf32, #tpu.memory_space<vmem_shared>>
        tpu.enqueue_dma source(%dma_start3A_49 : memref<32768xf32, #tpu.memory_space<vmem_shared>>) target(%dma_start3A : memref<32768xf32, #tpu.memory_space<hbm>>) target_semaphore(%run_scoped3A : memref<!tpu.dma_semaphore, #tpu.memory_space<semaphore_mem>>)
        %dma_wait3A = tpu.memref_slice %arg7[%mul3A_5] : memref<524288xf32, #tpu.memory_space<hbm>> -> memref<32768xf32, #tpu.memory_space<hbm>>
        %dma_wait3A_50 = tpu.memref_slice %arg15[%mul3A_5] : memref<524288xf32, #tpu.memory_space<vmem_shared>> -> memref<32768xf32, #tpu.memory_space<vmem_shared>>
        tpu.wait_dma2 semaphore(%run_scoped3A : memref<!tpu.dma_semaphore, #tpu.memory_space<semaphore_mem>>) src(%dma_wait3A_50 : memref<32768xf32, #tpu.memory_space<vmem_shared>>) dst(%dma_wait3A : memref<32768xf32, #tpu.memory_space<hbm>>)
        tpu.yield
      }) : () -> ()
    } else {
    }
    %eq3A_44 = arith.constant 1 : i32
    %eq3A_45 = arith.cmpi eq, %arg0, %eq3A_44 : i32
    %convert_element_type3A_46 = arith.extui %eq3A_45 : i1 to i32
    %cond3A_47 = arith.constant 0 : i32
    %cond3A_48 = arith.cmpi ne, %convert_element_type3A_46, %cond3A_47 : i32
    scf.if %cond3A_48 {
      "tpu.region"() ({
        %run_scoped3A = tpu.sem_alloc : memref<!tpu.dma_semaphore, #tpu.memory_space<semaphore_mem>>
        %dma_start3A = tpu.memref_slice %arg8[%mul3A_5] : memref<524288xf32, #tpu.memory_space<hbm>> -> memref<32768xf32, #tpu.memory_space<hbm>>
        %dma_start3A_49 = tpu.memref_slice %arg14[%mul3A_5] : memref<524288xf32, #tpu.memory_space<vmem_shared>> -> memref<32768xf32, #tpu.memory_space<vmem_shared>>
        tpu.enqueue_dma source(%dma_start3A_49 : memref<32768xf32, #tpu.memory_space<vmem_shared>>) target(%dma_start3A : memref<32768xf32, #tpu.memory_space<hbm>>) target_semaphore(%run_scoped3A : memref<!tpu.dma_semaphore, #tpu.memory_space<semaphore_mem>>)
        %dma_wait3A = tpu.memref_slice %arg8[%mul3A_5] : memref<524288xf32, #tpu.memory_space<hbm>> -> memref<32768xf32, #tpu.memory_space<hbm>>
        %dma_wait3A_50 = tpu.memref_slice %arg14[%mul3A_5] : memref<524288xf32, #tpu.memory_space<vmem_shared>> -> memref<32768xf32, #tpu.memory_space<vmem_shared>>
        tpu.wait_dma2 semaphore(%run_scoped3A : memref<!tpu.dma_semaphore, #tpu.memory_space<semaphore_mem>>) src(%dma_wait3A_50 : memref<32768xf32, #tpu.memory_space<vmem_shared>>) dst(%dma_wait3A : memref<32768xf32, #tpu.memory_space<hbm>>)
        tpu.yield
      }) : () -> ()
    } else {
    }
    return
  }
}

module attributes {stable_mosaic.version = 14 : i64} {
  func.func @_head_t_body(%arg0: i32, %arg1: memref<64x32768xf32, #tpu.memory_space<vmem>>, %arg2: memref<64x128xf32, #tpu.memory_space<vmem>>, %arg3: memref<128x64xf32, #tpu.memory_space<vmem>>, %arg4: memref<1x64xf32, #tpu.memory_space<vmem>>, %arg5: memref<64x3xf32, #tpu.memory_space<vmem>>, %arg6: memref<3x1xf32, #tpu.memory_space<vmem>>, %arg7: memref<32768xf32, #tpu.memory_space<vmem>>, %arg8: memref<32768xf32, #tpu.memory_space<vmem>>, %arg9: memref<32768xf32, #tpu.memory_space<vmem>>) attributes {dimension_semantics = [#tpu.dimension_semantics<arbitrary>], iteration_bounds = array<i64: 4>, scalar_prefetch = 0 : i64, scratch_operands = 0 : i64, tpu.core_type = #tpu.core_type<tc>, window_params = [{transform_indices = @transform_0, window_bounds = array<i64: 64, 32768>}, {pipeline_mode = #tpu.pipeline_mode<synchronous>, transform_indices = @transform_1, window_bounds = array<i64: 64, 128>}, {pipeline_mode = #tpu.pipeline_mode<synchronous>, transform_indices = @transform_2, window_bounds = array<i64: 128, 64>}, {pipeline_mode = #tpu.pipeline_mode<synchronous>, transform_indices = @transform_3, window_bounds = array<i64: 1, 64>}, {pipeline_mode = #tpu.pipeline_mode<synchronous>, transform_indices = @transform_4, window_bounds = array<i64: 64, 3>}, {pipeline_mode = #tpu.pipeline_mode<synchronous>, transform_indices = @transform_5, window_bounds = array<i64: 3, 1>}, {transform_indices = @transform_6, window_bounds = array<i64: 32768>}, {transform_indices = @transform_7, window_bounds = array<i64: 32768>}, {transform_indices = @transform_8, window_bounds = array<i64: 32768>}]} {
    %get3A = arith.constant 0 : index
    %get3A_0 = arith.constant 0 : index
    %get3A_1 = vector.load %arg1[%get3A, %get3A_0] : memref<64x32768xf32, #tpu.memory_space<vmem>>, vector<64x32768xf32>
    %convert_element_type3A = arith.truncf %get3A_1 : vector<64x32768xf32> to vector<64x32768xbf16>
    %get3A_2 = arith.constant 0 : index
    %get3A_3 = arith.constant 0 : index
    %get3A_4 = vector.load %arg2[%get3A_2, %get3A_3] : memref<64x128xf32, #tpu.memory_space<vmem>>, vector<64x128xf32>
    %convert_element_type3A_5 = arith.truncf %get3A_4 : vector<64x128xf32> to vector<64x128xbf16>
    %dot_general3A = arith.constant dense<0.000000e+00> : vector<32768x128xf32>
    %dot_general3A_6 = tpu.matmul %convert_element_type3A, %convert_element_type3A_5, %dot_general3A {dimension_numbers = #tpu.dot_dimension_numbers<[0], [0], [1], [1], [0, 1, 1, 1], [], []>, transpose_lhs_hint = false} : vector<64x32768xbf16>, vector<64x128xbf16>, vector<32768x128xf32> -> vector<32768x128xf32>
    %max3A = arith.constant 0.000000e+00 : f32
    %max3A_7 = vector.broadcast %max3A : f32 to vector<32768x128xf32>
    %max3A_8 = arith.maximumf %dot_general3A_6, %max3A_7 : vector<32768x128xf32>
    %convert_element_type3A_9 = arith.truncf %max3A_8 : vector<32768x128xf32> to vector<32768x128xbf16>
    %get3A_10 = arith.constant 0 : index
    %get3A_11 = arith.constant 0 : index
    %get3A_12 = vector.load %arg3[%get3A_10, %get3A_11] : memref<128x64xf32, #tpu.memory_space<vmem>>, vector<128x64xf32>
    %convert_element_type3A_13 = arith.truncf %get3A_12 : vector<128x64xf32> to vector<128x64xbf16>
    %dot_general3A_14 = arith.constant dense<0.000000e+00> : vector<32768x64xf32>
    %dot_general3A_15 = tpu.matmul %convert_element_type3A_9, %convert_element_type3A_13, %dot_general3A_14 {dimension_numbers = #tpu.dot_dimension_numbers<[1], [0], [0], [1], [0, 0, 1, 1], [], []>, transpose_lhs_hint = false} : vector<32768x128xbf16>, vector<128x64xbf16>, vector<32768x64xf32> -> vector<32768x64xf32>
    %get3A_16 = arith.constant 0 : index
    %get3A_17 = arith.constant 0 : index
    %get3A_18 = vector.load %arg4[%get3A_16, %get3A_17] : memref<1x64xf32, #tpu.memory_space<vmem>>, vector<1x64xf32>
    %add3A = vector.broadcast %get3A_18 : vector<1x64xf32> to vector<32768x64xf32>
    %add3A_19 = arith.addf %dot_general3A_15, %add3A : vector<32768x64xf32>
    %max3A_20 = arith.constant 0.000000e+00 : f32
    %max3A_21 = vector.broadcast %max3A_20 : f32 to vector<32768x64xf32>
    %max3A_22 = arith.maximumf %add3A_19, %max3A_21 : vector<32768x64xf32>
    %get3A_23 = arith.constant 0 : index
    %get3A_24 = arith.constant 0 : index
    %get3A_25 = vector.load %arg5[%get3A_23, %get3A_24] : memref<64x3xf32, #tpu.memory_space<vmem>>, vector<64x3xf32>
    %dot_general3A_26 = arith.constant dense<0.000000e+00> : vector<3x32768xf32>
    %dot_general3A_27 = tpu.matmul %get3A_25, %max3A_22, %dot_general3A_26 {dimension_numbers = #tpu.dot_dimension_numbers<[0], [1], [1], [0], [0, 1, 1, 0], [], []>, transpose_lhs_hint = false} : vector<64x3xf32>, vector<32768x64xf32>, vector<3x32768xf32> -> vector<3x32768xf32>
    %get3A_28 = arith.constant 0 : index
    %get3A_29 = arith.constant 0 : index
    %get3A_30 = vector.load %arg6[%get3A_28, %get3A_29] : memref<3x1xf32, #tpu.memory_space<vmem>>, vector<3x1xf32>
    %add3A_31 = vector.broadcast %get3A_30 : vector<3x1xf32> to vector<3x32768xf32>
    %add3A_32 = arith.addf %dot_general3A_27, %add3A_31 : vector<3x32768xf32>
    %tanh3A = math.tanh %add3A_32 : vector<3x32768xf32>
    %slice3A = vector.extract_strided_slice %tanh3A {offsets = [0, 0], sizes = [1, 32768], strides = [1, 1]} : vector<3x32768xf32> to vector<1x32768xf32>
    %squeeze3A = vector.shape_cast %slice3A : vector<1x32768xf32> to vector<32768xf32>
    %swap3A = arith.constant 0 : index
    %swap3A_33 = vector.load %arg7[%swap3A] : memref<32768xf32, #tpu.memory_space<vmem>>, vector<32768xf32>
    tpu.vector_store %arg7[%swap3A], %squeeze3A {strides = array<i32>} : memref<32768xf32, #tpu.memory_space<vmem>>, vector<32768xf32>,
    %slice3A_34 = vector.extract_strided_slice %tanh3A {offsets = [1, 0], sizes = [1, 32768], strides = [1, 1]} : vector<3x32768xf32> to vector<1x32768xf32>
    %squeeze3A_35 = vector.shape_cast %slice3A_34 : vector<1x32768xf32> to vector<32768xf32>
    %swap3A_36 = arith.constant 0 : index
    %swap3A_37 = vector.load %arg8[%swap3A_36] : memref<32768xf32, #tpu.memory_space<vmem>>, vector<32768xf32>
    tpu.vector_store %arg8[%swap3A_36], %squeeze3A_35 {strides = array<i32>} : memref<32768xf32, #tpu.memory_space<vmem>>, vector<32768xf32>,
    %slice3A_38 = vector.extract_strided_slice %tanh3A {offsets = [2, 0], sizes = [1, 32768], strides = [1, 1]} : vector<3x32768xf32> to vector<1x32768xf32>
    %squeeze3A_39 = vector.shape_cast %slice3A_38 : vector<1x32768xf32> to vector<32768xf32>
    %swap3A_40 = arith.constant 0 : index
    %swap3A_41 = vector.load %arg9[%swap3A_40] : memref<32768xf32, #tpu.memory_space<vmem>>, vector<32768xf32>
    tpu.vector_store %arg9[%swap3A_40], %squeeze3A_39 {strides = array<i32>} : memref<32768xf32, #tpu.memory_space<vmem>>, vector<32768xf32>,
    return
  }
  func.func @transform_0(%arg0: i32) -> (i32, i32) {
    %c0_i32 = arith.constant 0 : i32
    %c0_i32_0 = arith.constant 0 : i32
    return %c0_i32, %arg0 : i32, i32
  }
  func.func @transform_1(%arg0: i32) -> (i32, i32) {
    %c0_i32 = arith.constant 0 : i32
    %c0_i32_0 = arith.constant 0 : i32
    %c0_i32_1 = arith.constant 0 : i32
    return %c0_i32, %c0_i32_0 : i32, i32
  }
  func.func @transform_2(%arg0: i32) -> (i32, i32) {
    %c0_i32 = arith.constant 0 : i32
    %c0_i32_0 = arith.constant 0 : i32
    %c0_i32_1 = arith.constant 0 : i32
    return %c0_i32, %c0_i32_0 : i32, i32
  }
  func.func @transform_3(%arg0: i32) -> (i32, i32) {
    %c0_i32 = arith.constant 0 : i32
    %c0_i32_0 = arith.constant 0 : i32
    %c0_i32_1 = arith.constant 0 : i32
    return %c0_i32, %c0_i32_0 : i32, i32
  }
  func.func @transform_4(%arg0: i32) -> (i32, i32) {
    %c0_i32 = arith.constant 0 : i32
    %c0_i32_0 = arith.constant 0 : i32
    %c0_i32_1 = arith.constant 0 : i32
    return %c0_i32, %c0_i32_0 : i32, i32
  }
  func.func @transform_5(%arg0: i32) -> (i32, i32) {
    %c0_i32 = arith.constant 0 : i32
    %c0_i32_0 = arith.constant 0 : i32
    %c0_i32_1 = arith.constant 0 : i32
    return %c0_i32, %c0_i32_0 : i32, i32
  }
  func.func @transform_6(%arg0: i32) -> i32 {
    %c0_i32 = arith.constant 0 : i32
    return %arg0 : i32
  }
  func.func @transform_7(%arg0: i32) -> i32 {
    %c0_i32 = arith.constant 0 : i32
    return %arg0 : i32
  }
  func.func @transform_8(%arg0: i32) -> i32 {
    %c0_i32 = arith.constant 0 : i32
    return %arg0 : i32
  }
}

module attributes {stable_mosaic.version = 14 : i64} {
  func.func @_head_t_body(%arg0: i32, %arg1: memref<64x32768xf32, #tpu.memory_space<vmem>>, %arg2: memref<64x128xf32, #tpu.memory_space<vmem>>, %arg3: memref<128x64xf32, #tpu.memory_space<vmem>>, %arg4: memref<1x64xf32, #tpu.memory_space<vmem>>, %arg5: memref<64x3xf32, #tpu.memory_space<vmem>>, %arg6: memref<3x1xf32, #tpu.memory_space<vmem>>, %arg7: memref<32768xf32, #tpu.memory_space<vmem>>, %arg8: memref<32768xf32, #tpu.memory_space<vmem>>, %arg9: memref<32768xf32, #tpu.memory_space<vmem>>) attributes {dimension_semantics = [#tpu.dimension_semantics<arbitrary>], iteration_bounds = array<i64: 16>, scalar_prefetch = 0 : i64, scratch_operands = 0 : i64, tpu.core_type = #tpu.core_type<tc>, window_params = [{transform_indices = @transform_0, window_bounds = array<i64: 64, 32768>}, {pipeline_mode = #tpu.pipeline_mode<synchronous>, transform_indices = @transform_1, window_bounds = array<i64: 64, 128>}, {pipeline_mode = #tpu.pipeline_mode<synchronous>, transform_indices = @transform_2, window_bounds = array<i64: 128, 64>}, {pipeline_mode = #tpu.pipeline_mode<synchronous>, transform_indices = @transform_3, window_bounds = array<i64: 1, 64>}, {pipeline_mode = #tpu.pipeline_mode<synchronous>, transform_indices = @transform_4, window_bounds = array<i64: 64, 3>}, {pipeline_mode = #tpu.pipeline_mode<synchronous>, transform_indices = @transform_5, window_bounds = array<i64: 3, 1>}, {transform_indices = @transform_6, window_bounds = array<i64: 32768>}, {transform_indices = @transform_7, window_bounds = array<i64: 32768>}, {transform_indices = @transform_8, window_bounds = array<i64: 32768>}]} {
    %get3A = arith.constant 0 : index
    %get3A_0 = arith.constant 0 : index
    %get3A_1 = vector.load %arg1[%get3A, %get3A_0] : memref<64x32768xf32, #tpu.memory_space<vmem>>, vector<64x32768xf32>
    %convert_element_type3A = arith.truncf %get3A_1 : vector<64x32768xf32> to vector<64x32768xbf16>
    %get3A_2 = arith.constant 0 : index
    %get3A_3 = arith.constant 0 : index
    %get3A_4 = vector.load %arg2[%get3A_2, %get3A_3] : memref<64x128xf32, #tpu.memory_space<vmem>>, vector<64x128xf32>
    %convert_element_type3A_5 = arith.truncf %get3A_4 : vector<64x128xf32> to vector<64x128xbf16>
    %dot_general3A = arith.constant dense<0.000000e+00> : vector<32768x128xf32>
    %dot_general3A_6 = tpu.matmul %convert_element_type3A, %convert_element_type3A_5, %dot_general3A {dimension_numbers = #tpu.dot_dimension_numbers<[0], [0], [1], [1], [0, 1, 1, 1], [], []>, transpose_lhs_hint = false} : vector<64x32768xbf16>, vector<64x128xbf16>, vector<32768x128xf32> -> vector<32768x128xf32>
    %max3A = arith.constant 0.000000e+00 : f32
    %max3A_7 = vector.broadcast %max3A : f32 to vector<32768x128xf32>
    %max3A_8 = arith.maximumf %dot_general3A_6, %max3A_7 : vector<32768x128xf32>
    %convert_element_type3A_9 = arith.truncf %max3A_8 : vector<32768x128xf32> to vector<32768x128xbf16>
    %get3A_10 = arith.constant 0 : index
    %get3A_11 = arith.constant 0 : index
    %get3A_12 = vector.load %arg3[%get3A_10, %get3A_11] : memref<128x64xf32, #tpu.memory_space<vmem>>, vector<128x64xf32>
    %convert_element_type3A_13 = arith.truncf %get3A_12 : vector<128x64xf32> to vector<128x64xbf16>
    %dot_general3A_14 = arith.constant dense<0.000000e+00> : vector<32768x64xf32>
    %dot_general3A_15 = tpu.matmul %convert_element_type3A_9, %convert_element_type3A_13, %dot_general3A_14 {dimension_numbers = #tpu.dot_dimension_numbers<[1], [0], [0], [1], [0, 0, 1, 1], [], []>, transpose_lhs_hint = false} : vector<32768x128xbf16>, vector<128x64xbf16>, vector<32768x64xf32> -> vector<32768x64xf32>
    %get3A_16 = arith.constant 0 : index
    %get3A_17 = arith.constant 0 : index
    %get3A_18 = vector.load %arg4[%get3A_16, %get3A_17] : memref<1x64xf32, #tpu.memory_space<vmem>>, vector<1x64xf32>
    %add3A = vector.broadcast %get3A_18 : vector<1x64xf32> to vector<32768x64xf32>
    %add3A_19 = arith.addf %dot_general3A_15, %add3A : vector<32768x64xf32>
    %max3A_20 = arith.constant 0.000000e+00 : f32
    %max3A_21 = vector.broadcast %max3A_20 : f32 to vector<32768x64xf32>
    %max3A_22 = arith.maximumf %add3A_19, %max3A_21 : vector<32768x64xf32>
    %get3A_23 = arith.constant 0 : index
    %get3A_24 = arith.constant 0 : index
    %get3A_25 = vector.load %arg5[%get3A_23, %get3A_24] : memref<64x3xf32, #tpu.memory_space<vmem>>, vector<64x3xf32>
    %dot_general3A_26 = arith.constant dense<0.000000e+00> : vector<3x32768xf32>
    %dot_general3A_27 = tpu.matmul %get3A_25, %max3A_22, %dot_general3A_26 {dimension_numbers = #tpu.dot_dimension_numbers<[0], [1], [1], [0], [0, 1, 1, 0], [], []>, transpose_lhs_hint = false} : vector<64x3xf32>, vector<32768x64xf32>, vector<3x32768xf32> -> vector<3x32768xf32>
    %get3A_28 = arith.constant 0 : index
    %get3A_29 = arith.constant 0 : index
    %get3A_30 = vector.load %arg6[%get3A_28, %get3A_29] : memref<3x1xf32, #tpu.memory_space<vmem>>, vector<3x1xf32>
    %add3A_31 = vector.broadcast %get3A_30 : vector<3x1xf32> to vector<3x32768xf32>
    %add3A_32 = arith.addf %dot_general3A_27, %add3A_31 : vector<3x32768xf32>
    %tanh3A = math.tanh %add3A_32 : vector<3x32768xf32>
    %slice3A = vector.extract_strided_slice %tanh3A {offsets = [0, 0], sizes = [1, 32768], strides = [1, 1]} : vector<3x32768xf32> to vector<1x32768xf32>
    %squeeze3A = vector.shape_cast %slice3A : vector<1x32768xf32> to vector<32768xf32>
    %swap3A = arith.constant 0 : index
    %swap3A_33 = vector.load %arg7[%swap3A] : memref<32768xf32, #tpu.memory_space<vmem>>, vector<32768xf32>
    tpu.vector_store %arg7[%swap3A], %squeeze3A {strides = array<i32>} : memref<32768xf32, #tpu.memory_space<vmem>>, vector<32768xf32>,
    %slice3A_34 = vector.extract_strided_slice %tanh3A {offsets = [1, 0], sizes = [1, 32768], strides = [1, 1]} : vector<3x32768xf32> to vector<1x32768xf32>
    %squeeze3A_35 = vector.shape_cast %slice3A_34 : vector<1x32768xf32> to vector<32768xf32>
    %swap3A_36 = arith.constant 0 : index
    %swap3A_37 = vector.load %arg8[%swap3A_36] : memref<32768xf32, #tpu.memory_space<vmem>>, vector<32768xf32>
    tpu.vector_store %arg8[%swap3A_36], %squeeze3A_35 {strides = array<i32>} : memref<32768xf32, #tpu.memory_space<vmem>>, vector<32768xf32>,
    %slice3A_38 = vector.extract_strided_slice %tanh3A {offsets = [2, 0], sizes = [1, 32768], strides = [1, 1]} : vector<3x32768xf32> to vector<1x32768xf32>
    %squeeze3A_39 = vector.shape_cast %slice3A_38 : vector<1x32768xf32> to vector<32768xf32>
    %swap3A_40 = arith.constant 0 : index
    %swap3A_41 = vector.load %arg9[%swap3A_40] : memref<32768xf32, #tpu.memory_space<vmem>>, vector<32768xf32>
    tpu.vector_store %arg9[%swap3A_40], %squeeze3A_39 {strides = array<i32>} : memref<32768xf32, #tpu.memory_space<vmem>>, vector<32768xf32>,
    return
  }
  func.func @transform_0(%arg0: i32) -> (i32, i32) {
    %c0_i32 = arith.constant 0 : i32
    %c0_i32_0 = arith.constant 0 : i32
    return %c0_i32, %arg0 : i32, i32
  }
  func.func @transform_1(%arg0: i32) -> (i32, i32) {
    %c0_i32 = arith.constant 0 : i32
    %c0_i32_0 = arith.constant 0 : i32
    %c0_i32_1 = arith.constant 0 : i32
    return %c0_i32, %c0_i32_0 : i32, i32
  }
  func.func @transform_2(%arg0: i32) -> (i32, i32) {
    %c0_i32 = arith.constant 0 : i32
    %c0_i32_0 = arith.constant 0 : i32
    %c0_i32_1 = arith.constant 0 : i32
    return %c0_i32, %c0_i32_0 : i32, i32
  }
  func.func @transform_3(%arg0: i32) -> (i32, i32) {
    %c0_i32 = arith.constant 0 : i32
    %c0_i32_0 = arith.constant 0 : i32
    %c0_i32_1 = arith.constant 0 : i32
    return %c0_i32, %c0_i32_0 : i32, i32
  }
  func.func @transform_4(%arg0: i32) -> (i32, i32) {
    %c0_i32 = arith.constant 0 : i32
    %c0_i32_0 = arith.constant 0 : i32
    %c0_i32_1 = arith.constant 0 : i32
    return %c0_i32, %c0_i32_0 : i32, i32
  }
  func.func @transform_5(%arg0: i32) -> (i32, i32) {
    %c0_i32 = arith.constant 0 : i32
    %c0_i32_0 = arith.constant 0 : i32
    %c0_i32_1 = arith.constant 0 : i32
    return %c0_i32, %c0_i32_0 : i32, i32
  }
  func.func @transform_6(%arg0: i32) -> i32 {
    %c0_i32 = arith.constant 0 : i32
    return %arg0 : i32
  }
  func.func @transform_7(%arg0: i32) -> i32 {
    %c0_i32 = arith.constant 0 : i32
    return %arg0 : i32
  }
  func.func @transform_8(%arg0: i32) -> i32 {
    %c0_i32 = arith.constant 0 : i32
    return %arg0 : i32
  }
}

</mosaic_0001>

<sc_bundles>
// kernel: kernel.5.cloned.1.call-start
scs
__scs_entry_jumppad:
0x0: {  	(pc) =	sbr.rel $0x88, $3  }
0x1: {  	(tag) =	ssettag $0x0;
	lr =	simm.s32 $0x1  }
0x2: {  	[smem:$0x3F99] =	sst lr;
	_ =	strace $0xD0000000  }
0x3: {  	_ = 	snop  }
0x4: {  	_ = 	snop  }
0x5: {  	_ = 	snop  }
0x6: {  	_ = 	snop  }
0x7: {  	_ = 	snop  }
__scs_overlays_trampoline_lowered:
0x8: {  	[smem:$0x3FA8] =	sst s0  }
0x9: {  	[smem:$0x3FA9] =	sst s1  }
0xa: {  	[smem:$0x3FAA] =	sst s2  }
0xb: {  	[smem:$0x3FAB] =	sst s3  }
0xc: {  	[smem:$0x3FAC] =	sst s4  }
0xd: {  	[smem:$0x3FAD] =	sst s5  }
0xe: {  	[smem:$0x3FAE] =	sst s6  }
0xf: {  	[smem:$0x3FAF] =	sst s7  }
0x10: {  	[smem:$0x3FB0] =	sst s8  }
0x11: {  	[smem:$0x3FB1] =	sst s9;
	s0 =	simm.s32 @!p0 $0x0  }
0x12: {  	s1 =	sld [smem:$0x3F97];
	s0 =	simm.s32 @p0 $0x1  }
0x13: {  	[smem:$0x3FB2] =	sst s0;
	s0 =	simm.s32 @!p1 $0x0  }
0x14: {  	s2 =	sld [smem:$0x3F96];
	s0 =	simm.s32 @p1 $0x1  }
0x15: {  	[smem:$0x3FB3] =	sst s0;
	s0 =	simm.s32 @!p2 $0x0  }
0x16: {  	s3 =	sld [smem:$0x3FDB];
	s0 =	simm.s32 @p2 $0x1  }
0x17: {  	s4 =	simm.s32 $0x1BF5;
	[smem:$0x3FB5] =	sst s0  }
0x18: {  	s0 =	sld [smem:$0x3F98];
	_ =	swait.ge [sflag:s4], $0x0  }
0x19: {  	s7 =	sld [smem:$0x3F99]  }
0x1a: {  	s8 =	sadd.s32 $0xFFFFE003, lr  }
0x1b: {  	s9 =	sadd.s32 $0xFFFFFEF7, lr;
	s5 =	simm.s32 $0xFFFFFFFF;
	p2 =	slt.u32 s8, $0xFFFFF086  }
0x1c: {  	p1 =	slt.u32 s9, $0xF7A;
	s5 =	simm.s32 @!p2 $0x0  }
0x1d: {  	s5 =	simm.s32 @p1 $0x1;
	p0 =	seq.s32 s7, s2  }
0x1e: {  	s7 =	smul.u32 @!p0 $0xF7A, s2;
	p2 =	seq.s32 @!p0 s5, $0x0  }
0x1f: {  	s9 =	smul.u32 $0xF7A, s1;
	s8 =	simm.s32 @!p0 $0x1BF5;
	p2 =	por !p2, p0  }
0x20: {  	[sflag:s8] =	ssyncset.s32 @!p0 $0xFFFFF086;
	s6 =	sadd.s32 @!p0 s3, s7;
	s7 =	simm.s32 @!p0 $0x108  }
0x21: {  	s3 =	sadd.s32 s3, s9;
	s6 =	sadd.s32 @!p0 $0x88, s6;
	s7 =	simm.s32 @p2 $0x1082  }
0x22: {  	[simem:s7], [sflag:s8] =	dma.local @!p0 [hbm:s6], $0xF7A  }
0x23: {  	s9 =	sor.u32 $0xD0000000, s2;
	s6 =	simm.s32 $0x108;
	_ =	swait.ge @!p0 [sflag:s8], $0x0  }
0x24: {  	s3 =	sadd.s32 $0x88, s3;
	s6 =	simm.s32 @!p1 $0x1082;
	[sflag:s4] =	ssyncset.s32 $0xFFFFF086  }
0x25: {  	[simem:s6], [sflag:s4] =	dma.local [hbm:s3], $0xF7A  }
0x26: {  	[smem:$0x3F99] =	sst s1;
	(tag) =	ssettag s2;
	_ =	strace s9  }
0x27: {  	s1 =	sld [smem:$0x3FA9]  }
0x28: {  	s2 =	sld [smem:$0x3FAA]  }
0x29: {  	s4 =	sld [smem:$0x3FAC]  }
0x2a: {  	p0 =	seq.s32 s5, $0x0;
	s5 =	sld [smem:$0x3FAD]  }
0x2b: {  	s6 =	sld [smem:$0x3FAE]  }
0x2c: {  	s7 =	sld [smem:$0x3FAF]  }
0x2d: {  	s3 =	simm.s32 $0x108;
	s8 =	sld [smem:$0x3FB0]  }
0x2e: {  	s3 =	simm.s32 @!p0 $0x1082;
	s9 =	sld [smem:$0x3FB1]  }
0x2f: {  	lr =	sadd.s32 s0, s3;
	s0 =	sld [smem:$0x3FA8]  }
0x30: {  	s3 =	sld [smem:$0x3FAB]  }
0x31: {  	[smem:$0x3FB4] =	sst s10  }
0x32: {  	s10 =	sld [smem:$0x3FB2];
	_ =	sdelay $0x3  }
0x33: {  	p0 =	seq.s32 s10, $0x1;
	s10 =	sld [smem:$0x3FB4];
	_ =	sdelay $0x3  }
0x34: {  	[smem:$0x3FB4] =	sst s10  }
0x35: {  	s10 =	sld [smem:$0x3FB3];
	_ =	sdelay $0x3  }
0x36: {  	p1 =	seq.s32 s10, $0x1;
	s10 =	sld [smem:$0x3FB4];
	_ =	sdelay $0x3  }
0x37: {  	[smem:$0x3FB4] =	sst s10  }
0x38: {  	s10 =	sld [smem:$0x3FB5]  }
0x39: {  	_ = 	snop;
	(pc) =	sbr.ind lr, $3  }
0x3a: {  	_ = 	snop  }
0x3b: {  	_ = 	snop  }
0x3c: {  	p2 =	seq.s32 s10, $0x1;
	s10 =	sld [smem:$0x3FB4]  }
0x3d: {  	_ =	shalt  }
0x3e: {  	_ =	shalt  }
0x3f: {  	_ =	shalt  }
0x40: {  	_ =	shalt  }
0x41: {  	_ =	shalt  }
0x42: {  	_ =	shalt  }
0x43: {  	_ =	shalt  }
0x44: {  	_ =	shalt  }
0x45: {  	_ =	shalt  }
0x46: {  	_ =	shalt  }
0x47: {  	_ =	shalt  }
0x48: {  	_ =	shalt  }
0x49: {  	_ =	shalt  }
0x4a: {  	_ =	shalt  }
0x4b: {  	_ =	shalt  }
0x4c: {  	_ =	shalt  }
0x4d: {  	_ =	shalt  }
0x4e: {  	_ =	shalt  }
0x4f: {  	_ =	shalt  }
0x50: {  	_ =	shalt  }
0x51: {  	_ =	shalt  }
0x52: {  	_ =	shalt  }
0x53: {  	_ =	shalt  }
0x54: {  	_ =	shalt  }
0x55: {  	_ =	shalt  }
0x56: {  	_ =	shalt  }
0x57: {  	_ =	shalt  }
0x58: {  	_ =	shalt  }
0x59: {  	_ =	shalt  }
0x5a: {  	_ =	shalt  }
0x5b: {  	_ =	shalt  }
0x5c: {  	_ =	shalt  }
0x5d: {  	_ =	shalt  }
0x5e: {  	_ =	shalt  }
0x5f: {  	_ =	shalt  }
0x60: {  	_ =	shalt  }
0x61: {  	_ =	shalt  }
0x62: {  	_ =	shalt  }
0x63: {  	_ =	shalt  }
0x64: {  	_ =	shalt  }
0x65: {  	_ =	shalt  }
0x66: {  	_ =	shalt  }
0x67: {  	_ =	shalt  }
0x68: {  	_ =	shalt  }
0x69: {  	_ =	shalt  }
0x6a: {  	_ =	shalt  }
0x6b: {  	_ =	shalt  }
0x6c: {  	_ =	shalt  }
0x6d: {  	_ =	shalt  }
0x6e: {  	_ =	shalt  }
0x6f: {  	_ =	shalt  }
0x70: {  	_ =	shalt  }
0x71: {  	_ =	shalt  }
0x72: {  	_ =	shalt  }
0x73: {  	_ =	shalt  }
0x74: {  	_ =	shalt  }
0x75: {  	_ =	shalt  }
0x76: {  	_ =	shalt  }
0x77: {  	_ =	shalt  }
0x78: {  	_ =	shalt  }
0x79: {  	_ =	shalt  }
0x7a: {  	_ =	shalt  }
0x7b: {  	_ =	shalt  }
0x7c: {  	_ =	shalt  }
0x7d: {  	_ =	shalt  }
0x7e: {  	_ =	shalt  }
0x7f: {  	_ =	shalt  }
0x80: {  	_ =	shalt  }
0x81: {  	_ =	shalt  }
0x82: {  	_ =	shalt  }
0x83: {  	_ =	shalt  }
0x84: {  	_ =	shalt  }
0x85: {  	_ =	shalt  }
0x86: {  	_ =	shalt  }
0x87: {  	_ =	shalt  }
.Lfunc_end0:
.L_simem_size_0:
called_computation_lowered:
.L_overlay_start_0:
0x88: {  	s2 =	sld [smem:$0x3FD9]  }
0x89: {  	s3 =	sld [smem:$0x3FFE];
	_ =	sdelay $0x1  }
0x8a: {  	s1 =	srdreg.scid  }
0x8b: {  	s0 =	sand.u32 $0x1, s1  }
0x8c: {  	s17 =	sshll.u32 s0, $0xA;
	s2 =	sadd.s32 s3, s2  }
0x8d: {  	s2 =	sadd.s32 s2, s17  }
0x8e: {  	[smem:$0x3FC0] =	sst s2  }
0x8f: {  	_ = 	snop  }
0x90: {  	s2 =	sld [smem:$0x3FC8]  }
0x91: {  	s18 =	sld [smem:$0x3FD0];
	(tm) =	ssettm $0x1  }
0x92: {  	s4 =	sld [smem:$0x3FFB];
	_ =	sdelay $0x3  }
0x93: {  	_ =	strace s4  }
0x94: {  	s4 =	sld [smem:$0x3FFC];
	_ =	sdelay $0x3  }
0x95: {  	_ =	strace s4  }
0x96: {  	s4 =	sld [smem:$0x3FFD];
	_ =	sdelay $0x3  }
0x97: {  	_ =	strace s4  }
0x98: {  	_ =	strace $0x8FFFFFFF  }
0x99: {  	s19 =	sld [smem:$0x3FDB];
	_ =	sdelay $0x1  }
0x9a: {  	s5 =	simm.s32 $_scs_section_size  }
0x9b: {  	s6 =	simm.s32 $_size__tile_overlayer_lowered;
	s7 =	simm.s32 $_tile_overlayer_lowered  }
0x9c: {  	s22 =	simm.s32 $0x1BFF;
	s21 =	sshll.u32 s7, $0x1;
	s4 =	sadd.s32 s5, s19  }
0x9d: {  	s8 =	simm.s32 $0x0;
	s20 =	sshll.u32 s6, $0x1;
	s6 =	sadd.s32 s21, s4  }
0x9e: {  	[timem:s8], [sflag:s22] =	dma.local [hbm:s6], s20  }
0x9f: {  	_ =	swait.ge [sflag:s22], s20  }
0xa0: {  	s5 =	ssub.s32 $0x0, s20;
	[sflag:s22] =	ssyncset.done $0x0  }
0xa1: {  	[sflag:s22] =	ssyncadd.s32 s5;
	_ =	sdelay $0x1  }
0xa2: {  	s23 =	simm.s32 $0x1B8B  }
0xa3: {  	_ =	swait.ge [sflag:s23], $0x1  }
0xa4: {  	[sflag:s23] =	ssyncset.done $0x0  }
0xa5: {  	s25 =	simm.s32 $0x1B8E;
	s24 =	sld [smem:$0x3FFE];
	[sflag:s23] =	ssyncadd.s32 $0xFFFFFFFF  }
0xa6: {  	s26 =	simm.s32 $execute0_lowered;
	[smem:$0x3FD2] =	sst s25  }
0xa7: {  	s6 =	sshll.u32 s26, $0x1;
	_ =	strace $0x80000046;
	[dreg:$0x1] =	wrdreg $0xFFFFFFFF  }
0xa8: {  	s28 =	simm.s32 $_size_execute0_lowered;
	s4 =	sadd.s32 s4, s6;
	[dreg:$0x0] =	wrdreg $0x0  }
0xa9: {  	s6 =	sshll.u32 s28, $0x1;
	[dreg:$0x2] =	wrdreg s4  }
0xaa: {  	[dreg:$0x3] =	wrdreg s6  }
0xab: {  	[dreg:$0x4] =	wrdreg $0xC0  }
0xac: {  	_ =	task [dreg:s8], $0x5FFFF  }
0xad: {  	[dreg:$0x1] =	wrdreg $0xFFFFFFFF  }
0xae: {  	[dreg:$0x0] =	wrdreg $0x60  }
0xaf: {  	[dreg:$0x2] =	wrdreg s24  }
0xb0: {  	[dreg:$0x3] =	wrdreg s2  }
0xb1: {  	[dreg:$0x4] =	wrdreg s18  }
0xb2: {  	[dreg:$0x5] =	wrdreg $0xA0000  }
0xb3: {  	[dreg:$0x6] =	wrdreg $0x120000  }
0xb4: {  	[dreg:$0x7] =	wrdreg $0x9  }
0xb5: {  	_ =	task.clear_ibuf [dreg:s8], $0x8FFFF;
	_ =	strace $0x90000046  }
0xb6: {  	s29 =	simm.s32 $0x9;
	_ =	strace $0x80000048  }
0xb7: {  	_ =	swait.ge [sflag:s29], $0x1  }
0xb8: {  	[sflag:s29] =	ssyncadd.s32 $0xFFFFFFFF  }
0xb9: {  	_ =	strace $0x90000048  }
0xba: {  	_ =	sfence  }
0xbb: {  	s30 =	sld [smem:$0x0];
	_ =	sdelay $0x2  }
0xbc: {  	s31 =	sshll.u32 s1, $0xD;
	s1 =	sshrl.u32 s1, $0x2  }
0xbd: {  	s3 =	sand.u32 $0x4000, s31;
	s1 =	sadd.s32 s1, s30  }
0xbe: {  	s0 =	sor.u32 s3, s0;
	s1 =	sshll.u32 s1, $0x11  }
0xbf: {  	s0 =	sor.u32 s1, s0  }
0xc0: {  	s0 =	sadd.s32 $0x8F2B, s0  }
0xc1: {  	[sflag:s0] =	ssyncadd.remote.s32 $0x1  }
0xc2: {  	_ =	sfence.sel $0xFFFF  }
0xc3: {  	[dreg:$0x0] =	wrdreg $0xFFFFFFFF;
	(pc) =	sbr.abs _section_cstart, $3  }
0xc4: {  	[dreg:$0x1] =	wrdreg $0xFFFFFFFF  }
0xc5: {  	_ =	task.clear_ibuf [dreg:s8], $0x2FFFF;
	_ =	strace $0x9FFFFFFF  }
0xc6: {  	(tm) =	ssettm $0x7FFFFFFF  }
0xc7: {  	_ =	shalt  }
tec
execute0_lowered:
.L_overlay_start_1:
0x0: {  	(tag) =	ssettag $0x1  }
0x1: {  	s0 =	rddreg [dreg:$0x0]  }
0x2: {  	s15 =	rddreg [dreg:$0x1]  }
0x3: {  	s6 =	rddreg [dreg:$0x2]  }
0x4: {  	s2 =	rddreg [dreg:$0x3]  }
0x5: {  	s3 =	rddreg [dreg:$0x4];
	s4 =	simm.s32 $0x0;
	s1 =	srdreg.scid  }
0x6: {  	s16 =	stileid.u32;
	[smem:$0x7FF] =	sst s4;
	s5 =	sadd.s32 $0x2000, s0  }
0x7: {  	s17 =	sadd.s32 $0x6000, s0;
	s7 =	sand.u32 $0x1, s1;
	s18 =	sadd.s32 $0xA000, s0  }
0x8: {  	s8 =	sshll.u32 s16, $0xC;
	_ =	strace $0x80000047;
	[dreg:$0x6] =	wrdreg s5  }
0x9: {  	s10 =	sshll.u32 s16, $0xF;
	p3 =	seq.s32 s16, $0x0;
	[dreg:$0x7] =	wrdreg s17  }
0xa: {  	s26 =	sadd.s32 $0x2400, s0;
	p4 =	seq.s32 s16, $0x1;
	[dreg:$0x8] =	wrdreg s18  }
0xb: {  	s19 =	ssub.s32 $0x2, s7;
	[dreg:$0xf] =	wrdreg s26;
	s6 =	sadd.s32 s6, s8  }
0xc: {  	p2 =	seq.s32 s7, $0x0;
	s17 =	sadd.s32 $0x3000, s0;
	[dreg:$0x11] =	wrdreg s6  }
0xd: {  	s25 =	sor.u32 s16, s7;
	s18 =	sadd.s32 $0x3400, s0;
	[dreg:$0x13] =	wrdreg s17  }
0xe: {  	p0 =	seq.s32 s7, $0x1;
	s26 =	sadd.s32 $0x5400, s0;
	[dreg:$0x14] =	wrdreg s18  }
0xf: {  	p1 =	sne.s32 s7, $0x0;
	s7 =	sadd.s32 $0x5800, s0;
	[dreg:$0x1c] =	wrdreg s26  }
0x10: {  	s1 =	sadd.s32 s8, s0;
	s8 =	sadd.s32 $0x5C00, s0;
	[dreg:$0x1d] =	wrdreg s7  }
0x11: {  	s11 =	sor.u32 $0x2000, s10;
	s16 =	sadd.s32 $0xB400, s0;
	[dreg:$0x1e] =	wrdreg s8  }
0x12: {  	s12 =	sor.u32 $0x4000, s10;
	s13 =	sadd.s32 s11, s2;
	[smem:$0x7E1] =	sst s16  }
0x13: {  	s14 =	sor.u32 $0x6000, s10;
	s20 =	sadd.s32 s12, s2;
	[dreg:$0x9] =	wrdreg s13  }
0x14: {  	s21 =	sadd.s32 s14, s2;
	[dreg:$0xa] =	wrdreg s20  }
0x15: {  	s22 =	sadd.s32 s11, s3;
	[dreg:$0xb] =	wrdreg s21  }
0x16: {  	s23 =	sadd.s32 s12, s3;
	[dreg:$0xc] =	wrdreg s22  }
0x17: {  	s24 =	sadd.s32 s14, s3;
	[dreg:$0xd] =	wrdreg s23  }
0x18: {  	s12 =	sadd.s32 $0x2800, s0;
	[dreg:$0xe] =	wrdreg s24  }
0x19: {  	s14 =	sadd.s32 $0x2C00, s0;
	p4 =	por !p2, !p4;
	[dreg:$0x10] =	wrdreg s12  }
0x1a: {  	p2 =	sne.s32 s25, $0x0;
	s25 =	sadd.s32 $0x5000, s0;
	[dreg:$0x12] =	wrdreg s14  }
0x1b: {  	s11 =	sadd.s32 $0xA800, s0;
	[dreg:$0x1b] =	wrdreg s25  }
0x1c: {  	s17 =	sadd.s32 $0xB800, s0;
	[smem:$0x7DE] =	sst s11  }
0x1d: {  	s18 =	sadd.s32 $0xBC00, s0;
	[smem:$0x7E2] =	sst s17  }
0x1e: {  	s26 =	sadd.s32 $0xDC00, s0;
	[smem:$0x7E3] =	sst s18  }
0x1f: {  	s7 =	sadd.s32 $0x6400, s0;
	[smem:$0x7EB] =	sst s26  }
0x20: {  	s8 =	sadd.s32 $0x6800, s0;
	[smem:$0x7EC] =	sst s7  }
0x21: {  	s9 =	sshrl.u32 s19, $0x1;
	s16 =	sadd.s32 $0x7C00, s0;
	[smem:$0x7ED] =	sst s8  }
0x22: {  	s5 =	ssub.s32 s19, s9;
	s19 =	sadd.s32 $0x3800, s0;
	[smem:$0x7F2] =	sst s16  }
0x23: {  	s20 =	sadd.s32 $0x3C00, s0;
	[dreg:$0x15] =	wrdreg s19  }
0x24: {  	s21 =	sadd.s32 $0x4000, s0;
	[dreg:$0x16] =	wrdreg s20  }
0x25: {  	s22 =	sadd.s32 $0x4400, s0;
	[dreg:$0x17] =	wrdreg s21  }
0x26: {  	s23 =	sadd.s32 $0x4800, s0;
	[dreg:$0x18] =	wrdreg s22  }
0x27: {  	s9 =	sadd.s32 s10, s2;
	s24 =	sadd.s32 $0x4C00, s0;
	[dreg:$0x19] =	wrdreg s23  }
0x28: {  	s13 =	sadd.s32 s10, s3;
	s10 =	sadd.s32 $0xA400, s0;
	[dreg:$0x1a] =	wrdreg s24  }
0x29: {  	s12 =	sadd.s32 $0xAC00, s0;
	[dreg:$0x1f] =	wrdreg s10  }
0x2a: {  	s14 =	sadd.s32 $0xB000, s0;
	[smem:$0x7DF] =	sst s12  }
0x2b: {  	s25 =	sadd.s32 $0xD800, s0;
	[smem:$0x7E0] =	sst s14  }
0x2c: {  	s11 =	sadd.s32 $0x7000, s0;
	[smem:$0x7EA] =	sst s25  }
0x2d: {  	s17 =	sadd.s32 $0x8000, s0;
	[smem:$0x7EF] =	sst s11  }
0x2e: {  	s28 =	sadd.s32 $0x2800, s15;
	s18 =	sadd.s32 $0x8400, s0;
	[smem:$0x7F3] =	sst s17  }
0x2f: {  	s29 =	sadd.s32 $0x2C00, s15;
	s19 =	sadd.s32 $0xC000, s0;
	[smem:$0x7F4] =	sst s18  }
0x30: {  	s30 =	sadd.s32 $0x3000, s15;
	s20 =	sadd.s32 $0xC400, s0;
	[smem:$0x7E4] =	sst s19  }
0x31: {  	s31 =	sadd.s32 $0x3400, s15;
	s21 =	sadd.s32 $0xC800, s0;
	[smem:$0x7E5] =	sst s20  }
0x32: {  	p5 =	por !p3, !p0;
	s22 =	sadd.s32 $0xCC00, s0;
	[smem:$0x7E6] =	sst s21  }
0x33: {  	s6 =	simm.s32 $0x8000;
	s23 =	sadd.s32 $0xD000, s0;
	[smem:$0x7E7] =	sst s22  }
0x34: {  	p3 =	por !p4, !p4;
	s24 =	sadd.s32 $0xD400, s0;
	[smem:$0x7E8] =	sst s23  }
0x35: {  	p4 =	por !p5, !p5;
	s10 =	sadd.s32 $0x6C00, s0;
	[smem:$0x7E9] =	sst s24  }
0x36: {  	s7 =	sadd.s32 $0x3C00, s15;
	s12 =	sadd.s32 $0x7400, s0;
	[smem:$0x7EE] =	sst s10  }
0x37: {  	s8 =	simm.s32 $0x4000;
	s14 =	sadd.s32 $0x7800, s0;
	[smem:$0x7F0] =	sst s12  }
0x38: {  	s25 =	sadd.s32 $0x1E000, s1;
	s26 =	smax.u32 s5, $0x1;
	[smem:$0x7F1] =	sst s14  }
0x39: {  	s17 =	sadd.s32 $0x400, s15;
	s18 =	sadd.s32 $0x800, s15;
	[smem:$0x7FC] =	sst s25  }
0x3a: {  	s11 =	simm.s32 $0x1;
	s19 =	sadd.s32 $0x8800, s0;
	[smem:$0x7FD] =	sst s26  }
0x3b: {  	s20 =	sadd.s32 $0x8C00, s0;
	s21 =	sadd.s32 $0x9000, s0;
	[smem:$0x7F5] =	sst s19  }
0x3c: {  	s22 =	sadd.s32 $0x9400, s0;
	s23 =	sadd.s32 $0x9800, s0;
	[smem:$0x7F6] =	sst s20  }
0x3d: {  	s0 =	sadd.s32 $0x9C00, s0;
	s24 =	sadd.s32 $0xE000, s1;
	[smem:$0x7F7] =	sst s21  }
0x3e: {  	s25 =	sadd.s32 $0x2000, s15;
	s26 =	sadd.s32 $0x2400, s15;
	[smem:$0x7F8] =	sst s22  }
.Ltmp0:
0x3f: {  	s1 =	simm.s32 $0x3;
	[smem:$0x7F9] =	sst s23;
	(pc) =	sbr.rel .LBB2_1-.Ltmp0, $4  }
0x40: {  	s10 =	simm.s32 $0x6000;
	s12 =	simm.s32 $0x2;
	[smem:$0x7FA] =	sst s0  }
0x41: {  	s14 =	simm.s32 $0x0;
	[smem:$0x7FB] =	sst s24;
	s20 =	sadd.s32 $0xC00, s15  }
0x42: {  	s21 =	sadd.s32 $0x1000, s15;
	s22 =	sadd.s32 $0x1400, s15;
	s23 =	sadd.s32 $0x1800, s15  }
0x43: {  	v0 =	vimm.f32 $NaN;
	s24 =	sadd.s32 $0x1C00, s15;
	s0 =	sadd.s32 $0x3800, s15;
	s19 =	simm.s32 $0x2000  }
.LBB2_12:
0x44: {  	s15 =	stileid.u32;
	s5 =	sld [smem:$0x7FC]  }
0x45: {  	s15 =	sshll.u32 s15, $0x6  }
0x46: {  	s16 =	sshrl.u32 s9, $0x3;
	s15 =	sor.u32 $0x1C03, s15  }
0x47: {  	[hbm:s5], [sflag:s15] =	dma.local [spmem:s16], $0x1000  }
0x48: {  	_ =	swait.ge [sflag:s1], $0x1000  }
0x49: {  	[sflag:s1] =	ssyncset.done $0x0  }
0x4a: {  	[sflag:s1] =	ssyncadd.s32 $0xFFFFF000  }
.LBB2_13:
0x4b: {  	s5 =	sld [smem:$0x7FD];
	_ =	sdelay $0x1  }
0x4c: {  	s14 =	sadd.s32 $0x1, s14  }
0x4d: {  	p5 =	sne.s32 s14, s5  }
.Ltmp1:
0x4e: {  	_ = 	snop;
	(pc) =	sbr.rel @!p5 .LBB2_14-.Ltmp1, $1  }
0x4f: {  	_ =	sdelay $0x3  }
.LBB2_1:
0x50: {  	s15 =	simm.s32 $0x40;
	s16 =	simm.s32 $0x0  }
.LBB2_2:
0x51: {  	p5 =	sne.s32 s15, $0x7FC0;
	[tilespmem:s16+$0x8000] =	vst v0;
	s16 =	smov.u32 s15;
	s15 =	sadd.s32 $0x40, s15  }
.Ltmp2:
0x52: {  	(pc) =	sbr.rel @p5 .LBB2_2-.Ltmp2, $2  }
0x53: {  	_ =	sdelay $0x2  }
0x54: {  	s16 =	sshra.s32 s16, $0x2  }
0x55: {  	[tilespmem:s16+$0x8000] =	vst v0  }
0x56: {  	[spmem:s9] =	stream.linear.scatter [tilespmem:s6], [sflag:$0x3], $0x2000, $0x38;
	[tilespmem:$0x1A000] =	vst v63  }
0x57: {  	_ =	swait.ge [sflag:s1], $0x2000  }
0x58: {  	[sflag:s1] =	ssyncset.done $0x0  }
0x59: {  	s15 =	rddreg [dreg:$0x9];
	[sflag:s1] =	ssyncadd.s32 $0xFFFFE000  }
0x5a: {  	[spmem:s15] =	stream.linear.scatter [tilespmem:s6], [sflag:$0x3], $0x2000, $0x38;
	[tilespmem:$0x1A000] =	vst v63  }
0x5b: {  	_ =	swait.ge [sflag:s1], $0x2000  }
0x5c: {  	[sflag:s1] =	ssyncset.done $0x0  }
0x5d: {  	s5 =	rddreg [dreg:$0xa];
	[sflag:s1] =	ssyncadd.s32 $0xFFFFE000  }
0x5e: {  	[spmem:s5] =	stream.linear.scatter [tilespmem:s6], [sflag:$0x3], $0x2000, $0x38;
	[tilespmem:$0x1A000] =	vst v63  }
0x5f: {  	_ =	swait.ge [sflag:s1], $0x2000  }
0x60: {  	[sflag:s1] =	ssyncset.done $0x0  }
0x61: {  	s16 =	rddreg [dreg:$0xb];
	[sflag:s1] =	ssyncadd.s32 $0xFFFFE000  }
0x62: {  	[spmem:s16] =	stream.linear.scatter [tilespmem:s6], [sflag:$0x3], $0x2000, $0x38;
	[tilespmem:$0x1A000] =	vst v63  }
0x63: {  	_ =	swait.ge [sflag:s1], $0x2000  }
0x64: {  	[sflag:s1] =	ssyncset.done $0x0  }
0x65: {  	s15 =	simm.s32 @!p1 $0x8000;
	s16 =	simm.s32 @!p1 $0x3;
	[sflag:s1] =	ssyncadd.s32 $0xFFFFE000  }
0x66: {  	[spmem:s13] =	stream.linear.scatter @!p1 [tilespmem:s15], [sflag:$0x3], $0x2000, $0x38;
	[tilespmem:$0x1A000] =	vst v63  }
0x67: {  	_ =	swait.ge @!p1 [sflag:s16], $0x2000  }
0x68: {  	[sflag:s16] =	ssyncset.done @!p1 $0x0  }
0x69: {  	s5 =	rddreg [dreg:$0xc];
	[sflag:s16] =	ssyncadd.s32 @!p1 $0xFFFFE000  }
0x6a: {  	[spmem:s5] =	stream.linear.scatter @!p1 [tilespmem:s15], [sflag:$0x3], $0x2000, $0x38;
	[tilespmem:$0x1A000] =	vst v63  }
0x6b: {  	_ =	swait.ge @!p1 [sflag:s16], $0x2000  }
0x6c: {  	[sflag:s16] =	ssyncset.done @!p1 $0x0  }
0x6d: {  	s5 =	rddreg [dreg:$0xd];
	[sflag:s16] =	ssyncadd.s32 @!p1 $0xFFFFE000  }
0x6e: {  	[spmem:s5] =	stream.linear.scatter @!p1 [tilespmem:s15], [sflag:$0x3], $0x2000, $0x38;
	[tilespmem:$0x1A000] =	vst v63  }
0x6f: {  	_ =	swait.ge @!p1 [sflag:s16], $0x2000  }
0x70: {  	[sflag:s16] =	ssyncset.done @!p1 $0x0  }
0x71: {  	s5 =	rddreg [dreg:$0xe];
	[sflag:s16] =	ssyncadd.s32 @!p1 $0xFFFFE000  }
0x72: {  	[spmem:s5] =	stream.linear.scatter @!p1 [tilespmem:s15], [sflag:$0x3], $0x2000, $0x38;
	[tilespmem:$0x1A000] =	vst v63  }
.Ltmp3:
0x73: {  	_ =	swait.ge @!p1 [sflag:s16], $0x2000;
	(pc) =	sbr.rel @p2 .LBB2_5-.Ltmp3, $3  }
0x74: {  	[sflag:s16] =	ssyncset.done @!p1 $0x0  }
0x75: {  	[sflag:s16] =	ssyncadd.s32 @!p1 $0xFFFFE000  }
0x76: {  	[bflag:$0x0] =	sbarrier.arrive $0xFFFF;
	_ =	sdelay $0x1  }
0x77: {  	s15 =	rddreg [dreg:$0x1]  }
0x78: {  	[tilespmem:s4], [sflag:$0x1] =	stream.linear.gather [hbm4b:s15+s4], $0x2000, $0x38;
	[tilespmem:$0x1A000] =	vst v63  }
0x79: {  	s5 =	rddreg [dreg:$0x6]  }
0x7a: {  	[tilespmem:s19], [sflag:$0x1] =	stream.linear.gather [hbm4b:s5+s4], $0x2000, $0x38;
	[tilespmem:$0x1A000] =	vst v63  }
0x7b: {  	_ = 	snop  }
0x7c: {  	[tilespmem:s8], [sflag:$0x2] =	stream.linear.gather [hbm4b:s17+s4], $0x2000, $0x38;
	[tilespmem:$0x1A000] =	vst v63  }
0x7d: {  	s5 =	rddreg [dreg:$0xf]  }
0x7e: {  	[tilespmem:s10], [sflag:$0x2] =	stream.linear.gather [hbm4b:s5+s4], $0x2000, $0x38;
	[tilespmem:$0x1A000] =	vst v63  }
0x7f: {  	_ =	swait.ge [sflag:s11], $0x2000  }
0x80: {  	[sflag:s11] =	ssyncset.done $0x0  }
0x81: {  	[sflag:s11] =	ssyncadd.s32 $0xFFFFE000  }
0x82: {  	_ =	swait.ge [sflag:s11], $0x2000  }
0x83: {  	[sflag:s11] =	ssyncset.done $0x0  }
0x84: {  	[sflag:s11] =	ssyncadd.s32 $0xFFFFE000  }
0x85: {  	[spmem:s2] =	stream.indirect.scatter [tilespmem:s19], [sflag:$0x3], $0x1, s4, s19, $0xb8;
	[tilespmem:$0x1A000] =	vst v63  }
0x86: {  	_ =	swait.ge [sflag:s1], $0x2000  }
0x87: {  	[sflag:s1] =	ssyncset.done $0x0  }
0x88: {  	[sflag:s1] =	ssyncadd.s32 $0xFFFFE000  }
0x89: {  	[tilespmem:s4], [sflag:$0x1] =	stream.linear.gather [hbm4b:s18+s4], $0x2000, $0x38;
	[tilespmem:$0x1A000] =	vst v63  }
0x8a: {  	s15 =	rddreg [dreg:$0x10]  }
0x8b: {  	[tilespmem:s19], [sflag:$0x1] =	stream.linear.gather [hbm4b:s15+s4], $0x2000, $0x38;
	[tilespmem:$0x1A000] =	vst v63  }
0x8c: {  	_ =	swait.ge [sflag:s12], $0x2000  }
0x8d: {  	[sflag:s12] =	ssyncset.done $0x0  }
0x8e: {  	[sflag:s12] =	ssyncadd.s32 $0xFFFFE000  }
0x8f: {  	_ =	swait.ge [sflag:s12], $0x2000  }
0x90: {  	[sflag:s12] =	ssyncset.done $0x0  }
0x91: {  	[sflag:s12] =	ssyncadd.s32 $0xFFFFE000  }
0x92: {  	[spmem:s2] =	stream.indirect.scatter [tilespmem:s10], [sflag:$0x3], $0x1, s8, s19, $0xb8;
	[tilespmem:$0x1A000] =	vst v63  }
0x93: {  	_ =	swait.ge [sflag:s1], $0x2000  }
0x94: {  	[sflag:s1] =	ssyncset.done $0x0  }
0x95: {  	[sflag:s1] =	ssyncadd.s32 $0xFFFFE000  }
0x96: {  	[tilespmem:s8], [sflag:$0x2] =	stream.linear.gather [hbm4b:s20+s4], $0x2000, $0x38;
	[tilespmem:$0x1A000] =	vst v63  }
0x97: {  	s16 =	rddreg [dreg:$0x12]  }
0x98: {  	[tilespmem:s10], [sflag:$0x2] =	stream.linear.gather [hbm4b:s16+s4], $0x2000, $0x38;
	[tilespmem:$0x1A000] =	vst v63  }
0x99: {  	_ =	swait.ge [sflag:s11], $0x2000  }
0x9a: {  	[sflag:s11] =	ssyncset.done $0x0  }
0x9b: {  	[sflag:s11] =	ssyncadd.s32 $0xFFFFE000  }
0x9c: {  	_ =	swait.ge [sflag:s11], $0x2000  }
0x9d: {  	[sflag:s11] =	ssyncset.done $0x0  }
0x9e: {  	[sflag:s11] =	ssyncadd.s32 $0xFFFFE000  }
0x9f: {  	[spmem:s2] =	stream.indirect.scatter [tilespmem:s19], [sflag:$0x3], $0x1, s4, s19, $0xb8;
	[tilespmem:$0x1A000] =	vst v63  }
0xa0: {  	_ =	swait.ge [sflag:s1], $0x2000  }
0xa1: {  	[sflag:s1] =	ssyncset.done $0x0  }
0xa2: {  	[sflag:s1] =	ssyncadd.s32 $0xFFFFE000  }
0xa3: {  	[tilespmem:s4], [sflag:$0x1] =	stream.linear.gather [hbm4b:s21+s4], $0x2000, $0x38;
	[tilespmem:$0x1A000] =	vst v63  }
0xa4: {  	s15 =	rddreg [dreg:$0x13]  }
0xa5: {  	[tilespmem:s19], [sflag:$0x1] =	stream.linear.gather [hbm4b:s15+s4], $0x2000, $0x38;
	[tilespmem:$0x1A000] =	vst v63  }
0xa6: {  	_ =	swait.ge [sflag:s12], $0x2000  }
0xa7: {  	[sflag:s12] =	ssyncset.done $0x0  }
0xa8: {  	[sflag:s12] =	ssyncadd.s32 $0xFFFFE000  }
0xa9: {  	_ =	swait.ge [sflag:s12], $0x2000  }
0xaa: {  	[sflag:s12] =	ssyncset.done $0x0  }
0xab: {  	[sflag:s12] =	ssyncadd.s32 $0xFFFFE000  }
0xac: {  	[spmem:s2] =	stream.indirect.scatter [tilespmem:s10], [sflag:$0x3], $0x1, s8, s19, $0xb8;
	[tilespmem:$0x1A000] =	vst v63  }
0xad: {  	_ =	swait.ge [sflag:s1], $0x2000  }
0xae: {  	[sflag:s1] =	ssyncset.done $0x0  }
0xaf: {  	[sflag:s1] =	ssyncadd.s32 $0xFFFFE000  }
0xb0: {  	[tilespmem:s8], [sflag:$0x2] =	stream.linear.gather [hbm4b:s22+s4], $0x2000, $0x38;
	[tilespmem:$0x1A000] =	vst v63  }
0xb1: {  	s16 =	rddreg [dreg:$0x14]  }
0xb2: {  	[tilespmem:s10], [sflag:$0x2] =	stream.linear.gather [hbm4b:s16+s4], $0x2000, $0x38;
	[tilespmem:$0x1A000] =	vst v63  }
0xb3: {  	_ =	swait.ge [sflag:s11], $0x2000  }
0xb4: {  	[sflag:s11] =	ssyncset.done $0x0  }
0xb5: {  	[sflag:s11] =	ssyncadd.s32 $0xFFFFE000  }
0xb6: {  	_ =	swait.ge [sflag:s11], $0x2000  }
0xb7: {  	[sflag:s11] =	ssyncset.done $0x0  }
0xb8: {  	[sflag:s11] =	ssyncadd.s32 $0xFFFFE000  }
0xb9: {  	[spmem:s2] =	stream.indirect.scatter [tilespmem:s19], [sflag:$0x3], $0x1, s4, s19, $0xb8;
	[tilespmem:$0x1A000] =	vst v63  }
0xba: {  	_ =	swait.ge [sflag:s1], $0x2000  }
0xbb: {  	[sflag:s1] =	ssyncset.done $0x0  }
0xbc: {  	[sflag:s1] =	ssyncadd.s32 $0xFFFFE000  }
0xbd: {  	[tilespmem:s4], [sflag:$0x1] =	stream.linear.gather [hbm4b:s23+s4], $0x2000, $0x38;
	[tilespmem:$0x1A000] =	vst v63  }
0xbe: {  	s15 =	rddreg [dreg:$0x15]  }
0xbf: {  	[tilespmem:s19], [sflag:$0x1] =	stream.linear.gather [hbm4b:s15+s4], $0x2000, $0x38;
	[tilespmem:$0x1A000] =	vst v63  }
0xc0: {  	_ =	swait.ge [sflag:s12], $0x2000  }
0xc1: {  	[sflag:s12] =	ssyncset.done $0x0  }
0xc2: {  	[sflag:s12] =	ssyncadd.s32 $0xFFFFE000  }
0xc3: {  	_ =	swait.ge [sflag:s12], $0x2000  }
0xc4: {  	[sflag:s12] =	ssyncset.done $0x0  }
0xc5: {  	[sflag:s12] =	ssyncadd.s32 $0xFFFFE000  }
0xc6: {  	[spmem:s2] =	stream.indirect.scatter [tilespmem:s10], [sflag:$0x3], $0x1, s8, s19, $0xb8;
	[tilespmem:$0x1A000] =	vst v63  }
0xc7: {  	_ =	swait.ge [sflag:s1], $0x2000  }
0xc8: {  	[sflag:s1] =	ssyncset.done $0x0  }
0xc9: {  	[sflag:s1] =	ssyncadd.s32 $0xFFFFE000  }
0xca: {  	[tilespmem:s8], [sflag:$0x2] =	stream.linear.gather [hbm4b:s24+s4], $0x2000, $0x38;
	[tilespmem:$0x1A000] =	vst v63  }
0xcb: {  	s16 =	rddreg [dreg:$0x16]  }
0xcc: {  	[tilespmem:s10], [sflag:$0x2] =	stream.linear.gather [hbm4b:s16+s4], $0x2000, $0x38;
	[tilespmem:$0x1A000] =	vst v63  }
0xcd: {  	_ =	swait.ge [sflag:s11], $0x2000  }
0xce: {  	[sflag:s11] =	ssyncset.done $0x0  }
0xcf: {  	[sflag:s11] =	ssyncadd.s32 $0xFFFFE000  }
0xd0: {  	_ =	swait.ge [sflag:s11], $0x2000  }
0xd1: {  	[sflag:s11] =	ssyncset.done $0x0  }
0xd2: {  	[sflag:s11] =	ssyncadd.s32 $0xFFFFE000  }
0xd3: {  	[spmem:s2] =	stream.indirect.scatter [tilespmem:s19], [sflag:$0x3], $0x1, s4, s19, $0xb8;
	[tilespmem:$0x1A000] =	vst v63  }
0xd4: {  	_ =	swait.ge [sflag:s1], $0x2000  }
0xd5: {  	[sflag:s1] =	ssyncset.done $0x0  }
0xd6: {  	[sflag:s1] =	ssyncadd.s32 $0xFFFFE000  }
0xd7: {  	[tilespmem:s4], [sflag:$0x1] =	stream.linear.gather [hbm4b:s25+s4], $0x2000, $0x38;
	[tilespmem:$0x1A000] =	vst v63  }
0xd8: {  	s15 =	rddreg [dreg:$0x17]  }
0xd9: {  	[tilespmem:s19], [sflag:$0x1] =	stream.linear.gather [hbm4b:s15+s4], $0x2000, $0x38;
	[tilespmem:$0x1A000] =	vst v63  }
0xda: {  	_ =	swait.ge [sflag:s12], $0x2000  }
0xdb: {  	[sflag:s12] =	ssyncset.done $0x0  }
0xdc: {  	[sflag:s12] =	ssyncadd.s32 $0xFFFFE000  }
0xdd: {  	_ =	swait.ge [sflag:s12], $0x2000  }
0xde: {  	[sflag:s12] =	ssyncset.done $0x0  }
0xdf: {  	[sflag:s12] =	ssyncadd.s32 $0xFFFFE000  }
0xe0: {  	[spmem:s2] =	stream.indirect.scatter [tilespmem:s10], [sflag:$0x3], $0x1, s8, s19, $0xb8;
	[tilespmem:$0x1A000] =	vst v63  }
0xe1: {  	_ =	swait.ge [sflag:s1], $0x2000  }
0xe2: {  	[sflag:s1] =	ssyncset.done $0x0  }
0xe3: {  	[sflag:s1] =	ssyncadd.s32 $0xFFFFE000  }
0xe4: {  	[tilespmem:s8], [sflag:$0x2] =	stream.linear.gather [hbm4b:s26+s4], $0x2000, $0x38;
	[tilespmem:$0x1A000] =	vst v63  }
0xe5: {  	s16 =	rddreg [dreg:$0x18]  }
0xe6: {  	[tilespmem:s10], [sflag:$0x2] =	stream.linear.gather [hbm4b:s16+s4], $0x2000, $0x38;
	[tilespmem:$0x1A000] =	vst v63  }
0xe7: {  	_ =	swait.ge [sflag:s11], $0x2000  }
0xe8: {  	[sflag:s11] =	ssyncset.done $0x0  }
0xe9: {  	[sflag:s11] =	ssyncadd.s32 $0xFFFFE000  }
0xea: {  	_ =	swait.ge [sflag:s11], $0x2000  }
0xeb: {  	[sflag:s11] =	ssyncset.done $0x0  }
0xec: {  	[sflag:s11] =	ssyncadd.s32 $0xFFFFE000  }
0xed: {  	[spmem:s2] =	stream.indirect.scatter [tilespmem:s19], [sflag:$0x3], $0x1, s4, s19, $0xb8;
	[tilespmem:$0x1A000] =	vst v63  }
0xee: {  	_ =	swait.ge [sflag:s1], $0x2000  }
0xef: {  	[sflag:s1] =	ssyncset.done $0x0  }
0xf0: {  	[sflag:s1] =	ssyncadd.s32 $0xFFFFE000  }
0xf1: {  	[tilespmem:s4], [sflag:$0x1] =	stream.linear.gather [hbm4b:s28+s4], $0x2000, $0x38;
	[tilespmem:$0x1A000] =	vst v63  }
0xf2: {  	s15 =	rddreg [dreg:$0x19]  }
0xf3: {  	[tilespmem:s19], [sflag:$0x1] =	stream.linear.gather [hbm4b:s15+s4], $0x2000, $0x38;
	[tilespmem:$0x1A000] =	vst v63  }
0xf4: {  	_ =	swait.ge [sflag:s12], $0x2000  }
0xf5: {  	[sflag:s12] =	ssyncset.done $0x0  }
0xf6: {  	[sflag:s12] =	ssyncadd.s32 $0xFFFFE000  }
0xf7: {  	_ =	swait.ge [sflag:s12], $0x2000  }
0xf8: {  	[sflag:s12] =	ssyncset.done $0x0  }
0xf9: {  	[sflag:s12] =	ssyncadd.s32 $0xFFFFE000  }
0xfa: {  	[spmem:s2] =	stream.indirect.scatter [tilespmem:s10], [sflag:$0x3], $0x1, s8, s19, $0xb8;
	[tilespmem:$0x1A000] =	vst v63  }
0xfb: {  	_ =	swait.ge [sflag:s1], $0x2000  }
0xfc: {  	[sflag:s1] =	ssyncset.done $0x0  }
0xfd: {  	[sflag:s1] =	ssyncadd.s32 $0xFFFFE000  }
0xfe: {  	[tilespmem:s8], [sflag:$0x2] =	stream.linear.gather [hbm4b:s29+s4], $0x2000, $0x38;
	[tilespmem:$0x1A000] =	vst v63  }
0xff: {  	s16 =	rddreg [dreg:$0x1a]  }
0x100: {  	[tilespmem:s10], [sflag:$0x2] =	stream.linear.gather [hbm4b:s16+s4], $0x2000, $0x38;
	[tilespmem:$0x1A000] =	vst v63  }
0x101: {  	_ =	swait.ge [sflag:s11], $0x2000  }
0x102: {  	[sflag:s11] =	ssyncset.done $0x0  }
0x103: {  	[sflag:s11] =	ssyncadd.s32 $0xFFFFE000  }
0x104: {  	_ =	swait.ge [sflag:s11], $0x2000  }
0x105: {  	[sflag:s11] =	ssyncset.done $0x0  }
0x106: {  	[sflag:s11] =	ssyncadd.s32 $0xFFFFE000  }
0x107: {  	[spmem:s2] =	stream.indirect.scatter [tilespmem:s19], [sflag:$0x3], $0x1, s4, s19, $0xb8;
	[tilespmem:$0x1A000] =	vst v63  }
0x108: {  	_ =	swait.ge [sflag:s1], $0x2000  }
0x109: {  	[sflag:s1] =	ssyncset.done $0x0  }
0x10a: {  	[sflag:s1] =	ssyncadd.s32 $0xFFFFE000  }
0x10b: {  	[tilespmem:s4], [sflag:$0x1] =	stream.linear.gather [hbm4b:s30+s4], $0x2000, $0x38;
	[tilespmem:$0x1A000] =	vst v63  }
0x10c: {  	s15 =	rddreg [dreg:$0x1b]  }
0x10d: {  	[tilespmem:s19], [sflag:$0x1] =	stream.linear.gather [hbm4b:s15+s4], $0x2000, $0x38;
	[tilespmem:$0x1A000] =	vst v63  }
0x10e: {  	_ =	swait.ge [sflag:s12], $0x2000  }
0x10f: {  	[sflag:s12] =	ssyncset.done $0x0  }
0x110: {  	[sflag:s12] =	ssyncadd.s32 $0xFFFFE000  }
0x111: {  	_ =	swait.ge [sflag:s12], $0x2000  }
0x112: {  	[sflag:s12] =	ssyncset.done $0x0  }
0x113: {  	[sflag:s12] =	ssyncadd.s32 $0xFFFFE000  }
0x114: {  	[spmem:s2] =	stream.indirect.scatter [tilespmem:s10], [sflag:$0x3], $0x1, s8, s19, $0xb8;
	[tilespmem:$0x1A000] =	vst v63  }
0x115: {  	_ =	swait.ge [sflag:s1], $0x2000  }
0x116: {  	[sflag:s1] =	ssyncset.done $0x0  }
0x117: {  	[sflag:s1] =	ssyncadd.s32 $0xFFFFE000  }
0x118: {  	[tilespmem:s8], [sflag:$0x2] =	stream.linear.gather [hbm4b:s31+s4], $0x2000, $0x38;
	[tilespmem:$0x1A000] =	vst v63  }
0x119: {  	s16 =	rddreg [dreg:$0x1c]  }
0x11a: {  	[tilespmem:s10], [sflag:$0x2] =	stream.linear.gather [hbm4b:s16+s4], $0x2000, $0x38;
	[tilespmem:$0x1A000] =	vst v63  }
0x11b: {  	_ =	swait.ge [sflag:s11], $0x2000  }
0x11c: {  	[sflag:s11] =	ssyncset.done $0x0  }
0x11d: {  	[sflag:s11] =	ssyncadd.s32 $0xFFFFE000  }
0x11e: {  	_ =	swait.ge [sflag:s11], $0x2000  }
0x11f: {  	[sflag:s11] =	ssyncset.done $0x0  }
0x120: {  	[sflag:s11] =	ssyncadd.s32 $0xFFFFE000  }
0x121: {  	[spmem:s2] =	stream.indirect.scatter [tilespmem:s19], [sflag:$0x3], $0x1, s4, s19, $0xb8;
	[tilespmem:$0x1A000] =	vst v63  }
0x122: {  	_ =	swait.ge [sflag:s1], $0x2000  }
0x123: {  	[sflag:s1] =	ssyncset.done $0x0  }
0x124: {  	[sflag:s1] =	ssyncadd.s32 $0xFFFFE000  }
0x125: {  	[tilespmem:s4], [sflag:$0x1] =	stream.linear.gather [hbm4b:s0+s4], $0x2000, $0x38;
	[tilespmem:$0x1A000] =	vst v63  }
0x126: {  	s15 =	rddreg [dreg:$0x1d]  }
0x127: {  	[tilespmem:s19], [sflag:$0x1] =	stream.linear.gather [hbm4b:s15+s4], $0x2000, $0x38;
	[tilespmem:$0x1A000] =	vst v63  }
0x128: {  	_ =	swait.ge [sflag:s12], $0x2000  }
0x129: {  	[sflag:s12] =	ssyncset.done $0x0  }
0x12a: {  	[sflag:s12] =	ssyncadd.s32 $0xFFFFE000  }
0x12b: {  	_ =	swait.ge [sflag:s12], $0x2000  }
0x12c: {  	[sflag:s12] =	ssyncset.done $0x0  }
0x12d: {  	[sflag:s12] =	ssyncadd.s32 $0xFFFFE000  }
0x12e: {  	[spmem:s2] =	stream.indirect.scatter [tilespmem:s10], [sflag:$0x3], $0x1, s8, s19, $0xb8;
	[tilespmem:$0x1A000] =	vst v63  }
0x12f: {  	_ =	swait.ge [sflag:s1], $0x2000  }
0x130: {  	[sflag:s1] =	ssyncset.done $0x0  }
0x131: {  	[sflag:s1] =	ssyncadd.s32 $0xFFFFE000  }
0x132: {  	[tilespmem:s8], [sflag:$0x2] =	stream.linear.gather [hbm4b:s7+s4], $0x2000, $0x38;
	[tilespmem:$0x1A000] =	vst v63  }
0x133: {  	s16 =	rddreg [dreg:$0x1e]  }
0x134: {  	[tilespmem:s10], [sflag:$0x2] =	stream.linear.gather [hbm4b:s16+s4], $0x2000, $0x38;
	[tilespmem:$0x1A000] =	vst v63  }
0x135: {  	_ =	swait.ge [sflag:s11], $0x2000  }
0x136: {  	[sflag:s11] =	ssyncset.done $0x0  }
0x137: {  	[sflag:s11] =	ssyncadd.s32 $0xFFFFE000  }
0x138: {  	_ =	swait.ge [sflag:s11], $0x2000  }
0x139: {  	[sflag:s11] =	ssyncset.done $0x0  }
0x13a: {  	[sflag:s11] =	ssyncadd.s32 $0xFFFFE000  }
0x13b: {  	[spmem:s2] =	stream.indirect.scatter [tilespmem:s19], [sflag:$0x3], $0x1, s4, s19, $0xb8;
	[tilespmem:$0x1A000] =	vst v63  }
0x13c: {  	_ =	swait.ge [sflag:s1], $0x2000  }
0x13d: {  	[sflag:s1] =	ssyncset.done $0x0  }
0x13e: {  	[sflag:s1] =	ssyncadd.s32 $0xFFFFE000  }
0x13f: {  	_ =	swait.ge [sflag:s12], $0x2000  }
0x140: {  	[sflag:s12] =	ssyncset.done $0x0  }
0x141: {  	[sflag:s12] =	ssyncadd.s32 $0xFFFFE000  }
0x142: {  	_ =	swait.ge [sflag:s12], $0x2000  }
0x143: {  	[sflag:s12] =	ssyncset.done $0x0  }
0x144: {  	[sflag:s12] =	ssyncadd.s32 $0xFFFFE000  }
0x145: {  	[spmem:s2] =	stream.indirect.scatter [tilespmem:s10], [sflag:$0x3], $0x1, s8, s19, $0xb8;
	[tilespmem:$0x1A000] =	vst v63  }
0x146: {  	_ =	swait.ge [sflag:s1], $0x2000  }
0x147: {  	[sflag:s1] =	ssyncset.done $0x0  }
0x148: {  	[sflag:s1] =	ssyncadd.s32 $0xFFFFE000  }
.LBB2_5:
.Ltmp4:
0x149: {  	(pc) =	sbr.rel @!p3 .LBB2_7-.Ltmp4, $1  }
0x14a: {  	_ =	sdelay $0x3  }
0x14b: {  	s15 =	rddreg [dreg:$0x1]  }
0x14c: {  	[tilespmem:s4], [sflag:$0x1] =	stream.linear.gather [hbm4b:s15+s4], $0x2000, $0x38;
	[tilespmem:$0x1A000] =	vst v63  }
0x14d: {  	s5 =	rddreg [dreg:$0x7]  }
0x14e: {  	[tilespmem:s19], [sflag:$0x1] =	stream.linear.gather [hbm4b:s5+s4], $0x2000, $0x38;
	[tilespmem:$0x1A000] =	vst v63  }
0x14f: {  	s5 =	sld [smem:$0x7EC]  }
0x150: {  	[tilespmem:s8], [sflag:$0x2] =	stream.linear.gather [hbm4b:s17+s4], $0x2000, $0x38;
	[tilespmem:$0x1A000] =	vst v63  }
0x151: {  	_ = 	snop  }
0x152: {  	[tilespmem:s10], [sflag:$0x2] =	stream.linear.gather [hbm4b:s5+s4], $0x2000, $0x38;
	[tilespmem:$0x1A000] =	vst v63  }
0x153: {  	_ =	swait.ge [sflag:s11], $0x2000  }
0x154: {  	[sflag:s11] =	ssyncset.done $0x0  }
0x155: {  	[sflag:s11] =	ssyncadd.s32 $0xFFFFE000  }
0x156: {  	_ =	swait.ge [sflag:s11], $0x2000  }
0x157: {  	[sflag:s11] =	ssyncset.done $0x0  }
0x158: {  	[sflag:s11] =	ssyncadd.s32 $0xFFFFE000  }
0x159: {  	[spmem:s3] =	stream.indirect.scatter [tilespmem:s19], [sflag:$0x3], $0x1, s4, s19, $0xb8;
	[tilespmem:$0x1A000] =	vst v63  }
0x15a: {  	_ =	swait.ge [sflag:s1], $0x2000  }
0x15b: {  	[sflag:s1] =	ssyncset.done $0x0  }
0x15c: {  	s15 =	sld [smem:$0x7ED];
	[sflag:s1] =	ssyncadd.s32 $0xFFFFE000  }
0x15d: {  	[tilespmem:s4], [sflag:$0x1] =	stream.linear.gather [hbm4b:s18+s4], $0x2000, $0x38;
	[tilespmem:$0x1A000] =	vst v63  }
0x15e: {  	_ = 	snop  }
0x15f: {  	[tilespmem:s19], [sflag:$0x1] =	stream.linear.gather [hbm4b:s15+s4], $0x2000, $0x38;
	[tilespmem:$0x1A000] =	vst v63  }
0x160: {  	_ =	swait.ge [sflag:s12], $0x2000  }
0x161: {  	[sflag:s12] =	ssyncset.done $0x0  }
0x162: {  	[sflag:s12] =	ssyncadd.s32 $0xFFFFE000  }
0x163: {  	_ =	swait.ge [sflag:s12], $0x2000  }
0x164: {  	[sflag:s12] =	ssyncset.done $0x0  }
0x165: {  	[sflag:s12] =	ssyncadd.s32 $0xFFFFE000  }
0x166: {  	[spmem:s3] =	stream.indirect.scatter [tilespmem:s10], [sflag:$0x3], $0x1, s8, s19, $0xb8;
	[tilespmem:$0x1A000] =	vst v63  }
0x167: {  	_ =	swait.ge [sflag:s1], $0x2000  }
0x168: {  	[sflag:s1] =	ssyncset.done $0x0  }
0x169: {  	s16 =	sld [smem:$0x7EE];
	[sflag:s1] =	ssyncadd.s32 $0xFFFFE000  }
0x16a: {  	[tilespmem:s8], [sflag:$0x2] =	stream.linear.gather [hbm4b:s20+s4], $0x2000, $0x38;
	[tilespmem:$0x1A000] =	vst v63  }
0x16b: {  	_ = 	snop  }
0x16c: {  	[tilespmem:s10], [sflag:$0x2] =	stream.linear.gather [hbm4b:s16+s4], $0x2000, $0x38;
	[tilespmem:$0x1A000] =	vst v63  }
0x16d: {  	_ =	swait.ge [sflag:s11], $0x2000  }
0x16e: {  	[sflag:s11] =	ssyncset.done $0x0  }
0x16f: {  	[sflag:s11] =	ssyncadd.s32 $0xFFFFE000  }
0x170: {  	_ =	swait.ge [sflag:s11], $0x2000  }
0x171: {  	[sflag:s11] =	ssyncset.done $0x0  }
0x172: {  	[sflag:s11] =	ssyncadd.s32 $0xFFFFE000  }
0x173: {  	[spmem:s3] =	stream.indirect.scatter [tilespmem:s19], [sflag:$0x3], $0x1, s4, s19, $0xb8;
	[tilespmem:$0x1A000] =	vst v63  }
0x174: {  	_ =	swait.ge [sflag:s1], $0x2000  }
0x175: {  	[sflag:s1] =	ssyncset.done $0x0  }
0x176: {  	s15 =	sld [smem:$0x7EF];
	[sflag:s1] =	ssyncadd.s32 $0xFFFFE000  }
0x177: {  	[tilespmem:s4], [sflag:$0x1] =	stream.linear.gather [hbm4b:s21+s4], $0x2000, $0x38;
	[tilespmem:$0x1A000] =	vst v63  }
0x178: {  	_ = 	snop  }
0x179: {  	[tilespmem:s19], [sflag:$0x1] =	stream.linear.gather [hbm4b:s15+s4], $0x2000, $0x38;
	[tilespmem:$0x1A000] =	vst v63  }
0x17a: {  	_ =	swait.ge [sflag:s12], $0x2000  }
0x17b: {  	[sflag:s12] =	ssyncset.done $0x0  }
0x17c: {  	[sflag:s12] =	ssyncadd.s32 $0xFFFFE000  }
0x17d: {  	_ =	swait.ge [sflag:s12], $0x2000  }
0x17e: {  	[sflag:s12] =	ssyncset.done $0x0  }
0x17f: {  	[sflag:s12] =	ssyncadd.s32 $0xFFFFE000  }
0x180: {  	[spmem:s3] =	stream.indirect.scatter [tilespmem:s10], [sflag:$0x3], $0x1, s8, s19, $0xb8;
	[tilespmem:$0x1A000] =	vst v63  }
0x181: {  	_ =	swait.ge [sflag:s1], $0x2000  }
0x182: {  	[sflag:s1] =	ssyncset.done $0x0  }
0x183: {  	s16 =	sld [smem:$0x7F0];
	[sflag:s1] =	ssyncadd.s32 $0xFFFFE000  }
0x184: {  	[tilespmem:s8], [sflag:$0x2] =	stream.linear.gather [hbm4b:s22+s4], $0x2000, $0x38;
	[tilespmem:$0x1A000] =	vst v63  }
0x185: {  	_ = 	snop  }
0x186: {  	[tilespmem:s10], [sflag:$0x2] =	stream.linear.gather [hbm4b:s16+s4], $0x2000, $0x38;
	[tilespmem:$0x1A000] =	vst v63  }
0x187: {  	_ =	swait.ge [sflag:s11], $0x2000  }
0x188: {  	[sflag:s11] =	ssyncset.done $0x0  }
0x189: {  	[sflag:s11] =	ssyncadd.s32 $0xFFFFE000  }
0x18a: {  	_ =	swait.ge [sflag:s11], $0x2000  }
0x18b: {  	[sflag:s11] =	ssyncset.done $0x0  }
0x18c: {  	[sflag:s11] =	ssyncadd.s32 $0xFFFFE000  }
0x18d: {  	[spmem:s3] =	stream.indirect.scatter [tilespmem:s19], [sflag:$0x3], $0x1, s4, s19, $0xb8;
	[tilespmem:$0x1A000] =	vst v63  }
0x18e: {  	_ =	swait.ge [sflag:s1], $0x2000  }
0x18f: {  	[sflag:s1] =	ssyncset.done $0x0  }
0x190: {  	s15 =	sld [smem:$0x7F1];
	[sflag:s1] =	ssyncadd.s32 $0xFFFFE000  }
0x191: {  	[tilespmem:s4], [sflag:$0x1] =	stream.linear.gather [hbm4b:s23+s4], $0x2000, $0x38;
	[tilespmem:$0x1A000] =	vst v63  }
0x192: {  	_ = 	snop  }
0x193: {  	[tilespmem:s19], [sflag:$0x1] =	stream.linear.gather [hbm4b:s15+s4], $0x2000, $0x38;
	[tilespmem:$0x1A000] =	vst v63  }
0x194: {  	_ =	swait.ge [sflag:s12], $0x2000  }
0x195: {  	[sflag:s12] =	ssyncset.done $0x0  }
0x196: {  	[sflag:s12] =	ssyncadd.s32 $0xFFFFE000  }
0x197: {  	_ =	swait.ge [sflag:s12], $0x2000  }
0x198: {  	[sflag:s12] =	ssyncset.done $0x0  }
0x199: {  	[sflag:s12] =	ssyncadd.s32 $0xFFFFE000  }
0x19a: {  	[spmem:s3] =	stream.indirect.scatter [tilespmem:s10], [sflag:$0x3], $0x1, s8, s19, $0xb8;
	[tilespmem:$0x1A000] =	vst v63  }
0x19b: {  	_ =	swait.ge [sflag:s1], $0x2000  }
0x19c: {  	[sflag:s1] =	ssyncset.done $0x0  }
0x19d: {  	s16 =	sld [smem:$0x7F2];
	[sflag:s1] =	ssyncadd.s32 $0xFFFFE000  }
0x19e: {  	[tilespmem:s8], [sflag:$0x2] =	stream.linear.gather [hbm4b:s24+s4], $0x2000, $0x38;
	[tilespmem:$0x1A000] =	vst v63  }
0x19f: {  	_ = 	snop  }
0x1a0: {  	[tilespmem:s10], [sflag:$0x2] =	stream.linear.gather [hbm4b:s16+s4], $0x2000, $0x38;
	[tilespmem:$0x1A000] =	vst v63  }
0x1a1: {  	_ =	swait.ge [sflag:s11], $0x2000  }
0x1a2: {  	[sflag:s11] =	ssyncset.done $0x0  }
0x1a3: {  	[sflag:s11] =	ssyncadd.s32 $0xFFFFE000  }
0x1a4: {  	_ =	swait.ge [sflag:s11], $0x2000  }
0x1a5: {  	[sflag:s11] =	ssyncset.done $0x0  }
0x1a6: {  	[sflag:s11] =	ssyncadd.s32 $0xFFFFE000  }
0x1a7: {  	[spmem:s3] =	stream.indirect.scatter [tilespmem:s19], [sflag:$0x3], $0x1, s4, s19, $0xb8;
	[tilespmem:$0x1A000] =	vst v63  }
0x1a8: {  	_ =	swait.ge [sflag:s1], $0x2000  }
0x1a9: {  	[sflag:s1] =	ssyncset.done $0x0  }
0x1aa: {  	s15 =	sld [smem:$0x7F3];
	[sflag:s1] =	ssyncadd.s32 $0xFFFFE000  }
0x1ab: {  	[tilespmem:s4], [sflag:$0x1] =	stream.linear.gather [hbm4b:s25+s4], $0x2000, $0x38;
	[tilespmem:$0x1A000] =	vst v63  }
0x1ac: {  	_ = 	snop  }
0x1ad: {  	[tilespmem:s19], [sflag:$0x1] =	stream.linear.gather [hbm4b:s15+s4], $0x2000, $0x38;
	[tilespmem:$0x1A000] =	vst v63  }
0x1ae: {  	_ =	swait.ge [sflag:s12], $0x2000  }
0x1af: {  	[sflag:s12] =	ssyncset.done $0x0  }
0x1b0: {  	[sflag:s12] =	ssyncadd.s32 $0xFFFFE000  }
0x1b1: {  	_ =	swait.ge [sflag:s12], $0x2000  }
0x1b2: {  	[sflag:s12] =	ssyncset.done $0x0  }
0x1b3: {  	[sflag:s12] =	ssyncadd.s32 $0xFFFFE000  }
0x1b4: {  	[spmem:s3] =	stream.indirect.scatter [tilespmem:s10], [sflag:$0x3], $0x1, s8, s19, $0xb8;
	[tilespmem:$0x1A000] =	vst v63  }
0x1b5: {  	_ =	swait.ge [sflag:s1], $0x2000  }
0x1b6: {  	[sflag:s1] =	ssyncset.done $0x0  }
0x1b7: {  	s16 =	sld [smem:$0x7F4];
	[sflag:s1] =	ssyncadd.s32 $0xFFFFE000  }
0x1b8: {  	[tilespmem:s8], [sflag:$0x2] =	stream.linear.gather [hbm4b:s26+s4], $0x2000, $0x38;
	[tilespmem:$0x1A000] =	vst v63  }
0x1b9: {  	_ = 	snop  }
0x1ba: {  	[tilespmem:s10], [sflag:$0x2] =	stream.linear.gather [hbm4b:s16+s4], $0x2000, $0x38;
	[tilespmem:$0x1A000] =	vst v63  }
0x1bb: {  	_ =	swait.ge [sflag:s11], $0x2000  }
0x1bc: {  	[sflag:s11] =	ssyncset.done $0x0  }
0x1bd: {  	[sflag:s11] =	ssyncadd.s32 $0xFFFFE000  }
0x1be: {  	_ =	swait.ge [sflag:s11], $0x2000  }
0x1bf: {  	[sflag:s11] =	ssyncset.done $0x0  }
0x1c0: {  	[sflag:s11] =	ssyncadd.s32 $0xFFFFE000  }
0x1c1: {  	[spmem:s3] =	stream.indirect.scatter [tilespmem:s19], [sflag:$0x3], $0x1, s4, s19, $0xb8;
	[tilespmem:$0x1A000] =	vst v63  }
0x1c2: {  	_ =	swait.ge [sflag:s1], $0x2000  }
0x1c3: {  	[sflag:s1] =	ssyncset.done $0x0  }
0x1c4: {  	s15 =	sld [smem:$0x7F5];
	[sflag:s1] =	ssyncadd.s32 $0xFFFFE000  }
0x1c5: {  	[tilespmem:s4], [sflag:$0x1] =	stream.linear.gather [hbm4b:s28+s4], $0x2000, $0x38;
	[tilespmem:$0x1A000] =	vst v63  }
0x1c6: {  	_ = 	snop  }
0x1c7: {  	[tilespmem:s19], [sflag:$0x1] =	stream.linear.gather [hbm4b:s15+s4], $0x2000, $0x38;
	[tilespmem:$0x1A000] =	vst v63  }
0x1c8: {  	_ =	swait.ge [sflag:s12], $0x2000  }
0x1c9: {  	[sflag:s12] =	ssyncset.done $0x0  }
0x1ca: {  	[sflag:s12] =	ssyncadd.s32 $0xFFFFE000  }
0x1cb: {  	_ =	swait.ge [sflag:s12], $0x2000  }
0x1cc: {  	[sflag:s12] =	ssyncset.done $0x0  }
0x1cd: {  	[sflag:s12] =	ssyncadd.s32 $0xFFFFE000  }
0x1ce: {  	[spmem:s3] =	stream.indirect.scatter [tilespmem:s10], [sflag:$0x3], $0x1, s8, s19, $0xb8;
	[tilespmem:$0x1A000] =	vst v63  }
0x1cf: {  	_ =	swait.ge [sflag:s1], $0x2000  }
0x1d0: {  	[sflag:s1] =	ssyncset.done $0x0  }
0x1d1: {  	s16 =	sld [smem:$0x7F6];
	[sflag:s1] =	ssyncadd.s32 $0xFFFFE000  }
0x1d2: {  	[tilespmem:s8], [sflag:$0x2] =	stream.linear.gather [hbm4b:s29+s4], $0x2000, $0x38;
	[tilespmem:$0x1A000] =	vst v63  }
0x1d3: {  	_ = 	snop  }
0x1d4: {  	[tilespmem:s10], [sflag:$0x2] =	stream.linear.gather [hbm4b:s16+s4], $0x2000, $0x38;
	[tilespmem:$0x1A000] =	vst v63  }
0x1d5: {  	_ =	swait.ge [sflag:s11], $0x2000  }
0x1d6: {  	[sflag:s11] =	ssyncset.done $0x0  }
0x1d7: {  	[sflag:s11] =	ssyncadd.s32 $0xFFFFE000  }
0x1d8: {  	_ =	swait.ge [sflag:s11], $0x2000  }
0x1d9: {  	[sflag:s11] =	ssyncset.done $0x0  }
0x1da: {  	[sflag:s11] =	ssyncadd.s32 $0xFFFFE000  }
0x1db: {  	[spmem:s3] =	stream.indirect.scatter [tilespmem:s19], [sflag:$0x3], $0x1, s4, s19, $0xb8;
	[tilespmem:$0x1A000] =	vst v63  }
0x1dc: {  	_ =	swait.ge [sflag:s1], $0x2000  }
0x1dd: {  	[sflag:s1] =	ssyncset.done $0x0  }
0x1de: {  	s15 =	sld [smem:$0x7F7];
	[sflag:s1] =	ssyncadd.s32 $0xFFFFE000  }
0x1df: {  	[tilespmem:s4], [sflag:$0x1] =	stream.linear.gather [hbm4b:s30+s4], $0x2000, $0x38;
	[tilespmem:$0x1A000] =	vst v63  }
0x1e0: {  	_ = 	snop  }
0x1e1: {  	[tilespmem:s19], [sflag:$0x1] =	stream.linear.gather [hbm4b:s15+s4], $0x2000, $0x38;
	[tilespmem:$0x1A000] =	vst v63  }
0x1e2: {  	_ =	swait.ge [sflag:s12], $0x2000  }
0x1e3: {  	[sflag:s12] =	ssyncset.done $0x0  }
0x1e4: {  	[sflag:s12] =	ssyncadd.s32 $0xFFFFE000  }
0x1e5: {  	_ =	swait.ge [sflag:s12], $0x2000  }
0x1e6: {  	[sflag:s12] =	ssyncset.done $0x0  }
0x1e7: {  	[sflag:s12] =	ssyncadd.s32 $0xFFFFE000  }
0x1e8: {  	[spmem:s3] =	stream.indirect.scatter [tilespmem:s10], [sflag:$0x3], $0x1, s8, s19, $0xb8;
	[tilespmem:$0x1A000] =	vst v63  }
0x1e9: {  	_ =	swait.ge [sflag:s1], $0x2000  }
0x1ea: {  	[sflag:s1] =	ssyncset.done $0x0  }
0x1eb: {  	s16 =	sld [smem:$0x7F8];
	[sflag:s1] =	ssyncadd.s32 $0xFFFFE000  }
0x1ec: {  	[tilespmem:s8], [sflag:$0x2] =	stream.linear.gather [hbm4b:s31+s4], $0x2000, $0x38;
	[tilespmem:$0x1A000] =	vst v63  }
0x1ed: {  	_ = 	snop  }
0x1ee: {  	[tilespmem:s10], [sflag:$0x2] =	stream.linear.gather [hbm4b:s16+s4], $0x2000, $0x38;
	[tilespmem:$0x1A000] =	vst v63  }
0x1ef: {  	_ =	swait.ge [sflag:s11], $0x2000  }
0x1f0: {  	[sflag:s11] =	ssyncset.done $0x0  }
0x1f1: {  	[sflag:s11] =	ssyncadd.s32 $0xFFFFE000  }
0x1f2: {  	_ =	swait.ge [sflag:s11], $0x2000  }
0x1f3: {  	[sflag:s11] =	ssyncset.done $0x0  }
0x1f4: {  	[sflag:s11] =	ssyncadd.s32 $0xFFFFE000  }
0x1f5: {  	[spmem:s3] =	stream.indirect.scatter [tilespmem:s19], [sflag:$0x3], $0x1, s4, s19, $0xb8;
	[tilespmem:$0x1A000] =	vst v63  }
0x1f6: {  	_ =	swait.ge [sflag:s1], $0x2000  }
0x1f7: {  	[sflag:s1] =	ssyncset.done $0x0  }
0x1f8: {  	s15 =	sld [smem:$0x7F9];
	[sflag:s1] =	ssyncadd.s32 $0xFFFFE000  }
0x1f9: {  	[tilespmem:s4], [sflag:$0x1] =	stream.linear.gather [hbm4b:s0+s4], $0x2000, $0x38;
	[tilespmem:$0x1A000] =	vst v63  }
0x1fa: {  	_ = 	snop  }
0x1fb: {  	[tilespmem:s19], [sflag:$0x1] =	stream.linear.gather [hbm4b:s15+s4], $0x2000, $0x38;
	[tilespmem:$0x1A000] =	vst v63  }
0x1fc: {  	_ =	swait.ge [sflag:s12], $0x2000  }
0x1fd: {  	[sflag:s12] =	ssyncset.done $0x0  }
0x1fe: {  	[sflag:s12] =	ssyncadd.s32 $0xFFFFE000  }
0x1ff: {  	_ =	swait.ge [sflag:s12], $0x2000  }
0x200: {  	[sflag:s12] =	ssyncset.done $0x0  }
0x201: {  	[sflag:s12] =	ssyncadd.s32 $0xFFFFE000  }
0x202: {  	[spmem:s3] =	stream.indirect.scatter [tilespmem:s10], [sflag:$0x3], $0x1, s8, s19, $0xb8;
	[tilespmem:$0x1A000] =	vst v63  }
0x203: {  	_ =	swait.ge [sflag:s1], $0x2000  }
0x204: {  	[sflag:s1] =	ssyncset.done $0x0  }
0x205: {  	s16 =	sld [smem:$0x7FA];
	[sflag:s1] =	ssyncadd.s32 $0xFFFFE000  }
0x206: {  	[tilespmem:s8], [sflag:$0x2] =	stream.linear.gather [hbm4b:s7+s4], $0x2000, $0x38;
	[tilespmem:$0x1A000] =	vst v63  }
0x207: {  	_ = 	snop  }
0x208: {  	[tilespmem:s10], [sflag:$0x2] =	stream.linear.gather [hbm4b:s16+s4], $0x2000, $0x38;
	[tilespmem:$0x1A000] =	vst v63  }
0x209: {  	_ =	swait.ge [sflag:s11], $0x2000  }
0x20a: {  	[sflag:s11] =	ssyncset.done $0x0  }
0x20b: {  	[sflag:s11] =	ssyncadd.s32 $0xFFFFE000  }
0x20c: {  	_ =	swait.ge [sflag:s11], $0x2000  }
0x20d: {  	[sflag:s11] =	ssyncset.done $0x0  }
0x20e: {  	[sflag:s11] =	ssyncadd.s32 $0xFFFFE000  }
0x20f: {  	[spmem:s3] =	stream.indirect.scatter [tilespmem:s19], [sflag:$0x3], $0x1, s4, s19, $0xb8;
	[tilespmem:$0x1A000] =	vst v63  }
0x210: {  	_ =	swait.ge [sflag:s1], $0x2000  }
0x211: {  	[sflag:s1] =	ssyncset.done $0x0  }
0x212: {  	[sflag:s1] =	ssyncadd.s32 $0xFFFFE000  }
0x213: {  	_ =	swait.ge [sflag:s12], $0x2000  }
0x214: {  	[sflag:s12] =	ssyncset.done $0x0  }
0x215: {  	[sflag:s12] =	ssyncadd.s32 $0xFFFFE000  }
0x216: {  	_ =	swait.ge [sflag:s12], $0x2000  }
0x217: {  	[sflag:s12] =	ssyncset.done $0x0  }
0x218: {  	[sflag:s12] =	ssyncadd.s32 $0xFFFFE000  }
0x219: {  	[spmem:s3] =	stream.indirect.scatter [tilespmem:s10], [sflag:$0x3], $0x1, s8, s19, $0xb8;
	[tilespmem:$0x1A000] =	vst v63  }
.Ltmp5:
0x21a: {  	_ =	swait.ge [sflag:s1], $0x2000;
	(pc) =	sbr.rel .LBB2_10-.Ltmp5, $4  }
0x21b: {  	[sflag:s1] =	ssyncset.done $0x0  }
0x21c: {  	[sflag:s1] =	ssyncadd.s32 $0xFFFFE000  }
0x21d: {  	[bflag:$0x0] =	sbarrier.arrive $0xFFFF  }
0x21e: {  	p5 =	por $0x0, $0x0  }
.LBB2_7:
.Ltmp6:
0x21f: {  	(pc) =	sbr.rel @!p4 .LBB2_9-.Ltmp6, $1  }
0x220: {  	_ =	sdelay $0x3  }
0x221: {  	s15 =	rddreg [dreg:$0x1]  }
0x222: {  	[tilespmem:s4], [sflag:$0x1] =	stream.linear.gather [hbm4b:s15+s4], $0x2000, $0x38;
	[tilespmem:$0x1A000] =	vst v63  }
0x223: {  	s5 =	rddreg [dreg:$0x8]  }
0x224: {  	[tilespmem:s19], [sflag:$0x1] =	stream.linear.gather [hbm4b:s5+s4], $0x2000, $0x38;
	[tilespmem:$0x1A000] =	vst v63  }
0x225: {  	_ = 	snop  }
0x226: {  	[tilespmem:s8], [sflag:$0x2] =	stream.linear.gather [hbm4b:s17+s4], $0x2000, $0x38;
	[tilespmem:$0x1A000] =	vst v63  }
0x227: {  	s5 =	rddreg [dreg:$0x1f]  }
0x228: {  	[tilespmem:s10], [sflag:$0x2] =	stream.linear.gather [hbm4b:s5+s4], $0x2000, $0x38;
	[tilespmem:$0x1A000] =	vst v63  }
0x229: {  	_ =	swait.ge [sflag:s11], $0x2000  }
0x22a: {  	[sflag:s11] =	ssyncset.done $0x0  }
0x22b: {  	[sflag:s11] =	ssyncadd.s32 $0xFFFFE000  }
0x22c: {  	_ =	swait.ge [sflag:s11], $0x2000  }
0x22d: {  	[sflag:s11] =	ssyncset.done $0x0  }
0x22e: {  	[sflag:s11] =	ssyncadd.s32 $0xFFFFE000  }
0x22f: {  	[spmem:s2] =	stream.indirect.scatter [tilespmem:s19], [sflag:$0x3], $0x1, s4, s19, $0xb8;
	[tilespmem:$0x1A000] =	vst v63  }
0x230: {  	_ =	swait.ge [sflag:s1], $0x2000  }
0x231: {  	[sflag:s1] =	ssyncset.done $0x0  }
0x232: {  	s15 =	sld [smem:$0x7DE];
	[sflag:s1] =	ssyncadd.s32 $0xFFFFE000  }
0x233: {  	[tilespmem:s4], [sflag:$0x1] =	stream.linear.gather [hbm4b:s18+s4], $0x2000, $0x38;
	[tilespmem:$0x1A000] =	vst v63  }
0x234: {  	_ = 	snop  }
0x235: {  	[tilespmem:s19], [sflag:$0x1] =	stream.linear.gather [hbm4b:s15+s4], $0x2000, $0x38;
	[tilespmem:$0x1A000] =	vst v63  }
0x236: {  	_ =	swait.ge [sflag:s12], $0x2000  }
0x237: {  	[sflag:s12] =	ssyncset.done $0x0  }
0x238: {  	[sflag:s12] =	ssyncadd.s32 $0xFFFFE000  }
0x239: {  	_ =	swait.ge [sflag:s12], $0x2000  }
0x23a: {  	[sflag:s12] =	ssyncset.done $0x0  }
0x23b: {  	[sflag:s12] =	ssyncadd.s32 $0xFFFFE000  }
0x23c: {  	[spmem:s2] =	stream.indirect.scatter [tilespmem:s10], [sflag:$0x3], $0x1, s8, s19, $0xb8;
	[tilespmem:$0x1A000] =	vst v63  }
0x23d: {  	_ =	swait.ge [sflag:s1], $0x2000  }
0x23e: {  	[sflag:s1] =	ssyncset.done $0x0  }
0x23f: {  	s16 =	sld [smem:$0x7DF];
	[sflag:s1] =	ssyncadd.s32 $0xFFFFE000  }
0x240: {  	[tilespmem:s8], [sflag:$0x2] =	stream.linear.gather [hbm4b:s20+s4], $0x2000, $0x38;
	[tilespmem:$0x1A000] =	vst v63  }
0x241: {  	_ = 	snop  }
0x242: {  	[tilespmem:s10], [sflag:$0x2] =	stream.linear.gather [hbm4b:s16+s4], $0x2000, $0x38;
	[tilespmem:$0x1A000] =	vst v63  }
0x243: {  	_ =	swait.ge [sflag:s11], $0x2000  }
0x244: {  	[sflag:s11] =	ssyncset.done $0x0  }
0x245: {  	[sflag:s11] =	ssyncadd.s32 $0xFFFFE000  }
0x246: {  	_ =	swait.ge [sflag:s11], $0x2000  }
0x247: {  	[sflag:s11] =	ssyncset.done $0x0  }
0x248: {  	[sflag:s11] =	ssyncadd.s32 $0xFFFFE000  }
0x249: {  	[spmem:s2] =	stream.indirect.scatter [tilespmem:s19], [sflag:$0x3], $0x1, s4, s19, $0xb8;
	[tilespmem:$0x1A000] =	vst v63  }
0x24a: {  	_ =	swait.ge [sflag:s1], $0x2000  }
0x24b: {  	[sflag:s1] =	ssyncset.done $0x0  }
0x24c: {  	s15 =	sld [smem:$0x7E0];
	[sflag:s1] =	ssyncadd.s32 $0xFFFFE000  }
0x24d: {  	[tilespmem:s4], [sflag:$0x1] =	stream.linear.gather [hbm4b:s21+s4], $0x2000, $0x38;
	[tilespmem:$0x1A000] =	vst v63  }
0x24e: {  	_ = 	snop  }
0x24f: {  	[tilespmem:s19], [sflag:$0x1] =	stream.linear.gather [hbm4b:s15+s4], $0x2000, $0x38;
	[tilespmem:$0x1A000] =	vst v63  }
0x250: {  	_ =	swait.ge [sflag:s12], $0x2000  }
0x251: {  	[sflag:s12] =	ssyncset.done $0x0  }
0x252: {  	[sflag:s12] =	ssyncadd.s32 $0xFFFFE000  }
0x253: {  	_ =	swait.ge [sflag:s12], $0x2000  }
0x254: {  	[sflag:s12] =	ssyncset.done $0x0  }
0x255: {  	[sflag:s12] =	ssyncadd.s32 $0xFFFFE000  }
0x256: {  	[spmem:s2] =	stream.indirect.scatter [tilespmem:s10], [sflag:$0x3], $0x1, s8, s19, $0xb8;
	[tilespmem:$0x1A000] =	vst v63  }
0x257: {  	_ =	swait.ge [sflag:s1], $0x2000  }
0x258: {  	[sflag:s1] =	ssyncset.done $0x0  }
0x259: {  	s16 =	sld [smem:$0x7E1];
	[sflag:s1] =	ssyncadd.s32 $0xFFFFE000  }
0x25a: {  	[tilespmem:s8], [sflag:$0x2] =	stream.linear.gather [hbm4b:s22+s4], $0x2000, $0x38;
	[tilespmem:$0x1A000] =	vst v63  }
0x25b: {  	_ = 	snop  }
0x25c: {  	[tilespmem:s10], [sflag:$0x2] =	stream.linear.gather [hbm4b:s16+s4], $0x2000, $0x38;
	[tilespmem:$0x1A000] =	vst v63  }
0x25d: {  	_ =	swait.ge [sflag:s11], $0x2000  }
0x25e: {  	[sflag:s11] =	ssyncset.done $0x0  }
0x25f: {  	[sflag:s11] =	ssyncadd.s32 $0xFFFFE000  }
0x260: {  	_ =	swait.ge [sflag:s11], $0x2000  }
0x261: {  	[sflag:s11] =	ssyncset.done $0x0  }
0x262: {  	[sflag:s11] =	ssyncadd.s32 $0xFFFFE000  }
0x263: {  	[spmem:s2] =	stream.indirect.scatter [tilespmem:s19], [sflag:$0x3], $0x1, s4, s19, $0xb8;
	[tilespmem:$0x1A000] =	vst v63  }
0x264: {  	_ =	swait.ge [sflag:s1], $0x2000  }
0x265: {  	[sflag:s1] =	ssyncset.done $0x0  }
0x266: {  	s15 =	sld [smem:$0x7E2];
	[sflag:s1] =	ssyncadd.s32 $0xFFFFE000  }
0x267: {  	[tilespmem:s4], [sflag:$0x1] =	stream.linear.gather [hbm4b:s23+s4], $0x2000, $0x38;
	[tilespmem:$0x1A000] =	vst v63  }
0x268: {  	_ = 	snop  }
0x269: {  	[tilespmem:s19], [sflag:$0x1] =	stream.linear.gather [hbm4b:s15+s4], $0x2000, $0x38;
	[tilespmem:$0x1A000] =	vst v63  }
0x26a: {  	_ =	swait.ge [sflag:s12], $0x2000  }
0x26b: {  	[sflag:s12] =	ssyncset.done $0x0  }
0x26c: {  	[sflag:s12] =	ssyncadd.s32 $0xFFFFE000  }
0x26d: {  	_ =	swait.ge [sflag:s12], $0x2000  }
0x26e: {  	[sflag:s12] =	ssyncset.done $0x0  }
0x26f: {  	[sflag:s12] =	ssyncadd.s32 $0xFFFFE000  }
0x270: {  	[spmem:s2] =	stream.indirect.scatter [tilespmem:s10], [sflag:$0x3], $0x1, s8, s19, $0xb8;
	[tilespmem:$0x1A000] =	vst v63  }
0x271: {  	_ =	swait.ge [sflag:s1], $0x2000  }
0x272: {  	[sflag:s1] =	ssyncset.done $0x0  }
0x273: {  	s16 =	sld [smem:$0x7E3];
	[sflag:s1] =	ssyncadd.s32 $0xFFFFE000  }
0x274: {  	[tilespmem:s8], [sflag:$0x2] =	stream.linear.gather [hbm4b:s24+s4], $0x2000, $0x38;
	[tilespmem:$0x1A000] =	vst v63  }
0x275: {  	_ = 	snop  }
0x276: {  	[tilespmem:s10], [sflag:$0x2] =	stream.linear.gather [hbm4b:s16+s4], $0x2000, $0x38;
	[tilespmem:$0x1A000] =	vst v63  }
0x277: {  	_ =	swait.ge [sflag:s11], $0x2000  }
0x278: {  	[sflag:s11] =	ssyncset.done $0x0  }
0x279: {  	[sflag:s11] =	ssyncadd.s32 $0xFFFFE000  }
0x27a: {  	_ =	swait.ge [sflag:s11], $0x2000  }
0x27b: {  	[sflag:s11] =	ssyncset.done $0x0  }
0x27c: {  	[sflag:s11] =	ssyncadd.s32 $0xFFFFE000  }
0x27d: {  	[spmem:s2] =	stream.indirect.scatter [tilespmem:s19], [sflag:$0x3], $0x1, s4, s19, $0xb8;
	[tilespmem:$0x1A000] =	vst v63  }
0x27e: {  	_ =	swait.ge [sflag:s1], $0x2000  }
0x27f: {  	[sflag:s1] =	ssyncset.done $0x0  }
0x280: {  	s15 =	sld [smem:$0x7E4];
	[sflag:s1] =	ssyncadd.s32 $0xFFFFE000  }
0x281: {  	[tilespmem:s4], [sflag:$0x1] =	stream.linear.gather [hbm4b:s25+s4], $0x2000, $0x38;
	[tilespmem:$0x1A000] =	vst v63  }
0x282: {  	_ = 	snop  }
0x283: {  	[tilespmem:s19], [sflag:$0x1] =	stream.linear.gather [hbm4b:s15+s4], $0x2000, $0x38;
	[tilespmem:$0x1A000] =	vst v63  }
0x284: {  	_ =	swait.ge [sflag:s12], $0x2000  }
0x285: {  	[sflag:s12] =	ssyncset.done $0x0  }
0x286: {  	[sflag:s12] =	ssyncadd.s32 $0xFFFFE000  }
0x287: {  	_ =	swait.ge [sflag:s12], $0x2000  }
0x288: {  	[sflag:s12] =	ssyncset.done $0x0  }
0x289: {  	[sflag:s12] =	ssyncadd.s32 $0xFFFFE000  }
0x28a: {  	[spmem:s2] =	stream.indirect.scatter [tilespmem:s10], [sflag:$0x3], $0x1, s8, s19, $0xb8;
	[tilespmem:$0x1A000] =	vst v63  }
0x28b: {  	_ =	swait.ge [sflag:s1], $0x2000  }
0x28c: {  	[sflag:s1] =	ssyncset.done $0x0  }
0x28d: {  	s16 =	sld [smem:$0x7E5];
	[sflag:s1] =	ssyncadd.s32 $0xFFFFE000  }
0x28e: {  	[tilespmem:s8], [sflag:$0x2] =	stream.linear.gather [hbm4b:s26+s4], $0x2000, $0x38;
	[tilespmem:$0x1A000] =	vst v63  }
0x28f: {  	_ = 	snop  }
0x290: {  	[tilespmem:s10], [sflag:$0x2] =	stream.linear.gather [hbm4b:s16+s4], $0x2000, $0x38;
	[tilespmem:$0x1A000] =	vst v63  }
0x291: {  	_ =	swait.ge [sflag:s11], $0x2000  }
0x292: {  	[sflag:s11] =	ssyncset.done $0x0  }
0x293: {  	[sflag:s11] =	ssyncadd.s32 $0xFFFFE000  }
0x294: {  	_ =	swait.ge [sflag:s11], $0x2000  }
0x295: {  	[sflag:s11] =	ssyncset.done $0x0  }
0x296: {  	[sflag:s11] =	ssyncadd.s32 $0xFFFFE000  }
0x297: {  	[spmem:s2] =	stream.indirect.scatter [tilespmem:s19], [sflag:$0x3], $0x1, s4, s19, $0xb8;
	[tilespmem:$0x1A000] =	vst v63  }
0x298: {  	_ =	swait.ge [sflag:s1], $0x2000  }
0x299: {  	[sflag:s1] =	ssyncset.done $0x0  }
0x29a: {  	s15 =	sld [smem:$0x7E6];
	[sflag:s1] =	ssyncadd.s32 $0xFFFFE000  }
0x29b: {  	[tilespmem:s4], [sflag:$0x1] =	stream.linear.gather [hbm4b:s28+s4], $0x2000, $0x38;
	[tilespmem:$0x1A000] =	vst v63  }
0x29c: {  	_ = 	snop  }
0x29d: {  	[tilespmem:s19], [sflag:$0x1] =	stream.linear.gather [hbm4b:s15+s4], $0x2000, $0x38;
	[tilespmem:$0x1A000] =	vst v63  }
0x29e: {  	_ =	swait.ge [sflag:s12], $0x2000  }
0x29f: {  	[sflag:s12] =	ssyncset.done $0x0  }
0x2a0: {  	[sflag:s12] =	ssyncadd.s32 $0xFFFFE000  }
0x2a1: {  	_ =	swait.ge [sflag:s12], $0x2000  }
0x2a2: {  	[sflag:s12] =	ssyncset.done $0x0  }
0x2a3: {  	[sflag:s12] =	ssyncadd.s32 $0xFFFFE000  }
0x2a4: {  	[spmem:s2] =	stream.indirect.scatter [tilespmem:s10], [sflag:$0x3], $0x1, s8, s19, $0xb8;
	[tilespmem:$0x1A000] =	vst v63  }
0x2a5: {  	_ =	swait.ge [sflag:s1], $0x2000  }
0x2a6: {  	[sflag:s1] =	ssyncset.done $0x0  }
0x2a7: {  	s16 =	sld [smem:$0x7E7];
	[sflag:s1] =	ssyncadd.s32 $0xFFFFE000  }
0x2a8: {  	[tilespmem:s8], [sflag:$0x2] =	stream.linear.gather [hbm4b:s29+s4], $0x2000, $0x38;
	[tilespmem:$0x1A000] =	vst v63  }
0x2a9: {  	_ = 	snop  }
0x2aa: {  	[tilespmem:s10], [sflag:$0x2] =	stream.linear.gather [hbm4b:s16+s4], $0x2000, $0x38;
	[tilespmem:$0x1A000] =	vst v63  }
0x2ab: {  	_ =	swait.ge [sflag:s11], $0x2000  }
0x2ac: {  	[sflag:s11] =	ssyncset.done $0x0  }
0x2ad: {  	[sflag:s11] =	ssyncadd.s32 $0xFFFFE000  }
0x2ae: {  	_ =	swait.ge [sflag:s11], $0x2000  }
0x2af: {  	[sflag:s11] =	ssyncset.done $0x0  }
0x2b0: {  	[sflag:s11] =	ssyncadd.s32 $0xFFFFE000  }
0x2b1: {  	[spmem:s2] =	stream.indirect.scatter [tilespmem:s19], [sflag:$0x3], $0x1, s4, s19, $0xb8;
	[tilespmem:$0x1A000] =	vst v63  }
0x2b2: {  	_ =	swait.ge [sflag:s1], $0x2000  }
0x2b3: {  	[sflag:s1] =	ssyncset.done $0x0  }
0x2b4: {  	s15 =	sld [smem:$0x7E8];
	[sflag:s1] =	ssyncadd.s32 $0xFFFFE000  }
0x2b5: {  	[tilespmem:s4], [sflag:$0x1] =	stream.linear.gather [hbm4b:s30+s4], $0x2000, $0x38;
	[tilespmem:$0x1A000] =	vst v63  }
0x2b6: {  	_ = 	snop  }
0x2b7: {  	[tilespmem:s19], [sflag:$0x1] =	stream.linear.gather [hbm4b:s15+s4], $0x2000, $0x38;
	[tilespmem:$0x1A000] =	vst v63  }
0x2b8: {  	_ =	swait.ge [sflag:s12], $0x2000  }
0x2b9: {  	[sflag:s12] =	ssyncset.done $0x0  }
0x2ba: {  	[sflag:s12] =	ssyncadd.s32 $0xFFFFE000  }
0x2bb: {  	_ =	swait.ge [sflag:s12], $0x2000  }
0x2bc: {  	[sflag:s12] =	ssyncset.done $0x0  }
0x2bd: {  	[sflag:s12] =	ssyncadd.s32 $0xFFFFE000  }
0x2be: {  	[spmem:s2] =	stream.indirect.scatter [tilespmem:s10], [sflag:$0x3], $0x1, s8, s19, $0xb8;
	[tilespmem:$0x1A000] =	vst v63  }
0x2bf: {  	_ =	swait.ge [sflag:s1], $0x2000  }
0x2c0: {  	[sflag:s1] =	ssyncset.done $0x0  }
0x2c1: {  	s16 =	sld [smem:$0x7E9];
	[sflag:s1] =	ssyncadd.s32 $0xFFFFE000  }
0x2c2: {  	[tilespmem:s8], [sflag:$0x2] =	stream.linear.gather [hbm4b:s31+s4], $0x2000, $0x38;
	[tilespmem:$0x1A000] =	vst v63  }
0x2c3: {  	_ = 	snop  }
0x2c4: {  	[tilespmem:s10], [sflag:$0x2] =	stream.linear.gather [hbm4b:s16+s4], $0x2000, $0x38;
	[tilespmem:$0x1A000] =	vst v63  }
0x2c5: {  	_ =	swait.ge [sflag:s11], $0x2000  }
0x2c6: {  	[sflag:s11] =	ssyncset.done $0x0  }
0x2c7: {  	[sflag:s11] =	ssyncadd.s32 $0xFFFFE000  }
0x2c8: {  	_ =	swait.ge [sflag:s11], $0x2000  }
0x2c9: {  	[sflag:s11] =	ssyncset.done $0x0  }
0x2ca: {  	[sflag:s11] =	ssyncadd.s32 $0xFFFFE000  }
0x2cb: {  	[spmem:s2] =	stream.indirect.scatter [tilespmem:s19], [sflag:$0x3], $0x1, s4, s19, $0xb8;
	[tilespmem:$0x1A000] =	vst v63  }
0x2cc: {  	_ =	swait.ge [sflag:s1], $0x2000  }
0x2cd: {  	[sflag:s1] =	ssyncset.done $0x0  }
0x2ce: {  	s15 =	sld [smem:$0x7EA];
	[sflag:s1] =	ssyncadd.s32 $0xFFFFE000  }
0x2cf: {  	[tilespmem:s4], [sflag:$0x1] =	stream.linear.gather [hbm4b:s0+s4], $0x2000, $0x38;
	[tilespmem:$0x1A000] =	vst v63  }
0x2d0: {  	_ = 	snop  }
0x2d1: {  	[tilespmem:s19], [sflag:$0x1] =	stream.linear.gather [hbm4b:s15+s4], $0x2000, $0x38;
	[tilespmem:$0x1A000] =	vst v63  }
0x2d2: {  	_ =	swait.ge [sflag:s12], $0x2000  }
0x2d3: {  	[sflag:s12] =	ssyncset.done $0x0  }
0x2d4: {  	[sflag:s12] =	ssyncadd.s32 $0xFFFFE000  }
0x2d5: {  	_ =	swait.ge [sflag:s12], $0x2000  }
0x2d6: {  	[sflag:s12] =	ssyncset.done $0x0  }
0x2d7: {  	[sflag:s12] =	ssyncadd.s32 $0xFFFFE000  }
0x2d8: {  	[spmem:s2] =	stream.indirect.scatter [tilespmem:s10], [sflag:$0x3], $0x1, s8, s19, $0xb8;
	[tilespmem:$0x1A000] =	vst v63  }
0x2d9: {  	_ =	swait.ge [sflag:s1], $0x2000  }
0x2da: {  	[sflag:s1] =	ssyncset.done $0x0  }
0x2db: {  	s16 =	sld [smem:$0x7EB];
	[sflag:s1] =	ssyncadd.s32 $0xFFFFE000  }
0x2dc: {  	[tilespmem:s8], [sflag:$0x2] =	stream.linear.gather [hbm4b:s7+s4], $0x2000, $0x38;
	[tilespmem:$0x1A000] =	vst v63  }
0x2dd: {  	_ = 	snop  }
0x2de: {  	[tilespmem:s10], [sflag:$0x2] =	stream.linear.gather [hbm4b:s16+s4], $0x2000, $0x38;
	[tilespmem:$0x1A000] =	vst v63  }
0x2df: {  	_ =	swait.ge [sflag:s11], $0x2000  }
0x2e0: {  	[sflag:s11] =	ssyncset.done $0x0  }
0x2e1: {  	[sflag:s11] =	ssyncadd.s32 $0xFFFFE000  }
0x2e2: {  	_ =	swait.ge [sflag:s11], $0x2000  }
0x2e3: {  	[sflag:s11] =	ssyncset.done $0x0  }
0x2e4: {  	[sflag:s11] =	ssyncadd.s32 $0xFFFFE000  }
0x2e5: {  	[spmem:s2] =	stream.indirect.scatter [tilespmem:s19], [sflag:$0x3], $0x1, s4, s19, $0xb8;
	[tilespmem:$0x1A000] =	vst v63  }
0x2e6: {  	_ =	swait.ge [sflag:s1], $0x2000  }
0x2e7: {  	[sflag:s1] =	ssyncset.done $0x0  }
0x2e8: {  	[sflag:s1] =	ssyncadd.s32 $0xFFFFE000  }
0x2e9: {  	_ =	swait.ge [sflag:s12], $0x2000  }
0x2ea: {  	[sflag:s12] =	ssyncset.done $0x0  }
0x2eb: {  	[sflag:s12] =	ssyncadd.s32 $0xFFFFE000  }
0x2ec: {  	_ =	swait.ge [sflag:s12], $0x2000  }
0x2ed: {  	[sflag:s12] =	ssyncset.done $0x0  }
0x2ee: {  	[sflag:s12] =	ssyncadd.s32 $0xFFFFE000  }
0x2ef: {  	[spmem:s2] =	stream.indirect.scatter [tilespmem:s10], [sflag:$0x3], $0x1, s8, s19, $0xb8;
	[tilespmem:$0x1A000] =	vst v63  }
0x2f0: {  	_ =	swait.ge [sflag:s1], $0x2000  }
0x2f1: {  	[sflag:s1] =	ssyncset.done $0x0  }
0x2f2: {  	[sflag:s1] =	ssyncadd.s32 $0xFFFFE000  }
.LBB2_9:
.Ltmp7:
0x2f3: {  	(pc) =	sbr.rel @p1 .LBB2_11-.Ltmp7, $3  }
0x2f4: {  	_ =	sdelay $0x1  }
0x2f5: {  	[bflag:$0x0] =	sbarrier.arrive $0xFFFF  }
0x2f6: {  	p5 =	por p0, p0  }
.LBB2_10:
0x2f7: {  	s15 =	stileid.u32  }
0x2f8: {  	s15 =	sshll.u32 s15, $0x6  }
0x2f9: {  	s16 =	sshrl.u32 s9, $0x3;
	s5 =	rddreg [dreg:$0x11];
	s15 =	sor.u32 $0x1C03, s15  }
0x2fa: {  	[hbm:s5], [sflag:s15] =	dma.local [spmem:s16], $0x1000  }
0x2fb: {  	_ =	swait.ge [sflag:s1], $0x1000  }
0x2fc: {  	s5 =	sld [smem:$0x7FB]  }
0x2fd: {  	[sflag:s1] =	ssyncset.done $0x0  }
0x2fe: {  	s16 =	sshrl.u32 s13, $0x3;
	[sflag:s1] =	ssyncadd.s32 $0xFFFFF000  }
0x2ff: {  	[hbm:s5], [sflag:s15] =	dma.local [spmem:s16], $0x1000  }
.Ltmp8:
0x300: {  	_ = 	snop;
	(pc) =	sbr.rel @p5 .LBB2_12-.Ltmp8, $4  }
.Ltmp9:
0x301: {  	_ = 	snop;
	(pc) =	sbr.rel @!p5 .LBB2_13-.Ltmp9, $4  }
0x302: {  	_ =	swait.ge [sflag:s1], $0x1000  }
0x303: {  	[sflag:s1] =	ssyncset.done $0x0  }
0x304: {  	[sflag:s1] =	ssyncadd.s32 $0xFFFFF000  }
0x305: {  	_ = 	snop  }
.LBB2_11:
.Ltmp10:
0x306: {  	(pc) =	sbr.rel @!p0 .LBB2_13-.Ltmp10, $4  }
.Ltmp11:
0x307: {  	(pc) =	sbr.rel @p0 .LBB2_12-.Ltmp11, $4  }
0x308: {  	_ = 	snop  }
0x309: {  	_ = 	snop  }
0x30a: {  	_ = 	snop  }
0x30b: {  	_ = 	snop  }
.LBB2_14:
0x30c: {  	_ =	sfence.sel $0x180000  }
0x30d: {  	[bflag:$0x0] =	sbarrier.arrive $0xFFFF  }
0x30e: {  	_ =	strace $0x90000047  }
0x30f: {  	s0 =	stileid.u32;
	[bflag:$0x2] =	sbarrier.arrive $0xFFFF  }
0x310: {  	p0 =	sne.s32 s0, $0x0;
	s0 =	rddreg [dreg:$0x5]  }
0x311: {  	s0 =	sadd.s32 @!p0 $0x100000, s0  }
0x312: {  	[sflag:s0] =	ssyncadd.tile.s32 @!p0 $0x1;
	_ =	shalt  }
.Lfunc_end2:
_tile_overlayer_lowered:
.L_overlay_start_2:
0x313: {  	(tag) =	ssettag $0x2  }
0x314: {  	s0 =	rddreg [dreg:$0x0];
	s2 =	stileid.u32  }
0x315: {  	s1 =	rddreg [dreg:$0x1];
	p0 =	sne.s32 s2, $0x0  }
0x316: {  	s3 =	rddreg [dreg:$0x2];
	[bflag:$0x3] =	sbarrier.arrive $0xFFFF;
	s2 =	simm.s32 @!p0 $0x1C03  }
0x317: {  	[timem:s3], [sflag:s2] =	dma.local @!p0 [hbm:s0], s1  }
0x318: {  	s0 =	simm.s32 @!p0 $0x3  }
0x319: {  	_ =	swait.ge @!p0 [sflag:s0], s1  }
0x31a: {  	s1 =	ssub.s32 @!p0 $0x0, s1;
	[sflag:s0] =	ssyncset.done @!p0 $0x0  }
0x31b: {  	[sflag:s0] =	ssyncadd.s32 @!p0 s1  }
0x31c: {  	[bflag:$0x3] =	sbarrier.arrive $0xFFFF  }
0x31d: {  	_ =	shalt  }

</sc_bundles>
